<compile_context>
chip_gen: v7x
topology: tpu7x:2x2x1
jax: 0.10.2.dev20260603
libtpu: 0.0.44.dev20260713+nightly
codegen_flags: <defaults>
</compile_context>

<pallas_src>
import functools

import jax
import jax.numpy as jnp
from jax import lax
from jax.experimental import pallas as pl
from jax.experimental.pallas import tpu as pltpu
from jax.experimental.pallas import tpu_sc as plsc


def _build(batch: int, seq: int, hid: int):
    info = plsc.get_sparse_core_info()
    nc, ns, nl = info.num_cores, info.num_subcores, info.num_lanes
    nw = nc * ns
    bw = batch // nw
    assert batch == nw * bw and bw == 128
    nth = hid // 8
    assert hid == nth * 8 and nl == 16
    SC = 2
    assert seq % SC == 0

    mesh = plsc.VectorSubcoreMesh(core_axis_name="c", subcore_axis_name="s")

    @functools.partial(
        pl.kernel,
        mesh=mesh,
        compiler_params=pltpu.CompilerParams(
            use_tc_tiling_on_sc=False, needs_layout_passes=False
        ),
        out_type=jax.ShapeDtypeStruct((seq, nth, nw, 8, 128), jnp.float32),
        scratch_types=[
            pltpu.VMEM((bw, seq), jnp.int32),
            pltpu.VMEM((seq, hid), jnp.float32),
            pltpu.VMEM((3, SC * bw), jnp.int32),
            pltpu.VMEM((3, SC * bw, hid), jnp.float32),
            pltpu.VMEM((2, SC, nth, 8, 129), jnp.float32),
            pltpu.SemaphoreType.DMA,
            pltpu.SemaphoreType.DMA,
        ],
    )
    def emb_lookup(x_hbm, emb_hbm, pos_hbm, out_hbm,
                   xblk, pos_v, idx_v, rows_v, tile_v, gsem, osem):
        wid = lax.axis_index("s") * nc + lax.axis_index("c")
        pltpu.sync_copy(x_hbm.at[pl.ds(wid * bw, bw)], xblk)
        pltpu.sync_copy(pos_hbm, pos_v)

        iota = lax.iota(jnp.int32, 16)
        nstages = seq // SC
        zero16 = iota * 0
        hvecs = [iota + h0 for h0 in range(0, hid, 16)]

        def start_stage(g, buf):
            for k in range(SC):
                s = g * SC + k
                col = jnp.full((16,), s, jnp.int32)
                for i in range(bw // 16):
                    rows = iota + (i * 16)
                    idx_v[buf, pl.ds(k * bw + i * 16, 16)] = plsc.load_gather(
                        xblk, [rows, col]
                    )
            pltpu.async_copy(
                emb_hbm.at[idx_v.at[buf]], rows_v.at[buf], gsem
            )

        def wait_gathers(buf):
            pltpu.make_async_copy(
                emb_hbm.at[idx_v.at[buf]], rows_v.at[buf], gsem
            ).wait()

        start_stage(0, 0)
        start_stage(1, 1)

        def body(g, carry):
            p = lax.rem(g, 3)
            pt = lax.rem(g, 2)

            @pl.when(g + 2 < nstages)
            def _():
                start_stage(g + 2, lax.rem(g + 2, 3))

            wait_gathers(p)

            @pl.when(g >= 2)
            def _():
                pltpu.make_async_copy(
                    tile_v.at[0, :, :, :, pl.ds(0, 128)],
                    out_hbm.at[pl.ds(0, SC), :, wid],
                    osem,
                ).wait()

            for k in range(SC):
                s = g * SC + k
                pvs = [pos_v[s, pl.ds(h0, 16)] for h0 in range(0, hid, 16)]

                def tloop(lt, carry2):
                    lane0 = jnp.full((16,), lt * 16, jnp.int32)
                    for li in range(16):
                        l = lt * 16 + li
                        lane = lane0 + li
                        for j in range(hid // 16):
                            val = (
                                rows_v[p, k * bw + l, pl.ds(j * 16, 16)]
                                + pvs[j]
                            )
                            plsc.store_scatter(
                                tile_v.at[pt, k],
                                [zero16, hvecs[j], lane],
                                val,
                            )
                    return carry2

                lax.fori_loop(0, bw // 16, tloop, 0)

            pltpu.async_copy(
                tile_v.at[pt, :, :, :, pl.ds(0, 128)],
                out_hbm.at[pl.ds(g * SC, SC), :, wid],
                osem,
            )
            return carry

        lax.fori_loop(0, nstages, body, 0)
        for _ in range(2):
            pltpu.make_async_copy(
                tile_v.at[0, :, :, :, pl.ds(0, 128)],
                out_hbm.at[pl.ds(0, SC), :, wid],
                osem,
            ).wait()

    return emb_lookup, nth, nw


def kernel(x, emb, pos_emb):
    b, s = x.shape
    hid = emb.shape[1]
    fn, nth, nw = _build(b, s, hid)
    out6 = fn(x.astype(jnp.int32), emb, pos_emb)
    return out6.transpose(2, 4, 0, 1, 3).reshape(b, s, hid)

# --- scband reference (transcript-rebuilt; emitter-appended) ---
"""Pipeline reference for scband-token-embedding-20014547599703 (READ-ONLY COPY).

The authoritative reference and input builder live on the scoring server;
editing this copy changes nothing except your own understanding.
"""

import jax, jax.numpy as jnp
import numpy as np

NUM_VOCAB = 1000000
MAXLEN = 200
NUM_HID = 32
BATCH = 4096
SEQ = 200


def setup_inputs(seed: int = 0) -> dict:
    key = jax.random.key(seed)
    k1, k2, k3 = jax.random.split(key, 3)
    x = jax.random.randint(k1, (BATCH, SEQ), 0, NUM_VOCAB, dtype=jnp.int64 if jax.config.jax_enable_x64 else jnp.int32)
    emb = jax.random.normal(k2, (NUM_VOCAB, NUM_HID), dtype=jnp.float32)
    pos_emb = jax.random.normal(k3, (MAXLEN, NUM_HID), dtype=jnp.float32)
    return {"x": x, "emb": emb, "pos_emb": pos_emb}


def reference(x, emb, pos_emb):
    maxlen = x.shape[-1]
    tok = jnp.take(emb, x, axis=0)              # gather: [B, S, H]
    positions = jnp.arange(0, maxlen, 1)
    pos = jnp.take(pos_emb, positions, axis=0)  # gather: [S, H]
    return tok + pos

if __name__ == "__main__":
    import jax
    _d = setup_inputs()
    print(jax.jit(kernel)(*tuple(_d.values())))

</pallas_src>

<mosaic_0001>
#map = affine_map<(d0, d1) -> (0, 0)>
#map1 = affine_map<(d0, d1) -> (0, 0, 0, 0, 0)>
module attributes {stable_mosaic.version = 14 : i64} {
  func.func @emb_lookup(%arg0: i32, %arg1: i32, %arg2: memref<4096x200xi32, #tpu.memory_space<hbm>>, %arg3: memref<1000000x32xf32, #tpu.memory_space<hbm>>, %arg4: memref<200x32xf32, #tpu.memory_space<hbm>>, %arg5: memref<200x4x32x8x128xf32, #tpu.memory_space<hbm>>, %arg6: memref<128x200xi32, #tpu.memory_space<vmem>>, %arg7: memref<200x32xf32, #tpu.memory_space<vmem>>, %arg8: memref<3x256xi32, #tpu.memory_space<vmem>>, %arg9: memref<3x256x32xf32, #tpu.memory_space<vmem>>, %arg10: memref<2x2x4x8x129xf32, #tpu.memory_space<vmem>>, %arg11: memref<!tpu.dma_semaphore, #tpu.memory_space<semaphore_mem>>, %arg12: memref<!tpu.dma_semaphore, #tpu.memory_space<semaphore_mem>>) attributes {dimension_semantics = [#tpu.dimension_semantics<core_parallel>, #tpu.dimension_semantics<subcore_parallel>], iteration_bounds = array<i64: 2, 16>, scalar_prefetch = 0 : i64, scratch_operands = 7 : i64, tpu.core_type = #tpu.core_type<sc_vector_subcore>, window_params = [{transform_indices = #map}, {transform_indices = #map}, {transform_indices = #map}, {transform_indices = #map1}]} {
    %mul3A = arith.constant 2 : i32
    %mul3A_0 = arith.muli %arg1, %mul3A : i32
    %add3A = arith.addi %mul3A_0, %arg0 : i32
    %mul3A_1 = arith.constant 128 : i32
    %mul3A_2 = arith.muli %add3A, %mul3A_1 : i32
    "tpu.region"() ({
      %run_scoped3A = tpu.sem_alloc : memref<!tpu.dma_semaphore, #tpu.memory_space<semaphore_mem>>
      %dma_start3A_350 = arith.constant 0 : i32
      %dma_start3A_351 = tpu.memref_slice %arg2[%mul3A_2, %dma_start3A_350] : memref<4096x200xi32, #tpu.memory_space<hbm>> -> memref<128x200xi32, #tpu.memory_space<hbm>>
      %dma_start3A_352 = arith.constant 0 : i32
      %dma_start3A_353 = tpu.memref_slice %arg2[%mul3A_2, %dma_start3A_352] : memref<4096x200xi32, #tpu.memory_space<hbm>> -> memref<128x200xi32, #tpu.memory_space<hbm>>
      tpu.enqueue_dma source(%dma_start3A_353 : memref<128x200xi32, #tpu.memory_space<hbm>>) target(%arg6 : memref<128x200xi32, #tpu.memory_space<vmem>>) target_semaphore(%run_scoped3A : memref<!tpu.dma_semaphore, #tpu.memory_space<semaphore_mem>>)
      %dma_wait3A_354 = arith.constant 0 : i32
      %dma_wait3A_355 = tpu.memref_slice %arg2[%mul3A_2, %dma_wait3A_354] : memref<4096x200xi32, #tpu.memory_space<hbm>> -> memref<128x200xi32, #tpu.memory_space<hbm>>
      %dma_wait3A_356 = arith.constant 0 : i32
      %dma_wait3A_357 = tpu.memref_slice %arg2[%mul3A_2, %dma_wait3A_356] : memref<4096x200xi32, #tpu.memory_space<hbm>> -> memref<128x200xi32, #tpu.memory_space<hbm>>
      tpu.wait_dma2 semaphore(%run_scoped3A : memref<!tpu.dma_semaphore, #tpu.memory_space<semaphore_mem>>) src(%dma_wait3A_357 : memref<128x200xi32, #tpu.memory_space<hbm>>) dst(%arg6 : memref<128x200xi32, #tpu.memory_space<vmem>>)
      tpu.yield
    }) : () -> ()
    "tpu.region"() ({
      %run_scoped3A = tpu.sem_alloc : memref<!tpu.dma_semaphore, #tpu.memory_space<semaphore_mem>>
      tpu.enqueue_dma source(%arg4 : memref<200x32xf32, #tpu.memory_space<hbm>>) target(%arg7 : memref<200x32xf32, #tpu.memory_space<vmem>>) target_semaphore(%run_scoped3A : memref<!tpu.dma_semaphore, #tpu.memory_space<semaphore_mem>>)
      tpu.wait_dma2 semaphore(%run_scoped3A : memref<!tpu.dma_semaphore, #tpu.memory_space<semaphore_mem>>) src(%arg4 : memref<200x32xf32, #tpu.memory_space<hbm>>) dst(%arg7 : memref<200x32xf32, #tpu.memory_space<vmem>>)
      tpu.yield
    }) : () -> ()
    %iota3A = tpu.iota {dimensions = array<i32: 0>} : vector<16xi32>
    %mul3A_3 = arith.constant 0 : i32
    %mul3A_4 = vector.broadcast %mul3A_3 : i32 to vector<16xi32>
    %mul3A_5 = arith.muli %iota3A, %mul3A_4 : vector<16xi32>
    %add3A_6 = arith.constant 0 : i32
    %add3A_7 = vector.broadcast %add3A_6 : i32 to vector<16xi32>
    %add3A_8 = arith.addi %iota3A, %add3A_7 : vector<16xi32>
    %add3A_9 = arith.constant 16 : i32
    %add3A_10 = vector.broadcast %add3A_9 : i32 to vector<16xi32>
    %add3A_11 = arith.addi %iota3A, %add3A_10 : vector<16xi32>
    %broadcast_in_dim3A = arith.constant 0 : i32
    %broadcast_in_dim3A_12 = vector.broadcast %broadcast_in_dim3A : i32 to vector<16xi32>
    %add3A_13 = arith.constant 0 : i32
    %add3A_14 = vector.broadcast %add3A_13 : i32 to vector<16xi32>
    %add3A_15 = arith.addi %iota3A, %add3A_14 : vector<16xi32>
    %gather3A = tpu.vector_load_idx %arg6[%add3A_15, %broadcast_in_dim3A_12] : memref<128x200xi32, #tpu.memory_space<vmem>>[vector<16xi32>, vector<16xi32>], vector<16xi32>,
    %swap3A = arith.constant 0 : i32
    %swap3A_16 = arith.index_cast %swap3A : i32 to index
    %swap3A_17 = arith.constant 0 : index
    %swap3A_18 = tpu.vector_load %arg8[%swap3A_16, %swap3A_17] {strides = array<i32>} : memref<3x256xi32, #tpu.memory_space<vmem>>, vector<16xi32>,
    tpu.vector_store %arg8[%swap3A_16, %swap3A_17], %gather3A {strides = array<i32>} : memref<3x256xi32, #tpu.memory_space<vmem>>, vector<16xi32>,
    %add3A_19 = arith.constant 16 : i32
    %add3A_20 = vector.broadcast %add3A_19 : i32 to vector<16xi32>
    %add3A_21 = arith.addi %iota3A, %add3A_20 : vector<16xi32>
    %gather3A_22 = tpu.vector_load_idx %arg6[%add3A_21, %broadcast_in_dim3A_12] : memref<128x200xi32, #tpu.memory_space<vmem>>[vector<16xi32>, vector<16xi32>], vector<16xi32>,
    %swap3A_23 = arith.constant 0 : i32
    %swap3A_24 = arith.index_cast %swap3A_23 : i32 to index
    %swap3A_25 = arith.constant 16 : index
    %swap3A_26 = tpu.vector_load %arg8[%swap3A_24, %swap3A_25] {strides = array<i32>} : memref<3x256xi32, #tpu.memory_space<vmem>>, vector<16xi32>,
    tpu.vector_store %arg8[%swap3A_24, %swap3A_25], %gather3A_22 {strides = array<i32>} : memref<3x256xi32, #tpu.memory_space<vmem>>, vector<16xi32>,
    %add3A_27 = arith.constant 32 : i32
    %add3A_28 = vector.broadcast %add3A_27 : i32 to vector<16xi32>
    %add3A_29 = arith.addi %iota3A, %add3A_28 : vector<16xi32>
    %gather3A_30 = tpu.vector_load_idx %arg6[%add3A_29, %broadcast_in_dim3A_12] : memref<128x200xi32, #tpu.memory_space<vmem>>[vector<16xi32>, vector<16xi32>], vector<16xi32>,
    %swap3A_31 = arith.constant 0 : i32
    %swap3A_32 = arith.index_cast %swap3A_31 : i32 to index
    %swap3A_33 = arith.constant 32 : index
    %swap3A_34 = tpu.vector_load %arg8[%swap3A_32, %swap3A_33] {strides = array<i32>} : memref<3x256xi32, #tpu.memory_space<vmem>>, vector<16xi32>,
    tpu.vector_store %arg8[%swap3A_32, %swap3A_33], %gather3A_30 {strides = array<i32>} : memref<3x256xi32, #tpu.memory_space<vmem>>, vector<16xi32>,
    %add3A_35 = arith.constant 48 : i32
    %add3A_36 = vector.broadcast %add3A_35 : i32 to vector<16xi32>
    %add3A_37 = arith.addi %iota3A, %add3A_36 : vector<16xi32>
    %gather3A_38 = tpu.vector_load_idx %arg6[%add3A_37, %broadcast_in_dim3A_12] : memref<128x200xi32, #tpu.memory_space<vmem>>[vector<16xi32>, vector<16xi32>], vector<16xi32>,
    %swap3A_39 = arith.constant 0 : i32
    %swap3A_40 = arith.index_cast %swap3A_39 : i32 to index
    %swap3A_41 = arith.constant 48 : index
    %swap3A_42 = tpu.vector_load %arg8[%swap3A_40, %swap3A_41] {strides = array<i32>} : memref<3x256xi32, #tpu.memory_space<vmem>>, vector<16xi32>,
    tpu.vector_store %arg8[%swap3A_40, %swap3A_41], %gather3A_38 {strides = array<i32>} : memref<3x256xi32, #tpu.memory_space<vmem>>, vector<16xi32>,
    %add3A_43 = arith.constant 64 : i32
    %add3A_44 = vector.broadcast %add3A_43 : i32 to vector<16xi32>
    %add3A_45 = arith.addi %iota3A, %add3A_44 : vector<16xi32>
    %gather3A_46 = tpu.vector_load_idx %arg6[%add3A_45, %broadcast_in_dim3A_12] : memref<128x200xi32, #tpu.memory_space<vmem>>[vector<16xi32>, vector<16xi32>], vector<16xi32>,
    %swap3A_47 = arith.constant 0 : i32
    %swap3A_48 = arith.index_cast %swap3A_47 : i32 to index
    %swap3A_49 = arith.constant 64 : index
    %swap3A_50 = tpu.vector_load %arg8[%swap3A_48, %swap3A_49] {strides = array<i32>} : memref<3x256xi32, #tpu.memory_space<vmem>>, vector<16xi32>,
    tpu.vector_store %arg8[%swap3A_48, %swap3A_49], %gather3A_46 {strides = array<i32>} : memref<3x256xi32, #tpu.memory_space<vmem>>, vector<16xi32>,
    %add3A_51 = arith.constant 80 : i32
    %add3A_52 = vector.broadcast %add3A_51 : i32 to vector<16xi32>
    %add3A_53 = arith.addi %iota3A, %add3A_52 : vector<16xi32>
    %gather3A_54 = tpu.vector_load_idx %arg6[%add3A_53, %broadcast_in_dim3A_12] : memref<128x200xi32, #tpu.memory_space<vmem>>[vector<16xi32>, vector<16xi32>], vector<16xi32>,
    %swap3A_55 = arith.constant 0 : i32
    %swap3A_56 = arith.index_cast %swap3A_55 : i32 to index
    %swap3A_57 = arith.constant 80 : index
    %swap3A_58 = tpu.vector_load %arg8[%swap3A_56, %swap3A_57] {strides = array<i32>} : memref<3x256xi32, #tpu.memory_space<vmem>>, vector<16xi32>,
    tpu.vector_store %arg8[%swap3A_56, %swap3A_57], %gather3A_54 {strides = array<i32>} : memref<3x256xi32, #tpu.memory_space<vmem>>, vector<16xi32>,
    %add3A_59 = arith.constant 96 : i32
    %add3A_60 = vector.broadcast %add3A_59 : i32 to vector<16xi32>
    %add3A_61 = arith.addi %iota3A, %add3A_60 : vector<16xi32>
    %gather3A_62 = tpu.vector_load_idx %arg6[%add3A_61, %broadcast_in_dim3A_12] : memref<128x200xi32, #tpu.memory_space<vmem>>[vector<16xi32>, vector<16xi32>], vector<16xi32>,
    %swap3A_63 = arith.constant 0 : i32
    %swap3A_64 = arith.index_cast %swap3A_63 : i32 to index
    %swap3A_65 = arith.constant 96 : index
    %swap3A_66 = tpu.vector_load %arg8[%swap3A_64, %swap3A_65] {strides = array<i32>} : memref<3x256xi32, #tpu.memory_space<vmem>>, vector<16xi32>,
    tpu.vector_store %arg8[%swap3A_64, %swap3A_65], %gather3A_62 {strides = array<i32>} : memref<3x256xi32, #tpu.memory_space<vmem>>, vector<16xi32>,
    %add3A_67 = arith.constant 112 : i32
    %add3A_68 = vector.broadcast %add3A_67 : i32 to vector<16xi32>
    %add3A_69 = arith.addi %iota3A, %add3A_68 : vector<16xi32>
    %gather3A_70 = tpu.vector_load_idx %arg6[%add3A_69, %broadcast_in_dim3A_12] : memref<128x200xi32, #tpu.memory_space<vmem>>[vector<16xi32>, vector<16xi32>], vector<16xi32>,
    %swap3A_71 = arith.constant 0 : i32
    %swap3A_72 = arith.index_cast %swap3A_71 : i32 to index
    %swap3A_73 = arith.constant 112 : index
    %swap3A_74 = tpu.vector_load %arg8[%swap3A_72, %swap3A_73] {strides = array<i32>} : memref<3x256xi32, #tpu.memory_space<vmem>>, vector<16xi32>,
    tpu.vector_store %arg8[%swap3A_72, %swap3A_73], %gather3A_70 {strides = array<i32>} : memref<3x256xi32, #tpu.memory_space<vmem>>, vector<16xi32>,
    %broadcast_in_dim3A_75 = arith.constant 1 : i32
    %broadcast_in_dim3A_76 = vector.broadcast %broadcast_in_dim3A_75 : i32 to vector<16xi32>
    %add3A_77 = arith.constant 0 : i32
    %add3A_78 = vector.broadcast %add3A_77 : i32 to vector<16xi32>
    %add3A_79 = arith.addi %iota3A, %add3A_78 : vector<16xi32>
    %gather3A_80 = tpu.vector_load_idx %arg6[%add3A_79, %broadcast_in_dim3A_76] : memref<128x200xi32, #tpu.memory_space<vmem>>[vector<16xi32>, vector<16xi32>], vector<16xi32>,
    %swap3A_81 = arith.constant 0 : i32
    %swap3A_82 = arith.index_cast %swap3A_81 : i32 to index
    %swap3A_83 = arith.constant 128 : index
    %swap3A_84 = tpu.vector_load %arg8[%swap3A_82, %swap3A_83] {strides = array<i32>} : memref<3x256xi32, #tpu.memory_space<vmem>>, vector<16xi32>,
    tpu.vector_store %arg8[%swap3A_82, %swap3A_83], %gather3A_80 {strides = array<i32>} : memref<3x256xi32, #tpu.memory_space<vmem>>, vector<16xi32>,
    %add3A_85 = arith.constant 16 : i32
    %add3A_86 = vector.broadcast %add3A_85 : i32 to vector<16xi32>
    %add3A_87 = arith.addi %iota3A, %add3A_86 : vector<16xi32>
    %gather3A_88 = tpu.vector_load_idx %arg6[%add3A_87, %broadcast_in_dim3A_76] : memref<128x200xi32, #tpu.memory_space<vmem>>[vector<16xi32>, vector<16xi32>], vector<16xi32>,
    %swap3A_89 = arith.constant 0 : i32
    %swap3A_90 = arith.index_cast %swap3A_89 : i32 to index
    %swap3A_91 = arith.constant 144 : index
    %swap3A_92 = tpu.vector_load %arg8[%swap3A_90, %swap3A_91] {strides = array<i32>} : memref<3x256xi32, #tpu.memory_space<vmem>>, vector<16xi32>,
    tpu.vector_store %arg8[%swap3A_90, %swap3A_91], %gather3A_88 {strides = array<i32>} : memref<3x256xi32, #tpu.memory_space<vmem>>, vector<16xi32>,
    %add3A_93 = arith.constant 32 : i32
    %add3A_94 = vector.broadcast %add3A_93 : i32 to vector<16xi32>
    %add3A_95 = arith.addi %iota3A, %add3A_94 : vector<16xi32>
    %gather3A_96 = tpu.vector_load_idx %arg6[%add3A_95, %broadcast_in_dim3A_76] : memref<128x200xi32, #tpu.memory_space<vmem>>[vector<16xi32>, vector<16xi32>], vector<16xi32>,
    %swap3A_97 = arith.constant 0 : i32
    %swap3A_98 = arith.index_cast %swap3A_97 : i32 to index
    %swap3A_99 = arith.constant 160 : index
    %swap3A_100 = tpu.vector_load %arg8[%swap3A_98, %swap3A_99] {strides = array<i32>} : memref<3x256xi32, #tpu.memory_space<vmem>>, vector<16xi32>,
    tpu.vector_store %arg8[%swap3A_98, %swap3A_99], %gather3A_96 {strides = array<i32>} : memref<3x256xi32, #tpu.memory_space<vmem>>, vector<16xi32>,
    %add3A_101 = arith.constant 48 : i32
    %add3A_102 = vector.broadcast %add3A_101 : i32 to vector<16xi32>
    %add3A_103 = arith.addi %iota3A, %add3A_102 : vector<16xi32>
    %gather3A_104 = tpu.vector_load_idx %arg6[%add3A_103, %broadcast_in_dim3A_76] : memref<128x200xi32, #tpu.memory_space<vmem>>[vector<16xi32>, vector<16xi32>], vector<16xi32>,
    %swap3A_105 = arith.constant 0 : i32
    %swap3A_106 = arith.index_cast %swap3A_105 : i32 to index
    %swap3A_107 = arith.constant 176 : index
    %swap3A_108 = tpu.vector_load %arg8[%swap3A_106, %swap3A_107] {strides = array<i32>} : memref<3x256xi32, #tpu.memory_space<vmem>>, vector<16xi32>,
    tpu.vector_store %arg8[%swap3A_106, %swap3A_107], %gather3A_104 {strides = array<i32>} : memref<3x256xi32, #tpu.memory_space<vmem>>, vector<16xi32>,
    %add3A_109 = arith.constant 64 : i32
    %add3A_110 = vector.broadcast %add3A_109 : i32 to vector<16xi32>
    %add3A_111 = arith.addi %iota3A, %add3A_110 : vector<16xi32>
    %gather3A_112 = tpu.vector_load_idx %arg6[%add3A_111, %broadcast_in_dim3A_76] : memref<128x200xi32, #tpu.memory_space<vmem>>[vector<16xi32>, vector<16xi32>], vector<16xi32>,
    %swap3A_113 = arith.constant 0 : i32
    %swap3A_114 = arith.index_cast %swap3A_113 : i32 to index
    %swap3A_115 = arith.constant 192 : index
    %swap3A_116 = tpu.vector_load %arg8[%swap3A_114, %swap3A_115] {strides = array<i32>} : memref<3x256xi32, #tpu.memory_space<vmem>>, vector<16xi32>,
    tpu.vector_store %arg8[%swap3A_114, %swap3A_115], %gather3A_112 {strides = array<i32>} : memref<3x256xi32, #tpu.memory_space<vmem>>, vector<16xi32>,
    %add3A_117 = arith.constant 80 : i32
    %add3A_118 = vector.broadcast %add3A_117 : i32 to vector<16xi32>
    %add3A_119 = arith.addi %iota3A, %add3A_118 : vector<16xi32>
    %gather3A_120 = tpu.vector_load_idx %arg6[%add3A_119, %broadcast_in_dim3A_76] : memref<128x200xi32, #tpu.memory_space<vmem>>[vector<16xi32>, vector<16xi32>], vector<16xi32>,
    %swap3A_121 = arith.constant 0 : i32
    %swap3A_122 = arith.index_cast %swap3A_121 : i32 to index
    %swap3A_123 = arith.constant 208 : index
    %swap3A_124 = tpu.vector_load %arg8[%swap3A_122, %swap3A_123] {strides = array<i32>} : memref<3x256xi32, #tpu.memory_space<vmem>>, vector<16xi32>,
    tpu.vector_store %arg8[%swap3A_122, %swap3A_123], %gather3A_120 {strides = array<i32>} : memref<3x256xi32, #tpu.memory_space<vmem>>, vector<16xi32>,
    %add3A_125 = arith.constant 96 : i32
    %add3A_126 = vector.broadcast %add3A_125 : i32 to vector<16xi32>
    %add3A_127 = arith.addi %iota3A, %add3A_126 : vector<16xi32>
    %gather3A_128 = tpu.vector_load_idx %arg6[%add3A_127, %broadcast_in_dim3A_76] : memref<128x200xi32, #tpu.memory_space<vmem>>[vector<16xi32>, vector<16xi32>], vector<16xi32>,
    %swap3A_129 = arith.constant 0 : i32
    %swap3A_130 = arith.index_cast %swap3A_129 : i32 to index
    %swap3A_131 = arith.constant 224 : index
    %swap3A_132 = tpu.vector_load %arg8[%swap3A_130, %swap3A_131] {strides = array<i32>} : memref<3x256xi32, #tpu.memory_space<vmem>>, vector<16xi32>,
    tpu.vector_store %arg8[%swap3A_130, %swap3A_131], %gather3A_128 {strides = array<i32>} : memref<3x256xi32, #tpu.memory_space<vmem>>, vector<16xi32>,
    %add3A_133 = arith.constant 112 : i32
    %add3A_134 = vector.broadcast %add3A_133 : i32 to vector<16xi32>
    %add3A_135 = arith.addi %iota3A, %add3A_134 : vector<16xi32>
    %gather3A_136 = tpu.vector_load_idx %arg6[%add3A_135, %broadcast_in_dim3A_76] : memref<128x200xi32, #tpu.memory_space<vmem>>[vector<16xi32>, vector<16xi32>], vector<16xi32>,
    %swap3A_137 = arith.constant 0 : i32
    %swap3A_138 = arith.index_cast %swap3A_137 : i32 to index
    %swap3A_139 = arith.constant 240 : index
    %swap3A_140 = tpu.vector_load %arg8[%swap3A_138, %swap3A_139] {strides = array<i32>} : memref<3x256xi32, #tpu.memory_space<vmem>>, vector<16xi32>,
    tpu.vector_store %arg8[%swap3A_138, %swap3A_139], %gather3A_136 {strides = array<i32>} : memref<3x256xi32, #tpu.memory_space<vmem>>, vector<16xi32>,
    %dma_start3A = arith.constant 0 : i32
    %dma_start3A_141 = arith.constant 0 : i32
    %dma_start3A_142 = arith.constant 0 : i32
    %dma_start3A_143 = arith.constant 0 : i32
    %dma_start3A_144 = tpu.memref_slice %arg9[%dma_start3A_141, %dma_start3A_142, %dma_start3A_143] : memref<3x256x32xf32, #tpu.memory_space<vmem>> -> memref<1x256x32xf32, #tpu.memory_space<vmem>>
    %dma_start3A_145 = tpu.memref_squeeze %dma_start3A_144 : memref<1x256x32xf32, #tpu.memory_space<vmem>> -> memref<256x32xf32, #tpu.memory_space<vmem>>
    %dma_start3A_146 = arith.constant 0 : i32
    %dma_start3A_147 = tpu.memref_slice %arg8[%dma_start3A, %dma_start3A_146] : memref<3x256xi32, #tpu.memory_space<vmem>> -> memref<1x256xi32, #tpu.memory_space<vmem>>
    %dma_start3A_148 = tpu.memref_squeeze %dma_start3A_147 : memref<1x256xi32, #tpu.memory_space<vmem>> -> memref<256xi32, #tpu.memory_space<vmem>>
    %dma_start3A_149 = arith.constant 0 : i32
    %dma_start3A_150 = arith.constant 0 : i32
    %dma_start3A_151 = tpu.memref_slice %arg3[%dma_start3A_149, %dma_start3A_150] : memref<1000000x32xf32, #tpu.memory_space<hbm>> -> memref<1000000x32xf32, #tpu.memory_space<hbm>>
    tpu.enqueue_indirect_dma source(%dma_start3A_151 : memref<1000000x32xf32, #tpu.memory_space<hbm>>) target(%dma_start3A_145 : memref<256x32xf32, #tpu.memory_space<vmem>>) offsets(%dma_start3A_148 : memref<256xi32, #tpu.memory_space<vmem>>) semaphore(%arg11 : memref<!tpu.dma_semaphore, #tpu.memory_space<semaphore_mem>>)
    %broadcast_in_dim3A_152 = arith.constant 2 : i32
    %broadcast_in_dim3A_153 = vector.broadcast %broadcast_in_dim3A_152 : i32 to vector<16xi32>
    %add3A_154 = arith.constant 0 : i32
    %add3A_155 = vector.broadcast %add3A_154 : i32 to vector<16xi32>
    %add3A_156 = arith.addi %iota3A, %add3A_155 : vector<16xi32>
    %gather3A_157 = tpu.vector_load_idx %arg6[%add3A_156, %broadcast_in_dim3A_153] : memref<128x200xi32, #tpu.memory_space<vmem>>[vector<16xi32>, vector<16xi32>], vector<16xi32>,
    %swap3A_158 = arith.constant 1 : i32
    %swap3A_159 = arith.index_cast %swap3A_158 : i32 to index
    %swap3A_160 = arith.constant 0 : index
    %swap3A_161 = tpu.vector_load %arg8[%swap3A_159, %swap3A_160] {strides = array<i32>} : memref<3x256xi32, #tpu.memory_space<vmem>>, vector<16xi32>,
    tpu.vector_store %arg8[%swap3A_159, %swap3A_160], %gather3A_157 {strides = array<i32>} : memref<3x256xi32, #tpu.memory_space<vmem>>, vector<16xi32>,
    %add3A_162 = arith.constant 16 : i32
    %add3A_163 = vector.broadcast %add3A_162 : i32 to vector<16xi32>
    %add3A_164 = arith.addi %iota3A, %add3A_163 : vector<16xi32>
    %gather3A_165 = tpu.vector_load_idx %arg6[%add3A_164, %broadcast_in_dim3A_153] : memref<128x200xi32, #tpu.memory_space<vmem>>[vector<16xi32>, vector<16xi32>], vector<16xi32>,
    %swap3A_166 = arith.constant 1 : i32
    %swap3A_167 = arith.index_cast %swap3A_166 : i32 to index
    %swap3A_168 = arith.constant 16 : index
    %swap3A_169 = tpu.vector_load %arg8[%swap3A_167, %swap3A_168] {strides = array<i32>} : memref<3x256xi32, #tpu.memory_space<vmem>>, vector<16xi32>,
    tpu.vector_store %arg8[%swap3A_167, %swap3A_168], %gather3A_165 {strides = array<i32>} : memref<3x256xi32, #tpu.memory_space<vmem>>, vector<16xi32>,
    %add3A_170 = arith.constant 32 : i32
    %add3A_171 = vector.broadcast %add3A_170 : i32 to vector<16xi32>
    %add3A_172 = arith.addi %iota3A, %add3A_171 : vector<16xi32>
    %gather3A_173 = tpu.vector_load_idx %arg6[%add3A_172, %broadcast_in_dim3A_153] : memref<128x200xi32, #tpu.memory_space<vmem>>[vector<16xi32>, vector<16xi32>], vector<16xi32>,
    %swap3A_174 = arith.constant 1 : i32
    %swap3A_175 = arith.index_cast %swap3A_174 : i32 to index
    %swap3A_176 = arith.constant 32 : index
    %swap3A_177 = tpu.vector_load %arg8[%swap3A_175, %swap3A_176] {strides = array<i32>} : memref<3x256xi32, #tpu.memory_space<vmem>>, vector<16xi32>,
    tpu.vector_store %arg8[%swap3A_175, %swap3A_176], %gather3A_173 {strides = array<i32>} : memref<3x256xi32, #tpu.memory_space<vmem>>, vector<16xi32>,
    %add3A_178 = arith.constant 48 : i32
    %add3A_179 = vector.broadcast %add3A_178 : i32 to vector<16xi32>
    %add3A_180 = arith.addi %iota3A, %add3A_179 : vector<16xi32>
    %gather3A_181 = tpu.vector_load_idx %arg6[%add3A_180, %broadcast_in_dim3A_153] : memref<128x200xi32, #tpu.memory_space<vmem>>[vector<16xi32>, vector<16xi32>], vector<16xi32>,
    %swap3A_182 = arith.constant 1 : i32
    %swap3A_183 = arith.index_cast %swap3A_182 : i32 to index
    %swap3A_184 = arith.constant 48 : index
    %swap3A_185 = tpu.vector_load %arg8[%swap3A_183, %swap3A_184] {strides = array<i32>} : memref<3x256xi32, #tpu.memory_space<vmem>>, vector<16xi32>,
    tpu.vector_store %arg8[%swap3A_183, %swap3A_184], %gather3A_181 {strides = array<i32>} : memref<3x256xi32, #tpu.memory_space<vmem>>, vector<16xi32>,
    %add3A_186 = arith.constant 64 : i32
    %add3A_187 = vector.broadcast %add3A_186 : i32 to vector<16xi32>
    %add3A_188 = arith.addi %iota3A, %add3A_187 : vector<16xi32>
    %gather3A_189 = tpu.vector_load_idx %arg6[%add3A_188, %broadcast_in_dim3A_153] : memref<128x200xi32, #tpu.memory_space<vmem>>[vector<16xi32>, vector<16xi32>], vector<16xi32>,
    %swap3A_190 = arith.constant 1 : i32
    %swap3A_191 = arith.index_cast %swap3A_190 : i32 to index
    %swap3A_192 = arith.constant 64 : index
    %swap3A_193 = tpu.vector_load %arg8[%swap3A_191, %swap3A_192] {strides = array<i32>} : memref<3x256xi32, #tpu.memory_space<vmem>>, vector<16xi32>,
    tpu.vector_store %arg8[%swap3A_191, %swap3A_192], %gather3A_189 {strides = array<i32>} : memref<3x256xi32, #tpu.memory_space<vmem>>, vector<16xi32>,
    %add3A_194 = arith.constant 80 : i32
    %add3A_195 = vector.broadcast %add3A_194 : i32 to vector<16xi32>
    %add3A_196 = arith.addi %iota3A, %add3A_195 : vector<16xi32>
    %gather3A_197 = tpu.vector_load_idx %arg6[%add3A_196, %broadcast_in_dim3A_153] : memref<128x200xi32, #tpu.memory_space<vmem>>[vector<16xi32>, vector<16xi32>], vector<16xi32>,
    %swap3A_198 = arith.constant 1 : i32
    %swap3A_199 = arith.index_cast %swap3A_198 : i32 to index
    %swap3A_200 = arith.constant 80 : index
    %swap3A_201 = tpu.vector_load %arg8[%swap3A_199, %swap3A_200] {strides = array<i32>} : memref<3x256xi32, #tpu.memory_space<vmem>>, vector<16xi32>,
    tpu.vector_store %arg8[%swap3A_199, %swap3A_200], %gather3A_197 {strides = array<i32>} : memref<3x256xi32, #tpu.memory_space<vmem>>, vector<16xi32>,
    %add3A_202 = arith.constant 96 : i32
    %add3A_203 = vector.broadcast %add3A_202 : i32 to vector<16xi32>
    %add3A_204 = arith.addi %iota3A, %add3A_203 : vector<16xi32>
    %gather3A_205 = tpu.vector_load_idx %arg6[%add3A_204, %broadcast_in_dim3A_153] : memref<128x200xi32, #tpu.memory_space<vmem>>[vector<16xi32>, vector<16xi32>], vector<16xi32>,
    %swap3A_206 = arith.constant 1 : i32
    %swap3A_207 = arith.index_cast %swap3A_206 : i32 to index
    %swap3A_208 = arith.constant 96 : index
    %swap3A_209 = tpu.vector_load %arg8[%swap3A_207, %swap3A_208] {strides = array<i32>} : memref<3x256xi32, #tpu.memory_space<vmem>>, vector<16xi32>,
    tpu.vector_store %arg8[%swap3A_207, %swap3A_208], %gather3A_205 {strides = array<i32>} : memref<3x256xi32, #tpu.memory_space<vmem>>, vector<16xi32>,
    %add3A_210 = arith.constant 112 : i32
    %add3A_211 = vector.broadcast %add3A_210 : i32 to vector<16xi32>
    %add3A_212 = arith.addi %iota3A, %add3A_211 : vector<16xi32>
    %gather3A_213 = tpu.vector_load_idx %arg6[%add3A_212, %broadcast_in_dim3A_153] : memref<128x200xi32, #tpu.memory_space<vmem>>[vector<16xi32>, vector<16xi32>], vector<16xi32>,
    %swap3A_214 = arith.constant 1 : i32
    %swap3A_215 = arith.index_cast %swap3A_214 : i32 to index
    %swap3A_216 = arith.constant 112 : index
    %swap3A_217 = tpu.vector_load %arg8[%swap3A_215, %swap3A_216] {strides = array<i32>} : memref<3x256xi32, #tpu.memory_space<vmem>>, vector<16xi32>,
    tpu.vector_store %arg8[%swap3A_215, %swap3A_216], %gather3A_213 {strides = array<i32>} : memref<3x256xi32, #tpu.memory_space<vmem>>, vector<16xi32>,
    %broadcast_in_dim3A_218 = arith.constant 3 : i32
    %broadcast_in_dim3A_219 = vector.broadcast %broadcast_in_dim3A_218 : i32 to vector<16xi32>
    %add3A_220 = arith.constant 0 : i32
    %add3A_221 = vector.broadcast %add3A_220 : i32 to vector<16xi32>
    %add3A_222 = arith.addi %iota3A, %add3A_221 : vector<16xi32>
    %gather3A_223 = tpu.vector_load_idx %arg6[%add3A_222, %broadcast_in_dim3A_219] : memref<128x200xi32, #tpu.memory_space<vmem>>[vector<16xi32>, vector<16xi32>], vector<16xi32>,
    %swap3A_224 = arith.constant 1 : i32
    %swap3A_225 = arith.index_cast %swap3A_224 : i32 to index
    %swap3A_226 = arith.constant 128 : index
    %swap3A_227 = tpu.vector_load %arg8[%swap3A_225, %swap3A_226] {strides = array<i32>} : memref<3x256xi32, #tpu.memory_space<vmem>>, vector<16xi32>,
    tpu.vector_store %arg8[%swap3A_225, %swap3A_226], %gather3A_223 {strides = array<i32>} : memref<3x256xi32, #tpu.memory_space<vmem>>, vector<16xi32>,
    %add3A_228 = arith.constant 16 : i32
    %add3A_229 = vector.broadcast %add3A_228 : i32 to vector<16xi32>
    %add3A_230 = arith.addi %iota3A, %add3A_229 : vector<16xi32>
    %gather3A_231 = tpu.vector_load_idx %arg6[%add3A_230, %broadcast_in_dim3A_219] : memref<128x200xi32, #tpu.memory_space<vmem>>[vector<16xi32>, vector<16xi32>], vector<16xi32>,
    %swap3A_232 = arith.constant 1 : i32
    %swap3A_233 = arith.index_cast %swap3A_232 : i32 to index
    %swap3A_234 = arith.constant 144 : index
    %swap3A_235 = tpu.vector_load %arg8[%swap3A_233, %swap3A_234] {strides = array<i32>} : memref<3x256xi32, #tpu.memory_space<vmem>>, vector<16xi32>,
    tpu.vector_store %arg8[%swap3A_233, %swap3A_234], %gather3A_231 {strides = array<i32>} : memref<3x256xi32, #tpu.memory_space<vmem>>, vector<16xi32>,
    %add3A_236 = arith.constant 32 : i32
    %add3A_237 = vector.broadcast %add3A_236 : i32 to vector<16xi32>
    %add3A_238 = arith.addi %iota3A, %add3A_237 : vector<16xi32>
    %gather3A_239 = tpu.vector_load_idx %arg6[%add3A_238, %broadcast_in_dim3A_219] : memref<128x200xi32, #tpu.memory_space<vmem>>[vector<16xi32>, vector<16xi32>], vector<16xi32>,
    %swap3A_240 = arith.constant 1 : i32
    %swap3A_241 = arith.index_cast %swap3A_240 : i32 to index
    %swap3A_242 = arith.constant 160 : index
    %swap3A_243 = tpu.vector_load %arg8[%swap3A_241, %swap3A_242] {strides = array<i32>} : memref<3x256xi32, #tpu.memory_space<vmem>>, vector<16xi32>,
    tpu.vector_store %arg8[%swap3A_241, %swap3A_242], %gather3A_239 {strides = array<i32>} : memref<3x256xi32, #tpu.memory_space<vmem>>, vector<16xi32>,
    %add3A_244 = arith.constant 48 : i32
    %add3A_245 = vector.broadcast %add3A_244 : i32 to vector<16xi32>
    %add3A_246 = arith.addi %iota3A, %add3A_245 : vector<16xi32>
    %gather3A_247 = tpu.vector_load_idx %arg6[%add3A_246, %broadcast_in_dim3A_219] : memref<128x200xi32, #tpu.memory_space<vmem>>[vector<16xi32>, vector<16xi32>], vector<16xi32>,
    %swap3A_248 = arith.constant 1 : i32
    %swap3A_249 = arith.index_cast %swap3A_248 : i32 to index
    %swap3A_250 = arith.constant 176 : index
    %swap3A_251 = tpu.vector_load %arg8[%swap3A_249, %swap3A_250] {strides = array<i32>} : memref<3x256xi32, #tpu.memory_space<vmem>>, vector<16xi32>,
    tpu.vector_store %arg8[%swap3A_249, %swap3A_250], %gather3A_247 {strides = array<i32>} : memref<3x256xi32, #tpu.memory_space<vmem>>, vector<16xi32>,
    %add3A_252 = arith.constant 64 : i32
    %add3A_253 = vector.broadcast %add3A_252 : i32 to vector<16xi32>
    %add3A_254 = arith.addi %iota3A, %add3A_253 : vector<16xi32>
    %gather3A_255 = tpu.vector_load_idx %arg6[%add3A_254, %broadcast_in_dim3A_219] : memref<128x200xi32, #tpu.memory_space<vmem>>[vector<16xi32>, vector<16xi32>], vector<16xi32>,
    %swap3A_256 = arith.constant 1 : i32
    %swap3A_257 = arith.index_cast %swap3A_256 : i32 to index
    %swap3A_258 = arith.constant 192 : index
    %swap3A_259 = tpu.vector_load %arg8[%swap3A_257, %swap3A_258] {strides = array<i32>} : memref<3x256xi32, #tpu.memory_space<vmem>>, vector<16xi32>,
    tpu.vector_store %arg8[%swap3A_257, %swap3A_258], %gather3A_255 {strides = array<i32>} : memref<3x256xi32, #tpu.memory_space<vmem>>, vector<16xi32>,
    %add3A_260 = arith.constant 80 : i32
    %add3A_261 = vector.broadcast %add3A_260 : i32 to vector<16xi32>
    %add3A_262 = arith.addi %iota3A, %add3A_261 : vector<16xi32>
    %gather3A_263 = tpu.vector_load_idx %arg6[%add3A_262, %broadcast_in_dim3A_219] : memref<128x200xi32, #tpu.memory_space<vmem>>[vector<16xi32>, vector<16xi32>], vector<16xi32>,
    %swap3A_264 = arith.constant 1 : i32
    %swap3A_265 = arith.index_cast %swap3A_264 : i32 to index
    %swap3A_266 = arith.constant 208 : index
    %swap3A_267 = tpu.vector_load %arg8[%swap3A_265, %swap3A_266] {strides = array<i32>} : memref<3x256xi32, #tpu.memory_space<vmem>>, vector<16xi32>,
    tpu.vector_store %arg8[%swap3A_265, %swap3A_266], %gather3A_263 {strides = array<i32>} : memref<3x256xi32, #tpu.memory_space<vmem>>, vector<16xi32>,
    %add3A_268 = arith.constant 96 : i32
    %add3A_269 = vector.broadcast %add3A_268 : i32 to vector<16xi32>
    %add3A_270 = arith.addi %iota3A, %add3A_269 : vector<16xi32>
    %gather3A_271 = tpu.vector_load_idx %arg6[%add3A_270, %broadcast_in_dim3A_219] : memref<128x200xi32, #tpu.memory_space<vmem>>[vector<16xi32>, vector<16xi32>], vector<16xi32>,
    %swap3A_272 = arith.constant 1 : i32
    %swap3A_273 = arith.index_cast %swap3A_272 : i32 to index
    %swap3A_274 = arith.constant 224 : index
    %swap3A_275 = tpu.vector_load %arg8[%swap3A_273, %swap3A_274] {strides = array<i32>} : memref<3x256xi32, #tpu.memory_space<vmem>>, vector<16xi32>,
    tpu.vector_store %arg8[%swap3A_273, %swap3A_274], %gather3A_271 {strides = array<i32>} : memref<3x256xi32, #tpu.memory_space<vmem>>, vector<16xi32>,
    %add3A_276 = arith.constant 112 : i32
    %add3A_277 = vector.broadcast %add3A_276 : i32 to vector<16xi32>
    %add3A_278 = arith.addi %iota3A, %add3A_277 : vector<16xi32>
    %gather3A_279 = tpu.vector_load_idx %arg6[%add3A_278, %broadcast_in_dim3A_219] : memref<128x200xi32, #tpu.memory_space<vmem>>[vector<16xi32>, vector<16xi32>], vector<16xi32>,
    %swap3A_280 = arith.constant 1 : i32
    %swap3A_281 = arith.index_cast %swap3A_280 : i32 to index
    %swap3A_282 = arith.constant 240 : index
    %swap3A_283 = tpu.vector_load %arg8[%swap3A_281, %swap3A_282] {strides = array<i32>} : memref<3x256xi32, #tpu.memory_space<vmem>>, vector<16xi32>,
    tpu.vector_store %arg8[%swap3A_281, %swap3A_282], %gather3A_279 {strides = array<i32>} : memref<3x256xi32, #tpu.memory_space<vmem>>, vector<16xi32>,
    %dma_start3A_284 = arith.constant 1 : i32
    %dma_start3A_285 = arith.constant 1 : i32
    %dma_start3A_286 = arith.constant 0 : i32
    %dma_start3A_287 = arith.constant 0 : i32
    %dma_start3A_288 = tpu.memref_slice %arg9[%dma_start3A_285, %dma_start3A_286, %dma_start3A_287] : memref<3x256x32xf32, #tpu.memory_space<vmem>> -> memref<1x256x32xf32, #tpu.memory_space<vmem>>
    %dma_start3A_289 = tpu.memref_squeeze %dma_start3A_288 : memref<1x256x32xf32, #tpu.memory_space<vmem>> -> memref<256x32xf32, #tpu.memory_space<vmem>>
    %dma_start3A_290 = arith.constant 0 : i32
    %dma_start3A_291 = tpu.memref_slice %arg8[%dma_start3A_284, %dma_start3A_290] : memref<3x256xi32, #tpu.memory_space<vmem>> -> memref<1x256xi32, #tpu.memory_space<vmem>>
    %dma_start3A_292 = tpu.memref_squeeze %dma_start3A_291 : memref<1x256xi32, #tpu.memory_space<vmem>> -> memref<256xi32, #tpu.memory_space<vmem>>
    %dma_start3A_293 = arith.constant 0 : i32
    %dma_start3A_294 = arith.constant 0 : i32
    %dma_start3A_295 = tpu.memref_slice %arg3[%dma_start3A_293, %dma_start3A_294] : memref<1000000x32xf32, #tpu.memory_space<hbm>> -> memref<1000000x32xf32, #tpu.memory_space<hbm>>
    tpu.enqueue_indirect_dma source(%dma_start3A_295 : memref<1000000x32xf32, #tpu.memory_space<hbm>>) target(%dma_start3A_289 : memref<256x32xf32, #tpu.memory_space<vmem>>) offsets(%dma_start3A_292 : memref<256xi32, #tpu.memory_space<vmem>>) semaphore(%arg11 : memref<!tpu.dma_semaphore, #tpu.memory_space<semaphore_mem>>)
    %scan3A = arith.constant 0 : i32
    %scan3A_296 = arith.constant 0 : i32
    %scan3A_297 = arith.constant 100 : i32
    %scan3A_298 = arith.addi %scan3A_296, %scan3A_297 : i32
    %scan3A_299 = arith.constant 1 : i32
    scf.for %scan3A_350 = %scan3A_296 to %scan3A_298 step %scan3A_299  : i32 {
      %rem3A = arith.constant 3 : i32
      %rem3A_351 = arith.remsi %scan3A_350, %rem3A : i32
      %rem3A_352 = arith.constant 2 : i32
      %rem3A_353 = arith.remsi %scan3A_350, %rem3A_352 : i32
      %add3A_354 = arith.constant 2 : i32
      %add3A_355 = arith.addi %scan3A_350, %add3A_354 : i32
      %lt3A = arith.constant 100 : i32
      %lt3A_356 = arith.cmpi slt, %add3A_355, %lt3A : i32
      %convert_element_type3A = arith.extui %lt3A_356 : i1 to i32
      %cond3A = arith.constant 0 : i32
      %cond3A_357 = arith.cmpi ne, %convert_element_type3A, %cond3A : i32
      scf.if %cond3A_357 {
        %add3A_427 = arith.constant 2 : i32
        %add3A_428 = arith.addi %scan3A_350, %add3A_427 : i32
        %add3A_429 = arith.constant 2 : i32
        %add3A_430 = arith.addi %scan3A_350, %add3A_429 : i32
        %rem3A_431 = arith.constant 3 : i32
        %rem3A_432 = arith.remsi %add3A_430, %rem3A_431 : i32
        %mul3A_433 = arith.constant 2 : i32
        %mul3A_434 = arith.muli %add3A_428, %mul3A_433 : i32
        %add3A_435 = arith.constant 0 : i32
        %add3A_436 = arith.addi %mul3A_434, %add3A_435 : i32
        %broadcast_in_dim3A_437 = vector.broadcast %add3A_436 : i32 to vector<16xi32>
        %add3A_438 = arith.constant 0 : i32
        %add3A_439 = vector.broadcast %add3A_438 : i32 to vector<16xi32>
        %add3A_440 = arith.addi %iota3A, %add3A_439 : vector<16xi32>
        %gather3A_441 = tpu.vector_load_idx %arg6[%add3A_440, %broadcast_in_dim3A_437] : memref<128x200xi32, #tpu.memory_space<vmem>>[vector<16xi32>, vector<16xi32>], vector<16xi32>,
        %swap3A_442 = arith.index_cast %rem3A_432 : i32 to index
        %swap3A_443 = arith.constant 0 : index
        %swap3A_444 = tpu.vector_load %arg8[%swap3A_442, %swap3A_443] {strides = array<i32>} : memref<3x256xi32, #tpu.memory_space<vmem>>, vector<16xi32>,
        tpu.vector_store %arg8[%swap3A_442, %swap3A_443], %gather3A_441 {strides = array<i32>} : memref<3x256xi32, #tpu.memory_space<vmem>>, vector<16xi32>,
        %add3A_445 = arith.constant 16 : i32
        %add3A_446 = vector.broadcast %add3A_445 : i32 to vector<16xi32>
        %add3A_447 = arith.addi %iota3A, %add3A_446 : vector<16xi32>
        %gather3A_448 = tpu.vector_load_idx %arg6[%add3A_447, %broadcast_in_dim3A_437] : memref<128x200xi32, #tpu.memory_space<vmem>>[vector<16xi32>, vector<16xi32>], vector<16xi32>,
        %swap3A_449 = arith.index_cast %rem3A_432 : i32 to index
        %swap3A_450 = arith.constant 16 : index
        %swap3A_451 = tpu.vector_load %arg8[%swap3A_449, %swap3A_450] {strides = array<i32>} : memref<3x256xi32, #tpu.memory_space<vmem>>, vector<16xi32>,
        tpu.vector_store %arg8[%swap3A_449, %swap3A_450], %gather3A_448 {strides = array<i32>} : memref<3x256xi32, #tpu.memory_space<vmem>>, vector<16xi32>,
        %add3A_452 = arith.constant 32 : i32
        %add3A_453 = vector.broadcast %add3A_452 : i32 to vector<16xi32>
        %add3A_454 = arith.addi %iota3A, %add3A_453 : vector<16xi32>
        %gather3A_455 = tpu.vector_load_idx %arg6[%add3A_454, %broadcast_in_dim3A_437] : memref<128x200xi32, #tpu.memory_space<vmem>>[vector<16xi32>, vector<16xi32>], vector<16xi32>,
        %swap3A_456 = arith.index_cast %rem3A_432 : i32 to index
        %swap3A_457 = arith.constant 32 : index
        %swap3A_458 = tpu.vector_load %arg8[%swap3A_456, %swap3A_457] {strides = array<i32>} : memref<3x256xi32, #tpu.memory_space<vmem>>, vector<16xi32>,
        tpu.vector_store %arg8[%swap3A_456, %swap3A_457], %gather3A_455 {strides = array<i32>} : memref<3x256xi32, #tpu.memory_space<vmem>>, vector<16xi32>,
        %add3A_459 = arith.constant 48 : i32
        %add3A_460 = vector.broadcast %add3A_459 : i32 to vector<16xi32>
        %add3A_461 = arith.addi %iota3A, %add3A_460 : vector<16xi32>
        %gather3A_462 = tpu.vector_load_idx %arg6[%add3A_461, %broadcast_in_dim3A_437] : memref<128x200xi32, #tpu.memory_space<vmem>>[vector<16xi32>, vector<16xi32>], vector<16xi32>,
        %swap3A_463 = arith.index_cast %rem3A_432 : i32 to index
        %swap3A_464 = arith.constant 48 : index
        %swap3A_465 = tpu.vector_load %arg8[%swap3A_463, %swap3A_464] {strides = array<i32>} : memref<3x256xi32, #tpu.memory_space<vmem>>, vector<16xi32>,
        tpu.vector_store %arg8[%swap3A_463, %swap3A_464], %gather3A_462 {strides = array<i32>} : memref<3x256xi32, #tpu.memory_space<vmem>>, vector<16xi32>,
        %add3A_466 = arith.constant 64 : i32
        %add3A_467 = vector.broadcast %add3A_466 : i32 to vector<16xi32>
        %add3A_468 = arith.addi %iota3A, %add3A_467 : vector<16xi32>
        %gather3A_469 = tpu.vector_load_idx %arg6[%add3A_468, %broadcast_in_dim3A_437] : memref<128x200xi32, #tpu.memory_space<vmem>>[vector<16xi32>, vector<16xi32>], vector<16xi32>,
        %swap3A_470 = arith.index_cast %rem3A_432 : i32 to index
        %swap3A_471 = arith.constant 64 : index
        %swap3A_472 = tpu.vector_load %arg8[%swap3A_470, %swap3A_471] {strides = array<i32>} : memref<3x256xi32, #tpu.memory_space<vmem>>, vector<16xi32>,
        tpu.vector_store %arg8[%swap3A_470, %swap3A_471], %gather3A_469 {strides = array<i32>} : memref<3x256xi32, #tpu.memory_space<vmem>>, vector<16xi32>,
        %add3A_473 = arith.constant 80 : i32
        %add3A_474 = vector.broadcast %add3A_473 : i32 to vector<16xi32>
        %add3A_475 = arith.addi %iota3A, %add3A_474 : vector<16xi32>
        %gather3A_476 = tpu.vector_load_idx %arg6[%add3A_475, %broadcast_in_dim3A_437] : memref<128x200xi32, #tpu.memory_space<vmem>>[vector<16xi32>, vector<16xi32>], vector<16xi32>,
        %swap3A_477 = arith.index_cast %rem3A_432 : i32 to index
        %swap3A_478 = arith.constant 80 : index
        %swap3A_479 = tpu.vector_load %arg8[%swap3A_477, %swap3A_478] {strides = array<i32>} : memref<3x256xi32, #tpu.memory_space<vmem>>, vector<16xi32>,
        tpu.vector_store %arg8[%swap3A_477, %swap3A_478], %gather3A_476 {strides = array<i32>} : memref<3x256xi32, #tpu.memory_space<vmem>>, vector<16xi32>,
        %add3A_480 = arith.constant 96 : i32
        %add3A_481 = vector.broadcast %add3A_480 : i32 to vector<16xi32>
        %add3A_482 = arith.addi %iota3A, %add3A_481 : vector<16xi32>
        %gather3A_483 = tpu.vector_load_idx %arg6[%add3A_482, %broadcast_in_dim3A_437] : memref<128x200xi32, #tpu.memory_space<vmem>>[vector<16xi32>, vector<16xi32>], vector<16xi32>,
        %swap3A_484 = arith.index_cast %rem3A_432 : i32 to index
        %swap3A_485 = arith.constant 96 : index
        %swap3A_486 = tpu.vector_load %arg8[%swap3A_484, %swap3A_485] {strides = array<i32>} : memref<3x256xi32, #tpu.memory_space<vmem>>, vector<16xi32>,
        tpu.vector_store %arg8[%swap3A_484, %swap3A_485], %gather3A_483 {strides = array<i32>} : memref<3x256xi32, #tpu.memory_space<vmem>>, vector<16xi32>,
        %add3A_487 = arith.constant 112 : i32
        %add3A_488 = vector.broadcast %add3A_487 : i32 to vector<16xi32>
        %add3A_489 = arith.addi %iota3A, %add3A_488 : vector<16xi32>
        %gather3A_490 = tpu.vector_load_idx %arg6[%add3A_489, %broadcast_in_dim3A_437] : memref<128x200xi32, #tpu.memory_space<vmem>>[vector<16xi32>, vector<16xi32>], vector<16xi32>,
        %swap3A_491 = arith.index_cast %rem3A_432 : i32 to index
        %swap3A_492 = arith.constant 112 : index
        %swap3A_493 = tpu.vector_load %arg8[%swap3A_491, %swap3A_492] {strides = array<i32>} : memref<3x256xi32, #tpu.memory_space<vmem>>, vector<16xi32>,
        tpu.vector_store %arg8[%swap3A_491, %swap3A_492], %gather3A_490 {strides = array<i32>} : memref<3x256xi32, #tpu.memory_space<vmem>>, vector<16xi32>,
        %mul3A_494 = arith.constant 2 : i32
        %mul3A_495 = arith.muli %add3A_428, %mul3A_494 : i32
        %add3A_496 = arith.constant 1 : i32
        %add3A_497 = arith.addi %mul3A_495, %add3A_496 : i32
        %broadcast_in_dim3A_498 = vector.broadcast %add3A_497 : i32 to vector<16xi32>
        %add3A_499 = arith.constant 0 : i32
        %add3A_500 = vector.broadcast %add3A_499 : i32 to vector<16xi32>
        %add3A_501 = arith.addi %iota3A, %add3A_500 : vector<16xi32>
        %gather3A_502 = tpu.vector_load_idx %arg6[%add3A_501, %broadcast_in_dim3A_498] : memref<128x200xi32, #tpu.memory_space<vmem>>[vector<16xi32>, vector<16xi32>], vector<16xi32>,
        %swap3A_503 = arith.index_cast %rem3A_432 : i32 to index
        %swap3A_504 = arith.constant 128 : index
        %swap3A_505 = tpu.vector_load %arg8[%swap3A_503, %swap3A_504] {strides = array<i32>} : memref<3x256xi32, #tpu.memory_space<vmem>>, vector<16xi32>,
        tpu.vector_store %arg8[%swap3A_503, %swap3A_504], %gather3A_502 {strides = array<i32>} : memref<3x256xi32, #tpu.memory_space<vmem>>, vector<16xi32>,
        %add3A_506 = arith.constant 16 : i32
        %add3A_507 = vector.broadcast %add3A_506 : i32 to vector<16xi32>
        %add3A_508 = arith.addi %iota3A, %add3A_507 : vector<16xi32>
        %gather3A_509 = tpu.vector_load_idx %arg6[%add3A_508, %broadcast_in_dim3A_498] : memref<128x200xi32, #tpu.memory_space<vmem>>[vector<16xi32>, vector<16xi32>], vector<16xi32>,
        %swap3A_510 = arith.index_cast %rem3A_432 : i32 to index
        %swap3A_511 = arith.constant 144 : index
        %swap3A_512 = tpu.vector_load %arg8[%swap3A_510, %swap3A_511] {strides = array<i32>} : memref<3x256xi32, #tpu.memory_space<vmem>>, vector<16xi32>,
        tpu.vector_store %arg8[%swap3A_510, %swap3A_511], %gather3A_509 {strides = array<i32>} : memref<3x256xi32, #tpu.memory_space<vmem>>, vector<16xi32>,
        %add3A_513 = arith.constant 32 : i32
        %add3A_514 = vector.broadcast %add3A_513 : i32 to vector<16xi32>
        %add3A_515 = arith.addi %iota3A, %add3A_514 : vector<16xi32>
        %gather3A_516 = tpu.vector_load_idx %arg6[%add3A_515, %broadcast_in_dim3A_498] : memref<128x200xi32, #tpu.memory_space<vmem>>[vector<16xi32>, vector<16xi32>], vector<16xi32>,
        %swap3A_517 = arith.index_cast %rem3A_432 : i32 to index
        %swap3A_518 = arith.constant 160 : index
        %swap3A_519 = tpu.vector_load %arg8[%swap3A_517, %swap3A_518] {strides = array<i32>} : memref<3x256xi32, #tpu.memory_space<vmem>>, vector<16xi32>,
        tpu.vector_store %arg8[%swap3A_517, %swap3A_518], %gather3A_516 {strides = array<i32>} : memref<3x256xi32, #tpu.memory_space<vmem>>, vector<16xi32>,
        %add3A_520 = arith.constant 48 : i32
        %add3A_521 = vector.broadcast %add3A_520 : i32 to vector<16xi32>
        %add3A_522 = arith.addi %iota3A, %add3A_521 : vector<16xi32>
        %gather3A_523 = tpu.vector_load_idx %arg6[%add3A_522, %broadcast_in_dim3A_498] : memref<128x200xi32, #tpu.memory_space<vmem>>[vector<16xi32>, vector<16xi32>], vector<16xi32>,
        %swap3A_524 = arith.index_cast %rem3A_432 : i32 to index
        %swap3A_525 = arith.constant 176 : index
        %swap3A_526 = tpu.vector_load %arg8[%swap3A_524, %swap3A_525] {strides = array<i32>} : memref<3x256xi32, #tpu.memory_space<vmem>>, vector<16xi32>,
        tpu.vector_store %arg8[%swap3A_524, %swap3A_525], %gather3A_523 {strides = array<i32>} : memref<3x256xi32, #tpu.memory_space<vmem>>, vector<16xi32>,
        %add3A_527 = arith.constant 64 : i32
        %add3A_528 = vector.broadcast %add3A_527 : i32 to vector<16xi32>
        %add3A_529 = arith.addi %iota3A, %add3A_528 : vector<16xi32>
        %gather3A_530 = tpu.vector_load_idx %arg6[%add3A_529, %broadcast_in_dim3A_498] : memref<128x200xi32, #tpu.memory_space<vmem>>[vector<16xi32>, vector<16xi32>], vector<16xi32>,
        %swap3A_531 = arith.index_cast %rem3A_432 : i32 to index
        %swap3A_532 = arith.constant 192 : index
        %swap3A_533 = tpu.vector_load %arg8[%swap3A_531, %swap3A_532] {strides = array<i32>} : memref<3x256xi32, #tpu.memory_space<vmem>>, vector<16xi32>,
        tpu.vector_store %arg8[%swap3A_531, %swap3A_532], %gather3A_530 {strides = array<i32>} : memref<3x256xi32, #tpu.memory_space<vmem>>, vector<16xi32>,
        %add3A_534 = arith.constant 80 : i32
        %add3A_535 = vector.broadcast %add3A_534 : i32 to vector<16xi32>
        %add3A_536 = arith.addi %iota3A, %add3A_535 : vector<16xi32>
        %gather3A_537 = tpu.vector_load_idx %arg6[%add3A_536, %broadcast_in_dim3A_498] : memref<128x200xi32, #tpu.memory_space<vmem>>[vector<16xi32>, vector<16xi32>], vector<16xi32>,
        %swap3A_538 = arith.index_cast %rem3A_432 : i32 to index
        %swap3A_539 = arith.constant 208 : index
        %swap3A_540 = tpu.vector_load %arg8[%swap3A_538, %swap3A_539] {strides = array<i32>} : memref<3x256xi32, #tpu.memory_space<vmem>>, vector<16xi32>,
        tpu.vector_store %arg8[%swap3A_538, %swap3A_539], %gather3A_537 {strides = array<i32>} : memref<3x256xi32, #tpu.memory_space<vmem>>, vector<16xi32>,
        %add3A_541 = arith.constant 96 : i32
        %add3A_542 = vector.broadcast %add3A_541 : i32 to vector<16xi32>
        %add3A_543 = arith.addi %iota3A, %add3A_542 : vector<16xi32>
        %gather3A_544 = tpu.vector_load_idx %arg6[%add3A_543, %broadcast_in_dim3A_498] : memref<128x200xi32, #tpu.memory_space<vmem>>[vector<16xi32>, vector<16xi32>], vector<16xi32>,
        %swap3A_545 = arith.index_cast %rem3A_432 : i32 to index
        %swap3A_546 = arith.constant 224 : index
        %swap3A_547 = tpu.vector_load %arg8[%swap3A_545, %swap3A_546] {strides = array<i32>} : memref<3x256xi32, #tpu.memory_space<vmem>>, vector<16xi32>,
        tpu.vector_store %arg8[%swap3A_545, %swap3A_546], %gather3A_544 {strides = array<i32>} : memref<3x256xi32, #tpu.memory_space<vmem>>, vector<16xi32>,
        %add3A_548 = arith.constant 112 : i32
        %add3A_549 = vector.broadcast %add3A_548 : i32 to vector<16xi32>
        %add3A_550 = arith.addi %iota3A, %add3A_549 : vector<16xi32>
        %gather3A_551 = tpu.vector_load_idx %arg6[%add3A_550, %broadcast_in_dim3A_498] : memref<128x200xi32, #tpu.memory_space<vmem>>[vector<16xi32>, vector<16xi32>], vector<16xi32>,
        %swap3A_552 = arith.index_cast %rem3A_432 : i32 to index
        %swap3A_553 = arith.constant 240 : index
        %swap3A_554 = tpu.vector_load %arg8[%swap3A_552, %swap3A_553] {strides = array<i32>} : memref<3x256xi32, #tpu.memory_space<vmem>>, vector<16xi32>,
        tpu.vector_store %arg8[%swap3A_552, %swap3A_553], %gather3A_551 {strides = array<i32>} : memref<3x256xi32, #tpu.memory_space<vmem>>, vector<16xi32>,
        %dma_start3A_555 = arith.constant 0 : i32
        %dma_start3A_556 = arith.constant 0 : i32
        %dma_start3A_557 = tpu.memref_slice %arg9[%rem3A_432, %dma_start3A_555, %dma_start3A_556] : memref<3x256x32xf32, #tpu.memory_space<vmem>> -> memref<1x256x32xf32, #tpu.memory_space<vmem>>
        %dma_start3A_558 = tpu.memref_squeeze %dma_start3A_557 : memref<1x256x32xf32, #tpu.memory_space<vmem>> -> memref<256x32xf32, #tpu.memory_space<vmem>>
        %dma_start3A_559 = arith.constant 0 : i32
        %dma_start3A_560 = tpu.memref_slice %arg8[%rem3A_432, %dma_start3A_559] : memref<3x256xi32, #tpu.memory_space<vmem>> -> memref<1x256xi32, #tpu.memory_space<vmem>>
        %dma_start3A_561 = tpu.memref_squeeze %dma_start3A_560 : memref<1x256xi32, #tpu.memory_space<vmem>> -> memref<256xi32, #tpu.memory_space<vmem>>
        %dma_start3A_562 = arith.constant 0 : i32
        %dma_start3A_563 = arith.constant 0 : i32
        %dma_start3A_564 = tpu.memref_slice %arg3[%dma_start3A_562, %dma_start3A_563] : memref<1000000x32xf32, #tpu.memory_space<hbm>> -> memref<1000000x32xf32, #tpu.memory_space<hbm>>
        tpu.enqueue_indirect_dma source(%dma_start3A_564 : memref<1000000x32xf32, #tpu.memory_space<hbm>>) target(%dma_start3A_558 : memref<256x32xf32, #tpu.memory_space<vmem>>) offsets(%dma_start3A_561 : memref<256xi32, #tpu.memory_space<vmem>>) semaphore(%arg11 : memref<!tpu.dma_semaphore, #tpu.memory_space<semaphore_mem>>)
      } else {
      }
      %dma_wait3A_358 = arith.constant 0 : i32
      %dma_wait3A_359 = arith.constant 0 : i32
      %dma_wait3A_360 = tpu.memref_slice %arg9[%rem3A_351, %dma_wait3A_358, %dma_wait3A_359] : memref<3x256x32xf32, #tpu.memory_space<vmem>> -> memref<1x256x32xf32, #tpu.memory_space<vmem>>
      %dma_wait3A_361 = tpu.memref_squeeze %dma_wait3A_360 : memref<1x256x32xf32, #tpu.memory_space<vmem>> -> memref<256x32xf32, #tpu.memory_space<vmem>>
      %dma_wait3A_362 = arith.constant 0 : i32
      %dma_wait3A_363 = tpu.memref_slice %arg8[%rem3A_351, %dma_wait3A_362] : memref<3x256xi32, #tpu.memory_space<vmem>> -> memref<1x256xi32, #tpu.memory_space<vmem>>
      %dma_wait3A_364 = tpu.memref_squeeze %dma_wait3A_363 : memref<1x256xi32, #tpu.memory_space<vmem>> -> memref<256xi32, #tpu.memory_space<vmem>>
      %dma_wait3A_365 = arith.constant 0 : i32
      %dma_wait3A_366 = arith.constant 0 : i32
      %dma_wait3A_367 = tpu.memref_slice %arg3[%dma_wait3A_365, %dma_wait3A_366] : memref<1000000x32xf32, #tpu.memory_space<hbm>> -> memref<1000000x32xf32, #tpu.memory_space<hbm>>
      tpu.wait_indirect_dma semaphore(%arg11 : memref<!tpu.dma_semaphore, #tpu.memory_space<semaphore_mem>>) src(%dma_wait3A_367 : memref<1000000x32xf32, #tpu.memory_space<hbm>>) dst(%dma_wait3A_361 : memref<256x32xf32, #tpu.memory_space<vmem>>)
      %ge3A = arith.constant 2 : i32
      %ge3A_368 = arith.cmpi sge, %scan3A_350, %ge3A : i32
      %convert_element_type3A_369 = arith.extui %ge3A_368 : i1 to i32
      %cond3A_370 = arith.constant 0 : i32
      %cond3A_371 = arith.cmpi ne, %convert_element_type3A_369, %cond3A_370 : i32
      scf.if %cond3A_371 {
        %dma_wait3A_427 = arith.constant 0 : i32
        %dma_wait3A_428 = arith.constant 0 : i32
        %dma_wait3A_429 = arith.constant 0 : i32
        %dma_wait3A_430 = arith.constant 0 : i32
        %dma_wait3A_431 = arith.constant 0 : i32
        %dma_wait3A_432 = tpu.memref_slice %arg10[%dma_wait3A_427, %dma_wait3A_428, %dma_wait3A_429, %dma_wait3A_430, %dma_wait3A_431] : memref<2x2x4x8x129xf32, #tpu.memory_space<vmem>> -> memref<1x2x4x8x128xf32, #tpu.memory_space<vmem>>
        %dma_wait3A_433 = tpu.memref_squeeze %dma_wait3A_432 : memref<1x2x4x8x128xf32, #tpu.memory_space<vmem>> -> memref<2x4x8x128xf32, #tpu.memory_space<vmem>>
        %dma_wait3A_434 = arith.constant 0 : i32
        %dma_wait3A_435 = arith.constant 0 : i32
        %dma_wait3A_436 = arith.constant 0 : i32
        %dma_wait3A_437 = arith.constant 0 : i32
        %dma_wait3A_438 = tpu.memref_slice %arg5[%dma_wait3A_434, %dma_wait3A_435, %add3A, %dma_wait3A_436, %dma_wait3A_437] : memref<200x4x32x8x128xf32, #tpu.memory_space<hbm>> -> memref<2x4x1x8x128xf32, #tpu.memory_space<hbm>>
        %dma_wait3A_439 = tpu.memref_squeeze %dma_wait3A_438 : memref<2x4x1x8x128xf32, #tpu.memory_space<hbm>> -> memref<2x4x8x128xf32, #tpu.memory_space<hbm>>
        %dma_wait3A_440 = arith.constant 0 : i32
        %dma_wait3A_441 = arith.constant 0 : i32
        %dma_wait3A_442 = arith.constant 0 : i32
        %dma_wait3A_443 = arith.constant 0 : i32
        %dma_wait3A_444 = tpu.memref_slice %arg5[%dma_wait3A_440, %dma_wait3A_441, %add3A, %dma_wait3A_442, %dma_wait3A_443] : memref<200x4x32x8x128xf32, #tpu.memory_space<hbm>> -> memref<2x4x1x8x128xf32, #tpu.memory_space<hbm>>
        %dma_wait3A_445 = tpu.memref_squeeze %dma_wait3A_444 : memref<2x4x1x8x128xf32, #tpu.memory_space<hbm>> -> memref<2x4x8x128xf32, #tpu.memory_space<hbm>>
        %dma_wait3A_446 = arith.constant 0 : i32
        %dma_wait3A_447 = arith.constant 0 : i32
        %dma_wait3A_448 = arith.constant 0 : i32
        %dma_wait3A_449 = arith.constant 0 : i32
        %dma_wait3A_450 = tpu.memref_slice %arg10[%dma_wait3A_427, %dma_wait3A_446, %dma_wait3A_447, %dma_wait3A_448, %dma_wait3A_449] : memref<2x2x4x8x129xf32, #tpu.memory_space<vmem>> -> memref<1x2x4x8x128xf32, #tpu.memory_space<vmem>>
        %dma_wait3A_451 = tpu.memref_squeeze %dma_wait3A_450 : memref<1x2x4x8x128xf32, #tpu.memory_space<vmem>> -> memref<2x4x8x128xf32, #tpu.memory_space<vmem>>
        tpu.wait_dma2 semaphore(%arg12 : memref<!tpu.dma_semaphore, #tpu.memory_space<semaphore_mem>>) src(%dma_wait3A_451 : memref<2x4x8x128xf32, #tpu.memory_space<vmem>>) dst(%dma_wait3A_445 : memref<2x4x8x128xf32, #tpu.memory_space<hbm>>)
      } else {
      }
      %mul3A_372 = arith.constant 2 : i32
      %mul3A_373 = arith.muli %scan3A_350, %mul3A_372 : i32
      %add3A_374 = arith.constant 0 : i32
      %add3A_375 = arith.addi %mul3A_373, %add3A_374 : i32
      %get3A = arith.index_cast %add3A_375 : i32 to index
      %get3A_376 = arith.constant 0 : index
      %get3A_377 = tpu.vector_load %arg7[%get3A, %get3A_376] {strides = array<i32>} : memref<200x32xf32, #tpu.memory_space<vmem>>, vector<16xf32>,
      %get3A_378 = arith.index_cast %add3A_375 : i32 to index
      %get3A_379 = arith.constant 16 : index
      %get3A_380 = tpu.vector_load %arg7[%get3A_378, %get3A_379] {strides = array<i32>} : memref<200x32xf32, #tpu.memory_space<vmem>>, vector<16xf32>,
      %scan3A_381 = arith.constant 0 : i32
      %scan3A_382 = arith.constant 0 : i32
      %scan3A_383 = arith.constant 8 : i32
      %scan3A_384 = arith.addi %scan3A_382, %scan3A_383 : i32
      %scan3A_385 = arith.constant 1 : i32
      scf.for %scan3A_427 = %scan3A_382 to %scan3A_384 step %scan3A_385  : i32 {
        %mul3A_428 = arith.constant 16 : i32
        %mul3A_429 = arith.muli %scan3A_427, %mul3A_428 : i32
        %broadcast_in_dim3A_430 = vector.broadcast %mul3A_429 : i32 to vector<16xi32>
        %mul3A_431 = arith.constant 16 : i32
        %mul3A_432 = arith.muli %scan3A_427, %mul3A_431 : i32
        %add3A_433 = arith.constant 0 : i32
        %add3A_434 = arith.addi %mul3A_432, %add3A_433 : i32
        %add3A_435 = arith.constant 0 : i32
        %add3A_436 = vector.broadcast %add3A_435 : i32 to vector<16xi32>
        %add3A_437 = arith.addi %broadcast_in_dim3A_430, %add3A_436 : vector<16xi32>
        %add3A_438 = arith.constant 0 : i32
        %add3A_439 = arith.addi %add3A_438, %add3A_434 : i32
        %get3A_440 = arith.index_cast %rem3A_351 : i32 to index
        %get3A_441 = arith.index_cast %add3A_439 : i32 to index
        %get3A_442 = arith.constant 0 : index
        %get3A_443 = tpu.vector_load %arg9[%get3A_440, %get3A_441, %get3A_442] {strides = array<i32>} : memref<3x256x32xf32, #tpu.memory_space<vmem>>, vector<16xf32>,
        %add3A_444 = arith.addf %get3A_443, %get3A_377 : vector<16xf32>
        %scatter3A = arith.constant 0 : i32
        %scatter3A_445 = arith.constant 0 : i32
        %scatter3A_446 = arith.constant 0 : i32
        %scatter3A_447 = arith.constant 0 : i32
        %scatter3A_448 = tpu.memref_slice %arg10[%rem3A_353, %scatter3A, %scatter3A_445, %scatter3A_446, %scatter3A_447] : memref<2x2x4x8x129xf32, #tpu.memory_space<vmem>> -> memref<1x1x4x8x129xf32, #tpu.memory_space<vmem>>
        %scatter3A_449 = tpu.memref_squeeze %scatter3A_448 : memref<1x1x4x8x129xf32, #tpu.memory_space<vmem>> -> memref<4x8x129xf32, #tpu.memory_space<vmem>>
        tpu.vector_store_idx %scatter3A_449[%mul3A_5, %add3A_8, %add3A_437], %add3A_444 : memref<4x8x129xf32, #tpu.memory_space<vmem>>[vector<16xi32>, vector<16xi32>, vector<16xi32>], vector<16xf32>,
        %add3A_450 = arith.constant 0 : i32
        %add3A_451 = arith.addi %add3A_450, %add3A_434 : i32
        %get3A_452 = arith.index_cast %rem3A_351 : i32 to index
        %get3A_453 = arith.index_cast %add3A_451 : i32 to index
        %get3A_454 = arith.constant 16 : index
        %get3A_455 = tpu.vector_load %arg9[%get3A_452, %get3A_453, %get3A_454] {strides = array<i32>} : memref<3x256x32xf32, #tpu.memory_space<vmem>>, vector<16xf32>,
        %add3A_456 = arith.addf %get3A_455, %get3A_380 : vector<16xf32>
        %scatter3A_457 = arith.constant 0 : i32
        %scatter3A_458 = arith.constant 0 : i32
        %scatter3A_459 = arith.constant 0 : i32
        %scatter3A_460 = arith.constant 0 : i32
        %scatter3A_461 = tpu.memref_slice %arg10[%rem3A_353, %scatter3A_457, %scatter3A_458, %scatter3A_459, %scatter3A_460] : memref<2x2x4x8x129xf32, #tpu.memory_space<vmem>> -> memref<1x1x4x8x129xf32, #tpu.memory_space<vmem>>
        %scatter3A_462 = tpu.memref_squeeze %scatter3A_461 : memref<1x1x4x8x129xf32, #tpu.memory_space<vmem>> -> memref<4x8x129xf32, #tpu.memory_space<vmem>>
        tpu.vector_store_idx %scatter3A_462[%mul3A_5, %add3A_11, %add3A_437], %add3A_456 : memref<4x8x129xf32, #tpu.memory_space<vmem>>[vector<16xi32>, vector<16xi32>, vector<16xi32>], vector<16xf32>,
        %mul3A_463 = arith.constant 16 : i32
        %mul3A_464 = arith.muli %scan3A_427, %mul3A_463 : i32
        %add3A_465 = arith.constant 1 : i32
        %add3A_466 = arith.addi %mul3A_464, %add3A_465 : i32
        %add3A_467 = arith.constant 1 : i32
        %add3A_468 = vector.broadcast %add3A_467 : i32 to vector<16xi32>
        %add3A_469 = arith.addi %broadcast_in_dim3A_430, %add3A_468 : vector<16xi32>
        %add3A_470 = arith.constant 0 : i32
        %add3A_471 = arith.addi %add3A_470, %add3A_466 : i32
        %get3A_472 = arith.index_cast %rem3A_351 : i32 to index
        %get3A_473 = arith.index_cast %add3A_471 : i32 to index
        %get3A_474 = arith.constant 0 : index
        %get3A_475 = tpu.vector_load %arg9[%get3A_472, %get3A_473, %get3A_474] {strides = array<i32>} : memref<3x256x32xf32, #tpu.memory_space<vmem>>, vector<16xf32>,
        %add3A_476 = arith.addf %get3A_475, %get3A_377 : vector<16xf32>
        %scatter3A_477 = arith.constant 0 : i32
        %scatter3A_478 = arith.constant 0 : i32
        %scatter3A_479 = arith.constant 0 : i32
        %scatter3A_480 = arith.constant 0 : i32
        %scatter3A_481 = tpu.memref_slice %arg10[%rem3A_353, %scatter3A_477, %scatter3A_478, %scatter3A_479, %scatter3A_480] : memref<2x2x4x8x129xf32, #tpu.memory_space<vmem>> -> memref<1x1x4x8x129xf32, #tpu.memory_space<vmem>>
        %scatter3A_482 = tpu.memref_squeeze %scatter3A_481 : memref<1x1x4x8x129xf32, #tpu.memory_space<vmem>> -> memref<4x8x129xf32, #tpu.memory_space<vmem>>
        tpu.vector_store_idx %scatter3A_482[%mul3A_5, %add3A_8, %add3A_469], %add3A_476 : memref<4x8x129xf32, #tpu.memory_space<vmem>>[vector<16xi32>, vector<16xi32>, vector<16xi32>], vector<16xf32>,
        %add3A_483 = arith.constant 0 : i32
        %add3A_484 = arith.addi %add3A_483, %add3A_466 : i32
        %get3A_485 = arith.index_cast %rem3A_351 : i32 to index
        %get3A_486 = arith.index_cast %add3A_484 : i32 to index
        %get3A_487 = arith.constant 16 : index
        %get3A_488 = tpu.vector_load %arg9[%get3A_485, %get3A_486, %get3A_487] {strides = array<i32>} : memref<3x256x32xf32, #tpu.memory_space<vmem>>, vector<16xf32>,
        %add3A_489 = arith.addf %get3A_488, %get3A_380 : vector<16xf32>
        %scatter3A_490 = arith.constant 0 : i32
        %scatter3A_491 = arith.constant 0 : i32
        %scatter3A_492 = arith.constant 0 : i32
        %scatter3A_493 = arith.constant 0 : i32
        %scatter3A_494 = tpu.memref_slice %arg10[%rem3A_353, %scatter3A_490, %scatter3A_491, %scatter3A_492, %scatter3A_493] : memref<2x2x4x8x129xf32, #tpu.memory_space<vmem>> -> memref<1x1x4x8x129xf32, #tpu.memory_space<vmem>>
        %scatter3A_495 = tpu.memref_squeeze %scatter3A_494 : memref<1x1x4x8x129xf32, #tpu.memory_space<vmem>> -> memref<4x8x129xf32, #tpu.memory_space<vmem>>
        tpu.vector_store_idx %scatter3A_495[%mul3A_5, %add3A_11, %add3A_469], %add3A_489 : memref<4x8x129xf32, #tpu.memory_space<vmem>>[vector<16xi32>, vector<16xi32>, vector<16xi32>], vector<16xf32>,
        %mul3A_496 = arith.constant 16 : i32
        %mul3A_497 = arith.muli %scan3A_427, %mul3A_496 : i32
        %add3A_498 = arith.constant 2 : i32
        %add3A_499 = arith.addi %mul3A_497, %add3A_498 : i32
        %add3A_500 = arith.constant 2 : i32
        %add3A_501 = vector.broadcast %add3A_500 : i32 to vector<16xi32>
        %add3A_502 = arith.addi %broadcast_in_dim3A_430, %add3A_501 : vector<16xi32>
        %add3A_503 = arith.constant 0 : i32
        %add3A_504 = arith.addi %add3A_503, %add3A_499 : i32
        %get3A_505 = arith.index_cast %rem3A_351 : i32 to index
        %get3A_506 = arith.index_cast %add3A_504 : i32 to index
        %get3A_507 = arith.constant 0 : index
        %get3A_508 = tpu.vector_load %arg9[%get3A_505, %get3A_506, %get3A_507] {strides = array<i32>} : memref<3x256x32xf32, #tpu.memory_space<vmem>>, vector<16xf32>,
        %add3A_509 = arith.addf %get3A_508, %get3A_377 : vector<16xf32>
        %scatter3A_510 = arith.constant 0 : i32
        %scatter3A_511 = arith.constant 0 : i32
        %scatter3A_512 = arith.constant 0 : i32
        %scatter3A_513 = arith.constant 0 : i32
        %scatter3A_514 = tpu.memref_slice %arg10[%rem3A_353, %scatter3A_510, %scatter3A_511, %scatter3A_512, %scatter3A_513] : memref<2x2x4x8x129xf32, #tpu.memory_space<vmem>> -> memref<1x1x4x8x129xf32, #tpu.memory_space<vmem>>
        %scatter3A_515 = tpu.memref_squeeze %scatter3A_514 : memref<1x1x4x8x129xf32, #tpu.memory_space<vmem>> -> memref<4x8x129xf32, #tpu.memory_space<vmem>>
        tpu.vector_store_idx %scatter3A_515[%mul3A_5, %add3A_8, %add3A_502], %add3A_509 : memref<4x8x129xf32, #tpu.memory_space<vmem>>[vector<16xi32>, vector<16xi32>, vector<16xi32>], vector<16xf32>,
        %add3A_516 = arith.constant 0 : i32
        %add3A_517 = arith.addi %add3A_516, %add3A_499 : i32
        %get3A_518 = arith.index_cast %rem3A_351 : i32 to index
        %get3A_519 = arith.index_cast %add3A_517 : i32 to index
        %get3A_520 = arith.constant 16 : index
        %get3A_521 = tpu.vector_load %arg9[%get3A_518, %get3A_519, %get3A_520] {strides = array<i32>} : memref<3x256x32xf32, #tpu.memory_space<vmem>>, vector<16xf32>,
        %add3A_522 = arith.addf %get3A_521, %get3A_380 : vector<16xf32>
        %scatter3A_523 = arith.constant 0 : i32
        %scatter3A_524 = arith.constant 0 : i32
        %scatter3A_525 = arith.constant 0 : i32
        %scatter3A_526 = arith.constant 0 : i32
        %scatter3A_527 = tpu.memref_slice %arg10[%rem3A_353, %scatter3A_523, %scatter3A_524, %scatter3A_525, %scatter3A_526] : memref<2x2x4x8x129xf32, #tpu.memory_space<vmem>> -> memref<1x1x4x8x129xf32, #tpu.memory_space<vmem>>
        %scatter3A_528 = tpu.memref_squeeze %scatter3A_527 : memref<1x1x4x8x129xf32, #tpu.memory_space<vmem>> -> memref<4x8x129xf32, #tpu.memory_space<vmem>>
        tpu.vector_store_idx %scatter3A_528[%mul3A_5, %add3A_11, %add3A_502], %add3A_522 : memref<4x8x129xf32, #tpu.memory_space<vmem>>[vector<16xi32>, vector<16xi32>, vector<16xi32>], vector<16xf32>,
        %mul3A_529 = arith.constant 16 : i32
        %mul3A_530 = arith.muli %scan3A_427, %mul3A_529 : i32
        %add3A_531 = arith.constant 3 : i32
        %add3A_532 = arith.addi %mul3A_530, %add3A_531 : i32
        %add3A_533 = arith.constant 3 : i32
        %add3A_534 = vector.broadcast %add3A_533 : i32 to vector<16xi32>
        %add3A_535 = arith.addi %broadcast_in_dim3A_430, %add3A_534 : vector<16xi32>
        %add3A_536 = arith.constant 0 : i32
        %add3A_537 = arith.addi %add3A_536, %add3A_532 : i32
        %get3A_538 = arith.index_cast %rem3A_351 : i32 to index
        %get3A_539 = arith.index_cast %add3A_537 : i32 to index
        %get3A_540 = arith.constant 0 : index
        %get3A_541 = tpu.vector_load %arg9[%get3A_538, %get3A_539, %get3A_540] {strides = array<i32>} : memref<3x256x32xf32, #tpu.memory_space<vmem>>, vector<16xf32>,
        %add3A_542 = arith.addf %get3A_541, %get3A_377 : vector<16xf32>
        %scatter3A_543 = arith.constant 0 : i32
        %scatter3A_544 = arith.constant 0 : i32
        %scatter3A_545 = arith.constant 0 : i32
        %scatter3A_546 = arith.constant 0 : i32
        %scatter3A_547 = tpu.memref_slice %arg10[%rem3A_353, %scatter3A_543, %scatter3A_544, %scatter3A_545, %scatter3A_546] : memref<2x2x4x8x129xf32, #tpu.memory_space<vmem>> -> memref<1x1x4x8x129xf32, #tpu.memory_space<vmem>>
        %scatter3A_548 = tpu.memref_squeeze %scatter3A_547 : memref<1x1x4x8x129xf32, #tpu.memory_space<vmem>> -> memref<4x8x129xf32, #tpu.memory_space<vmem>>
        tpu.vector_store_idx %scatter3A_548[%mul3A_5, %add3A_8, %add3A_535], %add3A_542 : memref<4x8x129xf32, #tpu.memory_space<vmem>>[vector<16xi32>, vector<16xi32>, vector<16xi32>], vector<16xf32>,
        %add3A_549 = arith.constant 0 : i32
        %add3A_550 = arith.addi %add3A_549, %add3A_532 : i32
        %get3A_551 = arith.index_cast %rem3A_351 : i32 to index
        %get3A_552 = arith.index_cast %add3A_550 : i32 to index
        %get3A_553 = arith.constant 16 : index
        %get3A_554 = tpu.vector_load %arg9[%get3A_551, %get3A_552, %get3A_553] {strides = array<i32>} : memref<3x256x32xf32, #tpu.memory_space<vmem>>, vector<16xf32>,
        %add3A_555 = arith.addf %get3A_554, %get3A_380 : vector<16xf32>
        %scatter3A_556 = arith.constant 0 : i32
        %scatter3A_557 = arith.constant 0 : i32
        %scatter3A_558 = arith.constant 0 : i32
        %scatter3A_559 = arith.constant 0 : i32
        %scatter3A_560 = tpu.memref_slice %arg10[%rem3A_353, %scatter3A_556, %scatter3A_557, %scatter3A_558, %scatter3A_559] : memref<2x2x4x8x129xf32, #tpu.memory_space<vmem>> -> memref<1x1x4x8x129xf32, #tpu.memory_space<vmem>>
        %scatter3A_561 = tpu.memref_squeeze %scatter3A_560 : memref<1x1x4x8x129xf32, #tpu.memory_space<vmem>> -> memref<4x8x129xf32, #tpu.memory_space<vmem>>
        tpu.vector_store_idx %scatter3A_561[%mul3A_5, %add3A_11, %add3A_535], %add3A_555 : memref<4x8x129xf32, #tpu.memory_space<vmem>>[vector<16xi32>, vector<16xi32>, vector<16xi32>], vector<16xf32>,
        %mul3A_562 = arith.constant 16 : i32
        %mul3A_563 = arith.muli %scan3A_427, %mul3A_562 : i32
        %add3A_564 = arith.constant 4 : i32
        %add3A_565 = arith.addi %mul3A_563, %add3A_564 : i32
        %add3A_566 = arith.constant 4 : i32
        %add3A_567 = vector.broadcast %add3A_566 : i32 to vector<16xi32>
        %add3A_568 = arith.addi %broadcast_in_dim3A_430, %add3A_567 : vector<16xi32>
        %add3A_569 = arith.constant 0 : i32
        %add3A_570 = arith.addi %add3A_569, %add3A_565 : i32
        %get3A_571 = arith.index_cast %rem3A_351 : i32 to index
        %get3A_572 = arith.index_cast %add3A_570 : i32 to index
        %get3A_573 = arith.constant 0 : index
        %get3A_574 = tpu.vector_load %arg9[%get3A_571, %get3A_572, %get3A_573] {strides = array<i32>} : memref<3x256x32xf32, #tpu.memory_space<vmem>>, vector<16xf32>,
        %add3A_575 = arith.addf %get3A_574, %get3A_377 : vector<16xf32>
        %scatter3A_576 = arith.constant 0 : i32
        %scatter3A_577 = arith.constant 0 : i32
        %scatter3A_578 = arith.constant 0 : i32
        %scatter3A_579 = arith.constant 0 : i32
        %scatter3A_580 = tpu.memref_slice %arg10[%rem3A_353, %scatter3A_576, %scatter3A_577, %scatter3A_578, %scatter3A_579] : memref<2x2x4x8x129xf32, #tpu.memory_space<vmem>> -> memref<1x1x4x8x129xf32, #tpu.memory_space<vmem>>
        %scatter3A_581 = tpu.memref_squeeze %scatter3A_580 : memref<1x1x4x8x129xf32, #tpu.memory_space<vmem>> -> memref<4x8x129xf32, #tpu.memory_space<vmem>>
        tpu.vector_store_idx %scatter3A_581[%mul3A_5, %add3A_8, %add3A_568], %add3A_575 : memref<4x8x129xf32, #tpu.memory_space<vmem>>[vector<16xi32>, vector<16xi32>, vector<16xi32>], vector<16xf32>,
        %add3A_582 = arith.constant 0 : i32
        %add3A_583 = arith.addi %add3A_582, %add3A_565 : i32
        %get3A_584 = arith.index_cast %rem3A_351 : i32 to index
        %get3A_585 = arith.index_cast %add3A_583 : i32 to index
        %get3A_586 = arith.constant 16 : index
        %get3A_587 = tpu.vector_load %arg9[%get3A_584, %get3A_585, %get3A_586] {strides = array<i32>} : memref<3x256x32xf32, #tpu.memory_space<vmem>>, vector<16xf32>,
        %add3A_588 = arith.addf %get3A_587, %get3A_380 : vector<16xf32>
        %scatter3A_589 = arith.constant 0 : i32
        %scatter3A_590 = arith.constant 0 : i32
        %scatter3A_591 = arith.constant 0 : i32
        %scatter3A_592 = arith.constant 0 : i32
        %scatter3A_593 = tpu.memref_slice %arg10[%rem3A_353, %scatter3A_589, %scatter3A_590, %scatter3A_591, %scatter3A_592] : memref<2x2x4x8x129xf32, #tpu.memory_space<vmem>> -> memref<1x1x4x8x129xf32, #tpu.memory_space<vmem>>
        %scatter3A_594 = tpu.memref_squeeze %scatter3A_593 : memref<1x1x4x8x129xf32, #tpu.memory_space<vmem>> -> memref<4x8x129xf32, #tpu.memory_space<vmem>>
        tpu.vector_store_idx %scatter3A_594[%mul3A_5, %add3A_11, %add3A_568], %add3A_588 : memref<4x8x129xf32, #tpu.memory_space<vmem>>[vector<16xi32>, vector<16xi32>, vector<16xi32>], vector<16xf32>,
        %mul3A_595 = arith.constant 16 : i32
        %mul3A_596 = arith.muli %scan3A_427, %mul3A_595 : i32
        %add3A_597 = arith.constant 5 : i32
        %add3A_598 = arith.addi %mul3A_596, %add3A_597 : i32
        %add3A_599 = arith.constant 5 : i32
        %add3A_600 = vector.broadcast %add3A_599 : i32 to vector<16xi32>
        %add3A_601 = arith.addi %broadcast_in_dim3A_430, %add3A_600 : vector<16xi32>
        %add3A_602 = arith.constant 0 : i32
        %add3A_603 = arith.addi %add3A_602, %add3A_598 : i32
        %get3A_604 = arith.index_cast %rem3A_351 : i32 to index
        %get3A_605 = arith.index_cast %add3A_603 : i32 to index
        %get3A_606 = arith.constant 0 : index
        %get3A_607 = tpu.vector_load %arg9[%get3A_604, %get3A_605, %get3A_606] {strides = array<i32>} : memref<3x256x32xf32, #tpu.memory_space<vmem>>, vector<16xf32>,
        %add3A_608 = arith.addf %get3A_607, %get3A_377 : vector<16xf32>
        %scatter3A_609 = arith.constant 0 : i32
        %scatter3A_610 = arith.constant 0 : i32
        %scatter3A_611 = arith.constant 0 : i32
        %scatter3A_612 = arith.constant 0 : i32
        %scatter3A_613 = tpu.memref_slice %arg10[%rem3A_353, %scatter3A_609, %scatter3A_610, %scatter3A_611, %scatter3A_612] : memref<2x2x4x8x129xf32, #tpu.memory_space<vmem>> -> memref<1x1x4x8x129xf32, #tpu.memory_space<vmem>>
        %scatter3A_614 = tpu.memref_squeeze %scatter3A_613 : memref<1x1x4x8x129xf32, #tpu.memory_space<vmem>> -> memref<4x8x129xf32, #tpu.memory_space<vmem>>
        tpu.vector_store_idx %scatter3A_614[%mul3A_5, %add3A_8, %add3A_601], %add3A_608 : memref<4x8x129xf32, #tpu.memory_space<vmem>>[vector<16xi32>, vector<16xi32>, vector<16xi32>], vector<16xf32>,
        %add3A_615 = arith.constant 0 : i32
        %add3A_616 = arith.addi %add3A_615, %add3A_598 : i32
        %get3A_617 = arith.index_cast %rem3A_351 : i32 to index
        %get3A_618 = arith.index_cast %add3A_616 : i32 to index
        %get3A_619 = arith.constant 16 : index
        %get3A_620 = tpu.vector_load %arg9[%get3A_617, %get3A_618, %get3A_619] {strides = array<i32>} : memref<3x256x32xf32, #tpu.memory_space<vmem>>, vector<16xf32>,
        %add3A_621 = arith.addf %get3A_620, %get3A_380 : vector<16xf32>
        %scatter3A_622 = arith.constant 0 : i32
        %scatter3A_623 = arith.constant 0 : i32
        %scatter3A_624 = arith.constant 0 : i32
        %scatter3A_625 = arith.constant 0 : i32
        %scatter3A_626 = tpu.memref_slice %arg10[%rem3A_353, %scatter3A_622, %scatter3A_623, %scatter3A_624, %scatter3A_625] : memref<2x2x4x8x129xf32, #tpu.memory_space<vmem>> -> memref<1x1x4x8x129xf32, #tpu.memory_space<vmem>>
        %scatter3A_627 = tpu.memref_squeeze %scatter3A_626 : memref<1x1x4x8x129xf32, #tpu.memory_space<vmem>> -> memref<4x8x129xf32, #tpu.memory_space<vmem>>
        tpu.vector_store_idx %scatter3A_627[%mul3A_5, %add3A_11, %add3A_601], %add3A_621 : memref<4x8x129xf32, #tpu.memory_space<vmem>>[vector<16xi32>, vector<16xi32>, vector<16xi32>], vector<16xf32>,
        %mul3A_628 = arith.constant 16 : i32
        %mul3A_629 = arith.muli %scan3A_427, %mul3A_628 : i32
        %add3A_630 = arith.constant 6 : i32
        %add3A_631 = arith.addi %mul3A_629, %add3A_630 : i32
        %add3A_632 = arith.constant 6 : i32
        %add3A_633 = vector.broadcast %add3A_632 : i32 to vector<16xi32>
        %add3A_634 = arith.addi %broadcast_in_dim3A_430, %add3A_633 : vector<16xi32>
        %add3A_635 = arith.constant 0 : i32
        %add3A_636 = arith.addi %add3A_635, %add3A_631 : i32
        %get3A_637 = arith.index_cast %rem3A_351 : i32 to index
        %get3A_638 = arith.index_cast %add3A_636 : i32 to index
        %get3A_639 = arith.constant 0 : index
        %get3A_640 = tpu.vector_load %arg9[%get3A_637, %get3A_638, %get3A_639] {strides = array<i32>} : memref<3x256x32xf32, #tpu.memory_space<vmem>>, vector<16xf32>,
        %add3A_641 = arith.addf %get3A_640, %get3A_377 : vector<16xf32>
        %scatter3A_642 = arith.constant 0 : i32
        %scatter3A_643 = arith.constant 0 : i32
        %scatter3A_644 = arith.constant 0 : i32
        %scatter3A_645 = arith.constant 0 : i32
        %scatter3A_646 = tpu.memref_slice %arg10[%rem3A_353, %scatter3A_642, %scatter3A_643, %scatter3A_644, %scatter3A_645] : memref<2x2x4x8x129xf32, #tpu.memory_space<vmem>> -> memref<1x1x4x8x129xf32, #tpu.memory_space<vmem>>
        %scatter3A_647 = tpu.memref_squeeze %scatter3A_646 : memref<1x1x4x8x129xf32, #tpu.memory_space<vmem>> -> memref<4x8x129xf32, #tpu.memory_space<vmem>>
        tpu.vector_store_idx %scatter3A_647[%mul3A_5, %add3A_8, %add3A_634], %add3A_641 : memref<4x8x129xf32, #tpu.memory_space<vmem>>[vector<16xi32>, vector<16xi32>, vector<16xi32>], vector<16xf32>,
        %add3A_648 = arith.constant 0 : i32
        %add3A_649 = arith.addi %add3A_648, %add3A_631 : i32
        %get3A_650 = arith.index_cast %rem3A_351 : i32 to index
        %get3A_651 = arith.index_cast %add3A_649 : i32 to index
        %get3A_652 = arith.constant 16 : index
        %get3A_653 = tpu.vector_load %arg9[%get3A_650, %get3A_651, %get3A_652] {strides = array<i32>} : memref<3x256x32xf32, #tpu.memory_space<vmem>>, vector<16xf32>,
        %add3A_654 = arith.addf %get3A_653, %get3A_380 : vector<16xf32>
        %scatter3A_655 = arith.constant 0 : i32
        %scatter3A_656 = arith.constant 0 : i32
        %scatter3A_657 = arith.constant 0 : i32
        %scatter3A_658 = arith.constant 0 : i32
        %scatter3A_659 = tpu.memref_slice %arg10[%rem3A_353, %scatter3A_655, %scatter3A_656, %scatter3A_657, %scatter3A_658] : memref<2x2x4x8x129xf32, #tpu.memory_space<vmem>> -> memref<1x1x4x8x129xf32, #tpu.memory_space<vmem>>
        %scatter3A_660 = tpu.memref_squeeze %scatter3A_659 : memref<1x1x4x8x129xf32, #tpu.memory_space<vmem>> -> memref<4x8x129xf32, #tpu.memory_space<vmem>>
        tpu.vector_store_idx %scatter3A_660[%mul3A_5, %add3A_11, %add3A_634], %add3A_654 : memref<4x8x129xf32, #tpu.memory_space<vmem>>[vector<16xi32>, vector<16xi32>, vector<16xi32>], vector<16xf32>,
        %mul3A_661 = arith.constant 16 : i32
        %mul3A_662 = arith.muli %scan3A_427, %mul3A_661 : i32
        %add3A_663 = arith.constant 7 : i32
        %add3A_664 = arith.addi %mul3A_662, %add3A_663 : i32
        %add3A_665 = arith.constant 7 : i32
        %add3A_666 = vector.broadcast %add3A_665 : i32 to vector<16xi32>
        %add3A_667 = arith.addi %broadcast_in_dim3A_430, %add3A_666 : vector<16xi32>
        %add3A_668 = arith.constant 0 : i32
        %add3A_669 = arith.addi %add3A_668, %add3A_664 : i32
        %get3A_670 = arith.index_cast %rem3A_351 : i32 to index
        %get3A_671 = arith.index_cast %add3A_669 : i32 to index
        %get3A_672 = arith.constant 0 : index
        %get3A_673 = tpu.vector_load %arg9[%get3A_670, %get3A_671, %get3A_672] {strides = array<i32>} : memref<3x256x32xf32, #tpu.memory_space<vmem>>, vector<16xf32>,
        %add3A_674 = arith.addf %get3A_673, %get3A_377 : vector<16xf32>
        %scatter3A_675 = arith.constant 0 : i32
        %scatter3A_676 = arith.constant 0 : i32
        %scatter3A_677 = arith.constant 0 : i32
        %scatter3A_678 = arith.constant 0 : i32
        %scatter3A_679 = tpu.memref_slice %arg10[%rem3A_353, %scatter3A_675, %scatter3A_676, %scatter3A_677, %scatter3A_678] : memref<2x2x4x8x129xf32, #tpu.memory_space<vmem>> -> memref<1x1x4x8x129xf32, #tpu.memory_space<vmem>>
        %scatter3A_680 = tpu.memref_squeeze %scatter3A_679 : memref<1x1x4x8x129xf32, #tpu.memory_space<vmem>> -> memref<4x8x129xf32, #tpu.memory_space<vmem>>
        tpu.vector_store_idx %scatter3A_680[%mul3A_5, %add3A_8, %add3A_667], %add3A_674 : memref<4x8x129xf32, #tpu.memory_space<vmem>>[vector<16xi32>, vector<16xi32>, vector<16xi32>], vector<16xf32>,
        %add3A_681 = arith.constant 0 : i32
        %add3A_682 = arith.addi %add3A_681, %add3A_664 : i32
        %get3A_683 = arith.index_cast %rem3A_351 : i32 to index
        %get3A_684 = arith.index_cast %add3A_682 : i32 to index
        %get3A_685 = arith.constant 16 : index
        %get3A_686 = tpu.vector_load %arg9[%get3A_683, %get3A_684, %get3A_685] {strides = array<i32>} : memref<3x256x32xf32, #tpu.memory_space<vmem>>, vector<16xf32>,
        %add3A_687 = arith.addf %get3A_686, %get3A_380 : vector<16xf32>
        %scatter3A_688 = arith.constant 0 : i32
        %scatter3A_689 = arith.constant 0 : i32
        %scatter3A_690 = arith.constant 0 : i32
        %scatter3A_691 = arith.constant 0 : i32
        %scatter3A_692 = tpu.memref_slice %arg10[%rem3A_353, %scatter3A_688, %scatter3A_689, %scatter3A_690, %scatter3A_691] : memref<2x2x4x8x129xf32, #tpu.memory_space<vmem>> -> memref<1x1x4x8x129xf32, #tpu.memory_space<vmem>>
        %scatter3A_693 = tpu.memref_squeeze %scatter3A_692 : memref<1x1x4x8x129xf32, #tpu.memory_space<vmem>> -> memref<4x8x129xf32, #tpu.memory_space<vmem>>
        tpu.vector_store_idx %scatter3A_693[%mul3A_5, %add3A_11, %add3A_667], %add3A_687 : memref<4x8x129xf32, #tpu.memory_space<vmem>>[vector<16xi32>, vector<16xi32>, vector<16xi32>], vector<16xf32>,
        %mul3A_694 = arith.constant 16 : i32
        %mul3A_695 = arith.muli %scan3A_427, %mul3A_694 : i32
        %add3A_696 = arith.constant 8 : i32
        %add3A_697 = arith.addi %mul3A_695, %add3A_696 : i32
        %add3A_698 = arith.constant 8 : i32
        %add3A_699 = vector.broadcast %add3A_698 : i32 to vector<16xi32>
        %add3A_700 = arith.addi %broadcast_in_dim3A_430, %add3A_699 : vector<16xi32>
        %add3A_701 = arith.constant 0 : i32
        %add3A_702 = arith.addi %add3A_701, %add3A_697 : i32
        %get3A_703 = arith.index_cast %rem3A_351 : i32 to index
        %get3A_704 = arith.index_cast %add3A_702 : i32 to index
        %get3A_705 = arith.constant 0 : index
        %get3A_706 = tpu.vector_load %arg9[%get3A_703, %get3A_704, %get3A_705] {strides = array<i32>} : memref<3x256x32xf32, #tpu.memory_space<vmem>>, vector<16xf32>,
        %add3A_707 = arith.addf %get3A_706, %get3A_377 : vector<16xf32>
        %scatter3A_708 = arith.constant 0 : i32
        %scatter3A_709 = arith.constant 0 : i32
        %scatter3A_710 = arith.constant 0 : i32
        %scatter3A_711 = arith.constant 0 : i32
        %scatter3A_712 = tpu.memref_slice %arg10[%rem3A_353, %scatter3A_708, %scatter3A_709, %scatter3A_710, %scatter3A_711] : memref<2x2x4x8x129xf32, #tpu.memory_space<vmem>> -> memref<1x1x4x8x129xf32, #tpu.memory_space<vmem>>
        %scatter3A_713 = tpu.memref_squeeze %scatter3A_712 : memref<1x1x4x8x129xf32, #tpu.memory_space<vmem>> -> memref<4x8x129xf32, #tpu.memory_space<vmem>>
        tpu.vector_store_idx %scatter3A_713[%mul3A_5, %add3A_8, %add3A_700], %add3A_707 : memref<4x8x129xf32, #tpu.memory_space<vmem>>[vector<16xi32>, vector<16xi32>, vector<16xi32>], vector<16xf32>,
        %add3A_714 = arith.constant 0 : i32
        %add3A_715 = arith.addi %add3A_714, %add3A_697 : i32
        %get3A_716 = arith.index_cast %rem3A_351 : i32 to index
        %get3A_717 = arith.index_cast %add3A_715 : i32 to index
        %get3A_718 = arith.constant 16 : index
        %get3A_719 = tpu.vector_load %arg9[%get3A_716, %get3A_717, %get3A_718] {strides = array<i32>} : memref<3x256x32xf32, #tpu.memory_space<vmem>>, vector<16xf32>,
        %add3A_720 = arith.addf %get3A_719, %get3A_380 : vector<16xf32>
        %scatter3A_721 = arith.constant 0 : i32
        %scatter3A_722 = arith.constant 0 : i32
        %scatter3A_723 = arith.constant 0 : i32
        %scatter3A_724 = arith.constant 0 : i32
        %scatter3A_725 = tpu.memref_slice %arg10[%rem3A_353, %scatter3A_721, %scatter3A_722, %scatter3A_723, %scatter3A_724] : memref<2x2x4x8x129xf32, #tpu.memory_space<vmem>> -> memref<1x1x4x8x129xf32, #tpu.memory_space<vmem>>
        %scatter3A_726 = tpu.memref_squeeze %scatter3A_725 : memref<1x1x4x8x129xf32, #tpu.memory_space<vmem>> -> memref<4x8x129xf32, #tpu.memory_space<vmem>>
        tpu.vector_store_idx %scatter3A_726[%mul3A_5, %add3A_11, %add3A_700], %add3A_720 : memref<4x8x129xf32, #tpu.memory_space<vmem>>[vector<16xi32>, vector<16xi32>, vector<16xi32>], vector<16xf32>,
        %mul3A_727 = arith.constant 16 : i32
        %mul3A_728 = arith.muli %scan3A_427, %mul3A_727 : i32
        %add3A_729 = arith.constant 9 : i32
        %add3A_730 = arith.addi %mul3A_728, %add3A_729 : i32
        %add3A_731 = arith.constant 9 : i32
        %add3A_732 = vector.broadcast %add3A_731 : i32 to vector<16xi32>
        %add3A_733 = arith.addi %broadcast_in_dim3A_430, %add3A_732 : vector<16xi32>
        %add3A_734 = arith.constant 0 : i32
        %add3A_735 = arith.addi %add3A_734, %add3A_730 : i32
        %get3A_736 = arith.index_cast %rem3A_351 : i32 to index
        %get3A_737 = arith.index_cast %add3A_735 : i32 to index
        %get3A_738 = arith.constant 0 : index
        %get3A_739 = tpu.vector_load %arg9[%get3A_736, %get3A_737, %get3A_738] {strides = array<i32>} : memref<3x256x32xf32, #tpu.memory_space<vmem>>, vector<16xf32>,
        %add3A_740 = arith.addf %get3A_739, %get3A_377 : vector<16xf32>
        %scatter3A_741 = arith.constant 0 : i32
        %scatter3A_742 = arith.constant 0 : i32
        %scatter3A_743 = arith.constant 0 : i32
        %scatter3A_744 = arith.constant 0 : i32
        %scatter3A_745 = tpu.memref_slice %arg10[%rem3A_353, %scatter3A_741, %scatter3A_742, %scatter3A_743, %scatter3A_744] : memref<2x2x4x8x129xf32, #tpu.memory_space<vmem>> -> memref<1x1x4x8x129xf32, #tpu.memory_space<vmem>>
        %scatter3A_746 = tpu.memref_squeeze %scatter3A_745 : memref<1x1x4x8x129xf32, #tpu.memory_space<vmem>> -> memref<4x8x129xf32, #tpu.memory_space<vmem>>
        tpu.vector_store_idx %scatter3A_746[%mul3A_5, %add3A_8, %add3A_733], %add3A_740 : memref<4x8x129xf32, #tpu.memory_space<vmem>>[vector<16xi32>, vector<16xi32>, vector<16xi32>], vector<16xf32>,
        %add3A_747 = arith.constant 0 : i32
        %add3A_748 = arith.addi %add3A_747, %add3A_730 : i32
        %get3A_749 = arith.index_cast %rem3A_351 : i32 to index
        %get3A_750 = arith.index_cast %add3A_748 : i32 to index
        %get3A_751 = arith.constant 16 : index
        %get3A_752 = tpu.vector_load %arg9[%get3A_749, %get3A_750, %get3A_751] {strides = array<i32>} : memref<3x256x32xf32, #tpu.memory_space<vmem>>, vector<16xf32>,
        %add3A_753 = arith.addf %get3A_752, %get3A_380 : vector<16xf32>
        %scatter3A_754 = arith.constant 0 : i32
        %scatter3A_755 = arith.constant 0 : i32
        %scatter3A_756 = arith.constant 0 : i32
        %scatter3A_757 = arith.constant 0 : i32
        %scatter3A_758 = tpu.memref_slice %arg10[%rem3A_353, %scatter3A_754, %scatter3A_755, %scatter3A_756, %scatter3A_757] : memref<2x2x4x8x129xf32, #tpu.memory_space<vmem>> -> memref<1x1x4x8x129xf32, #tpu.memory_space<vmem>>
        %scatter3A_759 = tpu.memref_squeeze %scatter3A_758 : memref<1x1x4x8x129xf32, #tpu.memory_space<vmem>> -> memref<4x8x129xf32, #tpu.memory_space<vmem>>
        tpu.vector_store_idx %scatter3A_759[%mul3A_5, %add3A_11, %add3A_733], %add3A_753 : memref<4x8x129xf32, #tpu.memory_space<vmem>>[vector<16xi32>, vector<16xi32>, vector<16xi32>], vector<16xf32>,
        %mul3A_760 = arith.constant 16 : i32
        %mul3A_761 = arith.muli %scan3A_427, %mul3A_760 : i32
        %add3A_762 = arith.constant 10 : i32
        %add3A_763 = arith.addi %mul3A_761, %add3A_762 : i32
        %add3A_764 = arith.constant 10 : i32
        %add3A_765 = vector.broadcast %add3A_764 : i32 to vector<16xi32>
        %add3A_766 = arith.addi %broadcast_in_dim3A_430, %add3A_765 : vector<16xi32>
        %add3A_767 = arith.constant 0 : i32
        %add3A_768 = arith.addi %add3A_767, %add3A_763 : i32
        %get3A_769 = arith.index_cast %rem3A_351 : i32 to index
        %get3A_770 = arith.index_cast %add3A_768 : i32 to index
        %get3A_771 = arith.constant 0 : index
        %get3A_772 = tpu.vector_load %arg9[%get3A_769, %get3A_770, %get3A_771] {strides = array<i32>} : memref<3x256x32xf32, #tpu.memory_space<vmem>>, vector<16xf32>,
        %add3A_773 = arith.addf %get3A_772, %get3A_377 : vector<16xf32>
        %scatter3A_774 = arith.constant 0 : i32
        %scatter3A_775 = arith.constant 0 : i32
        %scatter3A_776 = arith.constant 0 : i32
        %scatter3A_777 = arith.constant 0 : i32
        %scatter3A_778 = tpu.memref_slice %arg10[%rem3A_353, %scatter3A_774, %scatter3A_775, %scatter3A_776, %scatter3A_777] : memref<2x2x4x8x129xf32, #tpu.memory_space<vmem>> -> memref<1x1x4x8x129xf32, #tpu.memory_space<vmem>>
        %scatter3A_779 = tpu.memref_squeeze %scatter3A_778 : memref<1x1x4x8x129xf32, #tpu.memory_space<vmem>> -> memref<4x8x129xf32, #tpu.memory_space<vmem>>
        tpu.vector_store_idx %scatter3A_779[%mul3A_5, %add3A_8, %add3A_766], %add3A_773 : memref<4x8x129xf32, #tpu.memory_space<vmem>>[vector<16xi32>, vector<16xi32>, vector<16xi32>], vector<16xf32>,
        %add3A_780 = arith.constant 0 : i32
        %add3A_781 = arith.addi %add3A_780, %add3A_763 : i32
        %get3A_782 = arith.index_cast %rem3A_351 : i32 to index
        %get3A_783 = arith.index_cast %add3A_781 : i32 to index
        %get3A_784 = arith.constant 16 : index
        %get3A_785 = tpu.vector_load %arg9[%get3A_782, %get3A_783, %get3A_784] {strides = array<i32>} : memref<3x256x32xf32, #tpu.memory_space<vmem>>, vector<16xf32>,
        %add3A_786 = arith.addf %get3A_785, %get3A_380 : vector<16xf32>
        %scatter3A_787 = arith.constant 0 : i32
        %scatter3A_788 = arith.constant 0 : i32
        %scatter3A_789 = arith.constant 0 : i32
        %scatter3A_790 = arith.constant 0 : i32
        %scatter3A_791 = tpu.memref_slice %arg10[%rem3A_353, %scatter3A_787, %scatter3A_788, %scatter3A_789, %scatter3A_790] : memref<2x2x4x8x129xf32, #tpu.memory_space<vmem>> -> memref<1x1x4x8x129xf32, #tpu.memory_space<vmem>>
        %scatter3A_792 = tpu.memref_squeeze %scatter3A_791 : memref<1x1x4x8x129xf32, #tpu.memory_space<vmem>> -> memref<4x8x129xf32, #tpu.memory_space<vmem>>
        tpu.vector_store_idx %scatter3A_792[%mul3A_5, %add3A_11, %add3A_766], %add3A_786 : memref<4x8x129xf32, #tpu.memory_space<vmem>>[vector<16xi32>, vector<16xi32>, vector<16xi32>], vector<16xf32>,
        %mul3A_793 = arith.constant 16 : i32
        %mul3A_794 = arith.muli %scan3A_427, %mul3A_793 : i32
        %add3A_795 = arith.constant 11 : i32
        %add3A_796 = arith.addi %mul3A_794, %add3A_795 : i32
        %add3A_797 = arith.constant 11 : i32
        %add3A_798 = vector.broadcast %add3A_797 : i32 to vector<16xi32>
        %add3A_799 = arith.addi %broadcast_in_dim3A_430, %add3A_798 : vector<16xi32>
        %add3A_800 = arith.constant 0 : i32
        %add3A_801 = arith.addi %add3A_800, %add3A_796 : i32
        %get3A_802 = arith.index_cast %rem3A_351 : i32 to index
        %get3A_803 = arith.index_cast %add3A_801 : i32 to index
        %get3A_804 = arith.constant 0 : index
        %get3A_805 = tpu.vector_load %arg9[%get3A_802, %get3A_803, %get3A_804] {strides = array<i32>} : memref<3x256x32xf32, #tpu.memory_space<vmem>>, vector<16xf32>,
        %add3A_806 = arith.addf %get3A_805, %get3A_377 : vector<16xf32>
        %scatter3A_807 = arith.constant 0 : i32
        %scatter3A_808 = arith.constant 0 : i32
        %scatter3A_809 = arith.constant 0 : i32
        %scatter3A_810 = arith.constant 0 : i32
        %scatter3A_811 = tpu.memref_slice %arg10[%rem3A_353, %scatter3A_807, %scatter3A_808, %scatter3A_809, %scatter3A_810] : memref<2x2x4x8x129xf32, #tpu.memory_space<vmem>> -> memref<1x1x4x8x129xf32, #tpu.memory_space<vmem>>
        %scatter3A_812 = tpu.memref_squeeze %scatter3A_811 : memref<1x1x4x8x129xf32, #tpu.memory_space<vmem>> -> memref<4x8x129xf32, #tpu.memory_space<vmem>>
        tpu.vector_store_idx %scatter3A_812[%mul3A_5, %add3A_8, %add3A_799], %add3A_806 : memref<4x8x129xf32, #tpu.memory_space<vmem>>[vector<16xi32>, vector<16xi32>, vector<16xi32>], vector<16xf32>,
        %add3A_813 = arith.constant 0 : i32
        %add3A_814 = arith.addi %add3A_813, %add3A_796 : i32
        %get3A_815 = arith.index_cast %rem3A_351 : i32 to index
        %get3A_816 = arith.index_cast %add3A_814 : i32 to index
        %get3A_817 = arith.constant 16 : index
        %get3A_818 = tpu.vector_load %arg9[%get3A_815, %get3A_816, %get3A_817] {strides = array<i32>} : memref<3x256x32xf32, #tpu.memory_space<vmem>>, vector<16xf32>,
        %add3A_819 = arith.addf %get3A_818, %get3A_380 : vector<16xf32>
        %scatter3A_820 = arith.constant 0 : i32
        %scatter3A_821 = arith.constant 0 : i32
        %scatter3A_822 = arith.constant 0 : i32
        %scatter3A_823 = arith.constant 0 : i32
        %scatter3A_824 = tpu.memref_slice %arg10[%rem3A_353, %scatter3A_820, %scatter3A_821, %scatter3A_822, %scatter3A_823] : memref<2x2x4x8x129xf32, #tpu.memory_space<vmem>> -> memref<1x1x4x8x129xf32, #tpu.memory_space<vmem>>
        %scatter3A_825 = tpu.memref_squeeze %scatter3A_824 : memref<1x1x4x8x129xf32, #tpu.memory_space<vmem>> -> memref<4x8x129xf32, #tpu.memory_space<vmem>>
        tpu.vector_store_idx %scatter3A_825[%mul3A_5, %add3A_11, %add3A_799], %add3A_819 : memref<4x8x129xf32, #tpu.memory_space<vmem>>[vector<16xi32>, vector<16xi32>, vector<16xi32>], vector<16xf32>,
        %mul3A_826 = arith.constant 16 : i32
        %mul3A_827 = arith.muli %scan3A_427, %mul3A_826 : i32
        %add3A_828 = arith.constant 12 : i32
        %add3A_829 = arith.addi %mul3A_827, %add3A_828 : i32
        %add3A_830 = arith.constant 12 : i32
        %add3A_831 = vector.broadcast %add3A_830 : i32 to vector<16xi32>
        %add3A_832 = arith.addi %broadcast_in_dim3A_430, %add3A_831 : vector<16xi32>
        %add3A_833 = arith.constant 0 : i32
        %add3A_834 = arith.addi %add3A_833, %add3A_829 : i32
        %get3A_835 = arith.index_cast %rem3A_351 : i32 to index
        %get3A_836 = arith.index_cast %add3A_834 : i32 to index
        %get3A_837 = arith.constant 0 : index
        %get3A_838 = tpu.vector_load %arg9[%get3A_835, %get3A_836, %get3A_837] {strides = array<i32>} : memref<3x256x32xf32, #tpu.memory_space<vmem>>, vector<16xf32>,
        %add3A_839 = arith.addf %get3A_838, %get3A_377 : vector<16xf32>
        %scatter3A_840 = arith.constant 0 : i32
        %scatter3A_841 = arith.constant 0 : i32
        %scatter3A_842 = arith.constant 0 : i32
        %scatter3A_843 = arith.constant 0 : i32
        %scatter3A_844 = tpu.memref_slice %arg10[%rem3A_353, %scatter3A_840, %scatter3A_841, %scatter3A_842, %scatter3A_843] : memref<2x2x4x8x129xf32, #tpu.memory_space<vmem>> -> memref<1x1x4x8x129xf32, #tpu.memory_space<vmem>>
        %scatter3A_845 = tpu.memref_squeeze %scatter3A_844 : memref<1x1x4x8x129xf32, #tpu.memory_space<vmem>> -> memref<4x8x129xf32, #tpu.memory_space<vmem>>
        tpu.vector_store_idx %scatter3A_845[%mul3A_5, %add3A_8, %add3A_832], %add3A_839 : memref<4x8x129xf32, #tpu.memory_space<vmem>>[vector<16xi32>, vector<16xi32>, vector<16xi32>], vector<16xf32>,
        %add3A_846 = arith.constant 0 : i32
        %add3A_847 = arith.addi %add3A_846, %add3A_829 : i32
        %get3A_848 = arith.index_cast %rem3A_351 : i32 to index
        %get3A_849 = arith.index_cast %add3A_847 : i32 to index
        %get3A_850 = arith.constant 16 : index
        %get3A_851 = tpu.vector_load %arg9[%get3A_848, %get3A_849, %get3A_850] {strides = array<i32>} : memref<3x256x32xf32, #tpu.memory_space<vmem>>, vector<16xf32>,
        %add3A_852 = arith.addf %get3A_851, %get3A_380 : vector<16xf32>
        %scatter3A_853 = arith.constant 0 : i32
        %scatter3A_854 = arith.constant 0 : i32
        %scatter3A_855 = arith.constant 0 : i32
        %scatter3A_856 = arith.constant 0 : i32
        %scatter3A_857 = tpu.memref_slice %arg10[%rem3A_353, %scatter3A_853, %scatter3A_854, %scatter3A_855, %scatter3A_856] : memref<2x2x4x8x129xf32, #tpu.memory_space<vmem>> -> memref<1x1x4x8x129xf32, #tpu.memory_space<vmem>>
        %scatter3A_858 = tpu.memref_squeeze %scatter3A_857 : memref<1x1x4x8x129xf32, #tpu.memory_space<vmem>> -> memref<4x8x129xf32, #tpu.memory_space<vmem>>
        tpu.vector_store_idx %scatter3A_858[%mul3A_5, %add3A_11, %add3A_832], %add3A_852 : memref<4x8x129xf32, #tpu.memory_space<vmem>>[vector<16xi32>, vector<16xi32>, vector<16xi32>], vector<16xf32>,
        %mul3A_859 = arith.constant 16 : i32
        %mul3A_860 = arith.muli %scan3A_427, %mul3A_859 : i32
        %add3A_861 = arith.constant 13 : i32
        %add3A_862 = arith.addi %mul3A_860, %add3A_861 : i32
        %add3A_863 = arith.constant 13 : i32
        %add3A_864 = vector.broadcast %add3A_863 : i32 to vector<16xi32>
        %add3A_865 = arith.addi %broadcast_in_dim3A_430, %add3A_864 : vector<16xi32>
        %add3A_866 = arith.constant 0 : i32
        %add3A_867 = arith.addi %add3A_866, %add3A_862 : i32
        %get3A_868 = arith.index_cast %rem3A_351 : i32 to index
        %get3A_869 = arith.index_cast %add3A_867 : i32 to index
        %get3A_870 = arith.constant 0 : index
        %get3A_871 = tpu.vector_load %arg9[%get3A_868, %get3A_869, %get3A_870] {strides = array<i32>} : memref<3x256x32xf32, #tpu.memory_space<vmem>>, vector<16xf32>,
        %add3A_872 = arith.addf %get3A_871, %get3A_377 : vector<16xf32>
        %scatter3A_873 = arith.constant 0 : i32
        %scatter3A_874 = arith.constant 0 : i32
        %scatter3A_875 = arith.constant 0 : i32
        %scatter3A_876 = arith.constant 0 : i32
        %scatter3A_877 = tpu.memref_slice %arg10[%rem3A_353, %scatter3A_873, %scatter3A_874, %scatter3A_875, %scatter3A_876] : memref<2x2x4x8x129xf32, #tpu.memory_space<vmem>> -> memref<1x1x4x8x129xf32, #tpu.memory_space<vmem>>
        %scatter3A_878 = tpu.memref_squeeze %scatter3A_877 : memref<1x1x4x8x129xf32, #tpu.memory_space<vmem>> -> memref<4x8x129xf32, #tpu.memory_space<vmem>>
        tpu.vector_store_idx %scatter3A_878[%mul3A_5, %add3A_8, %add3A_865], %add3A_872 : memref<4x8x129xf32, #tpu.memory_space<vmem>>[vector<16xi32>, vector<16xi32>, vector<16xi32>], vector<16xf32>,
        %add3A_879 = arith.constant 0 : i32
        %add3A_880 = arith.addi %add3A_879, %add3A_862 : i32
        %get3A_881 = arith.index_cast %rem3A_351 : i32 to index
        %get3A_882 = arith.index_cast %add3A_880 : i32 to index
        %get3A_883 = arith.constant 16 : index
        %get3A_884 = tpu.vector_load %arg9[%get3A_881, %get3A_882, %get3A_883] {strides = array<i32>} : memref<3x256x32xf32, #tpu.memory_space<vmem>>, vector<16xf32>,
        %add3A_885 = arith.addf %get3A_884, %get3A_380 : vector<16xf32>
        %scatter3A_886 = arith.constant 0 : i32
        %scatter3A_887 = arith.constant 0 : i32
        %scatter3A_888 = arith.constant 0 : i32
        %scatter3A_889 = arith.constant 0 : i32
        %scatter3A_890 = tpu.memref_slice %arg10[%rem3A_353, %scatter3A_886, %scatter3A_887, %scatter3A_888, %scatter3A_889] : memref<2x2x4x8x129xf32, #tpu.memory_space<vmem>> -> memref<1x1x4x8x129xf32, #tpu.memory_space<vmem>>
        %scatter3A_891 = tpu.memref_squeeze %scatter3A_890 : memref<1x1x4x8x129xf32, #tpu.memory_space<vmem>> -> memref<4x8x129xf32, #tpu.memory_space<vmem>>
        tpu.vector_store_idx %scatter3A_891[%mul3A_5, %add3A_11, %add3A_865], %add3A_885 : memref<4x8x129xf32, #tpu.memory_space<vmem>>[vector<16xi32>, vector<16xi32>, vector<16xi32>], vector<16xf32>,
        %mul3A_892 = arith.constant 16 : i32
        %mul3A_893 = arith.muli %scan3A_427, %mul3A_892 : i32
        %add3A_894 = arith.constant 14 : i32
        %add3A_895 = arith.addi %mul3A_893, %add3A_894 : i32
        %add3A_896 = arith.constant 14 : i32
        %add3A_897 = vector.broadcast %add3A_896 : i32 to vector<16xi32>
        %add3A_898 = arith.addi %broadcast_in_dim3A_430, %add3A_897 : vector<16xi32>
        %add3A_899 = arith.constant 0 : i32
        %add3A_900 = arith.addi %add3A_899, %add3A_895 : i32
        %get3A_901 = arith.index_cast %rem3A_351 : i32 to index
        %get3A_902 = arith.index_cast %add3A_900 : i32 to index
        %get3A_903 = arith.constant 0 : index
        %get3A_904 = tpu.vector_load %arg9[%get3A_901, %get3A_902, %get3A_903] {strides = array<i32>} : memref<3x256x32xf32, #tpu.memory_space<vmem>>, vector<16xf32>,
        %add3A_905 = arith.addf %get3A_904, %get3A_377 : vector<16xf32>
        %scatter3A_906 = arith.constant 0 : i32
        %scatter3A_907 = arith.constant 0 : i32
        %scatter3A_908 = arith.constant 0 : i32
        %scatter3A_909 = arith.constant 0 : i32
        %scatter3A_910 = tpu.memref_slice %arg10[%rem3A_353, %scatter3A_906, %scatter3A_907, %scatter3A_908, %scatter3A_909] : memref<2x2x4x8x129xf32, #tpu.memory_space<vmem>> -> memref<1x1x4x8x129xf32, #tpu.memory_space<vmem>>
        %scatter3A_911 = tpu.memref_squeeze %scatter3A_910 : memref<1x1x4x8x129xf32, #tpu.memory_space<vmem>> -> memref<4x8x129xf32, #tpu.memory_space<vmem>>
        tpu.vector_store_idx %scatter3A_911[%mul3A_5, %add3A_8, %add3A_898], %add3A_905 : memref<4x8x129xf32, #tpu.memory_space<vmem>>[vector<16xi32>, vector<16xi32>, vector<16xi32>], vector<16xf32>,
        %add3A_912 = arith.constant 0 : i32
        %add3A_913 = arith.addi %add3A_912, %add3A_895 : i32
        %get3A_914 = arith.index_cast %rem3A_351 : i32 to index
        %get3A_915 = arith.index_cast %add3A_913 : i32 to index
        %get3A_916 = arith.constant 16 : index
        %get3A_917 = tpu.vector_load %arg9[%get3A_914, %get3A_915, %get3A_916] {strides = array<i32>} : memref<3x256x32xf32, #tpu.memory_space<vmem>>, vector<16xf32>,
        %add3A_918 = arith.addf %get3A_917, %get3A_380 : vector<16xf32>
        %scatter3A_919 = arith.constant 0 : i32
        %scatter3A_920 = arith.constant 0 : i32
        %scatter3A_921 = arith.constant 0 : i32
        %scatter3A_922 = arith.constant 0 : i32
        %scatter3A_923 = tpu.memref_slice %arg10[%rem3A_353, %scatter3A_919, %scatter3A_920, %scatter3A_921, %scatter3A_922] : memref<2x2x4x8x129xf32, #tpu.memory_space<vmem>> -> memref<1x1x4x8x129xf32, #tpu.memory_space<vmem>>
        %scatter3A_924 = tpu.memref_squeeze %scatter3A_923 : memref<1x1x4x8x129xf32, #tpu.memory_space<vmem>> -> memref<4x8x129xf32, #tpu.memory_space<vmem>>
        tpu.vector_store_idx %scatter3A_924[%mul3A_5, %add3A_11, %add3A_898], %add3A_918 : memref<4x8x129xf32, #tpu.memory_space<vmem>>[vector<16xi32>, vector<16xi32>, vector<16xi32>], vector<16xf32>,
        %mul3A_925 = arith.constant 16 : i32
        %mul3A_926 = arith.muli %scan3A_427, %mul3A_925 : i32
        %add3A_927 = arith.constant 15 : i32
        %add3A_928 = arith.addi %mul3A_926, %add3A_927 : i32
        %add3A_929 = arith.constant 15 : i32
        %add3A_930 = vector.broadcast %add3A_929 : i32 to vector<16xi32>
        %add3A_931 = arith.addi %broadcast_in_dim3A_430, %add3A_930 : vector<16xi32>
        %add3A_932 = arith.constant 0 : i32
        %add3A_933 = arith.addi %add3A_932, %add3A_928 : i32
        %get3A_934 = arith.index_cast %rem3A_351 : i32 to index
        %get3A_935 = arith.index_cast %add3A_933 : i32 to index
        %get3A_936 = arith.constant 0 : index
        %get3A_937 = tpu.vector_load %arg9[%get3A_934, %get3A_935, %get3A_936] {strides = array<i32>} : memref<3x256x32xf32, #tpu.memory_space<vmem>>, vector<16xf32>,
        %add3A_938 = arith.addf %get3A_937, %get3A_377 : vector<16xf32>
        %scatter3A_939 = arith.constant 0 : i32
        %scatter3A_940 = arith.constant 0 : i32
        %scatter3A_941 = arith.constant 0 : i32
        %scatter3A_942 = arith.constant 0 : i32
        %scatter3A_943 = tpu.memref_slice %arg10[%rem3A_353, %scatter3A_939, %scatter3A_940, %scatter3A_941, %scatter3A_942] : memref<2x2x4x8x129xf32, #tpu.memory_space<vmem>> -> memref<1x1x4x8x129xf32, #tpu.memory_space<vmem>>
        %scatter3A_944 = tpu.memref_squeeze %scatter3A_943 : memref<1x1x4x8x129xf32, #tpu.memory_space<vmem>> -> memref<4x8x129xf32, #tpu.memory_space<vmem>>
        tpu.vector_store_idx %scatter3A_944[%mul3A_5, %add3A_8, %add3A_931], %add3A_938 : memref<4x8x129xf32, #tpu.memory_space<vmem>>[vector<16xi32>, vector<16xi32>, vector<16xi32>], vector<16xf32>,
        %add3A_945 = arith.constant 0 : i32
        %add3A_946 = arith.addi %add3A_945, %add3A_928 : i32
        %get3A_947 = arith.index_cast %rem3A_351 : i32 to index
        %get3A_948 = arith.index_cast %add3A_946 : i32 to index
        %get3A_949 = arith.constant 16 : index
        %get3A_950 = tpu.vector_load %arg9[%get3A_947, %get3A_948, %get3A_949] {strides = array<i32>} : memref<3x256x32xf32, #tpu.memory_space<vmem>>, vector<16xf32>,
        %add3A_951 = arith.addf %get3A_950, %get3A_380 : vector<16xf32>
        %scatter3A_952 = arith.constant 0 : i32
        %scatter3A_953 = arith.constant 0 : i32
        %scatter3A_954 = arith.constant 0 : i32
        %scatter3A_955 = arith.constant 0 : i32
        %scatter3A_956 = tpu.memref_slice %arg10[%rem3A_353, %scatter3A_952, %scatter3A_953, %scatter3A_954, %scatter3A_955] : memref<2x2x4x8x129xf32, #tpu.memory_space<vmem>> -> memref<1x1x4x8x129xf32, #tpu.memory_space<vmem>>
        %scatter3A_957 = tpu.memref_squeeze %scatter3A_956 : memref<1x1x4x8x129xf32, #tpu.memory_space<vmem>> -> memref<4x8x129xf32, #tpu.memory_space<vmem>>
        tpu.vector_store_idx %scatter3A_957[%mul3A_5, %add3A_11, %add3A_931], %add3A_951 : memref<4x8x129xf32, #tpu.memory_space<vmem>>[vector<16xi32>, vector<16xi32>, vector<16xi32>], vector<16xf32>,
      }
      %scan3A_386 = arith.constant 8 : i32
      %mul3A_387 = arith.constant 2 : i32
      %mul3A_388 = arith.muli %scan3A_350, %mul3A_387 : i32
      %add3A_389 = arith.constant 1 : i32
      %add3A_390 = arith.addi %mul3A_388, %add3A_389 : i32
      %get3A_391 = arith.index_cast %add3A_390 : i32 to index
      %get3A_392 = arith.constant 0 : index
      %get3A_393 = tpu.vector_load %arg7[%get3A_391, %get3A_392] {strides = array<i32>} : memref<200x32xf32, #tpu.memory_space<vmem>>, vector<16xf32>,
      %get3A_394 = arith.index_cast %add3A_390 : i32 to index
      %get3A_395 = arith.constant 16 : index
      %get3A_396 = tpu.vector_load %arg7[%get3A_394, %get3A_395] {strides = array<i32>} : memref<200x32xf32, #tpu.memory_space<vmem>>, vector<16xf32>,
      %scan3A_397 = arith.constant 0 : i32
      %scan3A_398 = arith.constant 0 : i32
      %scan3A_399 = arith.constant 8 : i32
      %scan3A_400 = arith.addi %scan3A_398, %scan3A_399 : i32
      %scan3A_401 = arith.constant 1 : i32
      scf.for %scan3A_427 = %scan3A_398 to %scan3A_400 step %scan3A_401  : i32 {
        %mul3A_428 = arith.constant 16 : i32
        %mul3A_429 = arith.muli %scan3A_427, %mul3A_428 : i32
        %broadcast_in_dim3A_430 = vector.broadcast %mul3A_429 : i32 to vector<16xi32>
        %mul3A_431 = arith.constant 16 : i32
        %mul3A_432 = arith.muli %scan3A_427, %mul3A_431 : i32
        %add3A_433 = arith.constant 0 : i32
        %add3A_434 = arith.addi %mul3A_432, %add3A_433 : i32
        %add3A_435 = arith.constant 0 : i32
        %add3A_436 = vector.broadcast %add3A_435 : i32 to vector<16xi32>
        %add3A_437 = arith.addi %broadcast_in_dim3A_430, %add3A_436 : vector<16xi32>
        %add3A_438 = arith.constant 128 : i32
        %add3A_439 = arith.addi %add3A_438, %add3A_434 : i32
        %get3A_440 = arith.index_cast %rem3A_351 : i32 to index
        %get3A_441 = arith.index_cast %add3A_439 : i32 to index
        %get3A_442 = arith.constant 0 : index
        %get3A_443 = tpu.vector_load %arg9[%get3A_440, %get3A_441, %get3A_442] {strides = array<i32>} : memref<3x256x32xf32, #tpu.memory_space<vmem>>, vector<16xf32>,
        %add3A_444 = arith.addf %get3A_443, %get3A_393 : vector<16xf32>
        %scatter3A = arith.constant 1 : i32
        %scatter3A_445 = arith.constant 0 : i32
        %scatter3A_446 = arith.constant 0 : i32
        %scatter3A_447 = arith.constant 0 : i32
        %scatter3A_448 = tpu.memref_slice %arg10[%rem3A_353, %scatter3A, %scatter3A_445, %scatter3A_446, %scatter3A_447] : memref<2x2x4x8x129xf32, #tpu.memory_space<vmem>> -> memref<1x1x4x8x129xf32, #tpu.memory_space<vmem>>
        %scatter3A_449 = tpu.memref_squeeze %scatter3A_448 : memref<1x1x4x8x129xf32, #tpu.memory_space<vmem>> -> memref<4x8x129xf32, #tpu.memory_space<vmem>>
        tpu.vector_store_idx %scatter3A_449[%mul3A_5, %add3A_8, %add3A_437], %add3A_444 : memref<4x8x129xf32, #tpu.memory_space<vmem>>[vector<16xi32>, vector<16xi32>, vector<16xi32>], vector<16xf32>,
        %add3A_450 = arith.constant 128 : i32
        %add3A_451 = arith.addi %add3A_450, %add3A_434 : i32
        %get3A_452 = arith.index_cast %rem3A_351 : i32 to index
        %get3A_453 = arith.index_cast %add3A_451 : i32 to index
        %get3A_454 = arith.constant 16 : index
        %get3A_455 = tpu.vector_load %arg9[%get3A_452, %get3A_453, %get3A_454] {strides = array<i32>} : memref<3x256x32xf32, #tpu.memory_space<vmem>>, vector<16xf32>,
        %add3A_456 = arith.addf %get3A_455, %get3A_396 : vector<16xf32>
        %scatter3A_457 = arith.constant 1 : i32
        %scatter3A_458 = arith.constant 0 : i32
        %scatter3A_459 = arith.constant 0 : i32
        %scatter3A_460 = arith.constant 0 : i32
        %scatter3A_461 = tpu.memref_slice %arg10[%rem3A_353, %scatter3A_457, %scatter3A_458, %scatter3A_459, %scatter3A_460] : memref<2x2x4x8x129xf32, #tpu.memory_space<vmem>> -> memref<1x1x4x8x129xf32, #tpu.memory_space<vmem>>
        %scatter3A_462 = tpu.memref_squeeze %scatter3A_461 : memref<1x1x4x8x129xf32, #tpu.memory_space<vmem>> -> memref<4x8x129xf32, #tpu.memory_space<vmem>>
        tpu.vector_store_idx %scatter3A_462[%mul3A_5, %add3A_11, %add3A_437], %add3A_456 : memref<4x8x129xf32, #tpu.memory_space<vmem>>[vector<16xi32>, vector<16xi32>, vector<16xi32>], vector<16xf32>,
        %mul3A_463 = arith.constant 16 : i32
        %mul3A_464 = arith.muli %scan3A_427, %mul3A_463 : i32
        %add3A_465 = arith.constant 1 : i32
        %add3A_466 = arith.addi %mul3A_464, %add3A_465 : i32
        %add3A_467 = arith.constant 1 : i32
        %add3A_468 = vector.broadcast %add3A_467 : i32 to vector<16xi32>
        %add3A_469 = arith.addi %broadcast_in_dim3A_430, %add3A_468 : vector<16xi32>
        %add3A_470 = arith.constant 128 : i32
        %add3A_471 = arith.addi %add3A_470, %add3A_466 : i32
        %get3A_472 = arith.index_cast %rem3A_351 : i32 to index
        %get3A_473 = arith.index_cast %add3A_471 : i32 to index
        %get3A_474 = arith.constant 0 : index
        %get3A_475 = tpu.vector_load %arg9[%get3A_472, %get3A_473, %get3A_474] {strides = array<i32>} : memref<3x256x32xf32, #tpu.memory_space<vmem>>, vector<16xf32>,
        %add3A_476 = arith.addf %get3A_475, %get3A_393 : vector<16xf32>
        %scatter3A_477 = arith.constant 1 : i32
        %scatter3A_478 = arith.constant 0 : i32
        %scatter3A_479 = arith.constant 0 : i32
        %scatter3A_480 = arith.constant 0 : i32
        %scatter3A_481 = tpu.memref_slice %arg10[%rem3A_353, %scatter3A_477, %scatter3A_478, %scatter3A_479, %scatter3A_480] : memref<2x2x4x8x129xf32, #tpu.memory_space<vmem>> -> memref<1x1x4x8x129xf32, #tpu.memory_space<vmem>>
        %scatter3A_482 = tpu.memref_squeeze %scatter3A_481 : memref<1x1x4x8x129xf32, #tpu.memory_space<vmem>> -> memref<4x8x129xf32, #tpu.memory_space<vmem>>
        tpu.vector_store_idx %scatter3A_482[%mul3A_5, %add3A_8, %add3A_469], %add3A_476 : memref<4x8x129xf32, #tpu.memory_space<vmem>>[vector<16xi32>, vector<16xi32>, vector<16xi32>], vector<16xf32>,
        %add3A_483 = arith.constant 128 : i32
        %add3A_484 = arith.addi %add3A_483, %add3A_466 : i32
        %get3A_485 = arith.index_cast %rem3A_351 : i32 to index
        %get3A_486 = arith.index_cast %add3A_484 : i32 to index
        %get3A_487 = arith.constant 16 : index
        %get3A_488 = tpu.vector_load %arg9[%get3A_485, %get3A_486, %get3A_487] {strides = array<i32>} : memref<3x256x32xf32, #tpu.memory_space<vmem>>, vector<16xf32>,
        %add3A_489 = arith.addf %get3A_488, %get3A_396 : vector<16xf32>
        %scatter3A_490 = arith.constant 1 : i32
        %scatter3A_491 = arith.constant 0 : i32
        %scatter3A_492 = arith.constant 0 : i32
        %scatter3A_493 = arith.constant 0 : i32
        %scatter3A_494 = tpu.memref_slice %arg10[%rem3A_353, %scatter3A_490, %scatter3A_491, %scatter3A_492, %scatter3A_493] : memref<2x2x4x8x129xf32, #tpu.memory_space<vmem>> -> memref<1x1x4x8x129xf32, #tpu.memory_space<vmem>>
        %scatter3A_495 = tpu.memref_squeeze %scatter3A_494 : memref<1x1x4x8x129xf32, #tpu.memory_space<vmem>> -> memref<4x8x129xf32, #tpu.memory_space<vmem>>
        tpu.vector_store_idx %scatter3A_495[%mul3A_5, %add3A_11, %add3A_469], %add3A_489 : memref<4x8x129xf32, #tpu.memory_space<vmem>>[vector<16xi32>, vector<16xi32>, vector<16xi32>], vector<16xf32>,
        %mul3A_496 = arith.constant 16 : i32
        %mul3A_497 = arith.muli %scan3A_427, %mul3A_496 : i32
        %add3A_498 = arith.constant 2 : i32
        %add3A_499 = arith.addi %mul3A_497, %add3A_498 : i32
        %add3A_500 = arith.constant 2 : i32
        %add3A_501 = vector.broadcast %add3A_500 : i32 to vector<16xi32>
        %add3A_502 = arith.addi %broadcast_in_dim3A_430, %add3A_501 : vector<16xi32>
        %add3A_503 = arith.constant 128 : i32
        %add3A_504 = arith.addi %add3A_503, %add3A_499 : i32
        %get3A_505 = arith.index_cast %rem3A_351 : i32 to index
        %get3A_506 = arith.index_cast %add3A_504 : i32 to index
        %get3A_507 = arith.constant 0 : index
        %get3A_508 = tpu.vector_load %arg9[%get3A_505, %get3A_506, %get3A_507] {strides = array<i32>} : memref<3x256x32xf32, #tpu.memory_space<vmem>>, vector<16xf32>,
        %add3A_509 = arith.addf %get3A_508, %get3A_393 : vector<16xf32>
        %scatter3A_510 = arith.constant 1 : i32
        %scatter3A_511 = arith.constant 0 : i32
        %scatter3A_512 = arith.constant 0 : i32
        %scatter3A_513 = arith.constant 0 : i32
        %scatter3A_514 = tpu.memref_slice %arg10[%rem3A_353, %scatter3A_510, %scatter3A_511, %scatter3A_512, %scatter3A_513] : memref<2x2x4x8x129xf32, #tpu.memory_space<vmem>> -> memref<1x1x4x8x129xf32, #tpu.memory_space<vmem>>
        %scatter3A_515 = tpu.memref_squeeze %scatter3A_514 : memref<1x1x4x8x129xf32, #tpu.memory_space<vmem>> -> memref<4x8x129xf32, #tpu.memory_space<vmem>>
        tpu.vector_store_idx %scatter3A_515[%mul3A_5, %add3A_8, %add3A_502], %add3A_509 : memref<4x8x129xf32, #tpu.memory_space<vmem>>[vector<16xi32>, vector<16xi32>, vector<16xi32>], vector<16xf32>,
        %add3A_516 = arith.constant 128 : i32
        %add3A_517 = arith.addi %add3A_516, %add3A_499 : i32
        %get3A_518 = arith.index_cast %rem3A_351 : i32 to index
        %get3A_519 = arith.index_cast %add3A_517 : i32 to index
        %get3A_520 = arith.constant 16 : index
        %get3A_521 = tpu.vector_load %arg9[%get3A_518, %get3A_519, %get3A_520] {strides = array<i32>} : memref<3x256x32xf32, #tpu.memory_space<vmem>>, vector<16xf32>,
        %add3A_522 = arith.addf %get3A_521, %get3A_396 : vector<16xf32>
        %scatter3A_523 = arith.constant 1 : i32
        %scatter3A_524 = arith.constant 0 : i32
        %scatter3A_525 = arith.constant 0 : i32
        %scatter3A_526 = arith.constant 0 : i32
        %scatter3A_527 = tpu.memref_slice %arg10[%rem3A_353, %scatter3A_523, %scatter3A_524, %scatter3A_525, %scatter3A_526] : memref<2x2x4x8x129xf32, #tpu.memory_space<vmem>> -> memref<1x1x4x8x129xf32, #tpu.memory_space<vmem>>
        %scatter3A_528 = tpu.memref_squeeze %scatter3A_527 : memref<1x1x4x8x129xf32, #tpu.memory_space<vmem>> -> memref<4x8x129xf32, #tpu.memory_space<vmem>>
        tpu.vector_store_idx %scatter3A_528[%mul3A_5, %add3A_11, %add3A_502], %add3A_522 : memref<4x8x129xf32, #tpu.memory_space<vmem>>[vector<16xi32>, vector<16xi32>, vector<16xi32>], vector<16xf32>,
        %mul3A_529 = arith.constant 16 : i32
        %mul3A_530 = arith.muli %scan3A_427, %mul3A_529 : i32
        %add3A_531 = arith.constant 3 : i32
        %add3A_532 = arith.addi %mul3A_530, %add3A_531 : i32
        %add3A_533 = arith.constant 3 : i32
        %add3A_534 = vector.broadcast %add3A_533 : i32 to vector<16xi32>
        %add3A_535 = arith.addi %broadcast_in_dim3A_430, %add3A_534 : vector<16xi32>
        %add3A_536 = arith.constant 128 : i32
        %add3A_537 = arith.addi %add3A_536, %add3A_532 : i32
        %get3A_538 = arith.index_cast %rem3A_351 : i32 to index
        %get3A_539 = arith.index_cast %add3A_537 : i32 to index
        %get3A_540 = arith.constant 0 : index
        %get3A_541 = tpu.vector_load %arg9[%get3A_538, %get3A_539, %get3A_540] {strides = array<i32>} : memref<3x256x32xf32, #tpu.memory_space<vmem>>, vector<16xf32>,
        %add3A_542 = arith.addf %get3A_541, %get3A_393 : vector<16xf32>
        %scatter3A_543 = arith.constant 1 : i32
        %scatter3A_544 = arith.constant 0 : i32
        %scatter3A_545 = arith.constant 0 : i32
        %scatter3A_546 = arith.constant 0 : i32
        %scatter3A_547 = tpu.memref_slice %arg10[%rem3A_353, %scatter3A_543, %scatter3A_544, %scatter3A_545, %scatter3A_546] : memref<2x2x4x8x129xf32, #tpu.memory_space<vmem>> -> memref<1x1x4x8x129xf32, #tpu.memory_space<vmem>>
        %scatter3A_548 = tpu.memref_squeeze %scatter3A_547 : memref<1x1x4x8x129xf32, #tpu.memory_space<vmem>> -> memref<4x8x129xf32, #tpu.memory_space<vmem>>
        tpu.vector_store_idx %scatter3A_548[%mul3A_5, %add3A_8, %add3A_535], %add3A_542 : memref<4x8x129xf32, #tpu.memory_space<vmem>>[vector<16xi32>, vector<16xi32>, vector<16xi32>], vector<16xf32>,
        %add3A_549 = arith.constant 128 : i32
        %add3A_550 = arith.addi %add3A_549, %add3A_532 : i32
        %get3A_551 = arith.index_cast %rem3A_351 : i32 to index
        %get3A_552 = arith.index_cast %add3A_550 : i32 to index
        %get3A_553 = arith.constant 16 : index
        %get3A_554 = tpu.vector_load %arg9[%get3A_551, %get3A_552, %get3A_553] {strides = array<i32>} : memref<3x256x32xf32, #tpu.memory_space<vmem>>, vector<16xf32>,
        %add3A_555 = arith.addf %get3A_554, %get3A_396 : vector<16xf32>
        %scatter3A_556 = arith.constant 1 : i32
        %scatter3A_557 = arith.constant 0 : i32
        %scatter3A_558 = arith.constant 0 : i32
        %scatter3A_559 = arith.constant 0 : i32
        %scatter3A_560 = tpu.memref_slice %arg10[%rem3A_353, %scatter3A_556, %scatter3A_557, %scatter3A_558, %scatter3A_559] : memref<2x2x4x8x129xf32, #tpu.memory_space<vmem>> -> memref<1x1x4x8x129xf32, #tpu.memory_space<vmem>>
        %scatter3A_561 = tpu.memref_squeeze %scatter3A_560 : memref<1x1x4x8x129xf32, #tpu.memory_space<vmem>> -> memref<4x8x129xf32, #tpu.memory_space<vmem>>
        tpu.vector_store_idx %scatter3A_561[%mul3A_5, %add3A_11, %add3A_535], %add3A_555 : memref<4x8x129xf32, #tpu.memory_space<vmem>>[vector<16xi32>, vector<16xi32>, vector<16xi32>], vector<16xf32>,
        %mul3A_562 = arith.constant 16 : i32
        %mul3A_563 = arith.muli %scan3A_427, %mul3A_562 : i32
        %add3A_564 = arith.constant 4 : i32
        %add3A_565 = arith.addi %mul3A_563, %add3A_564 : i32
        %add3A_566 = arith.constant 4 : i32
        %add3A_567 = vector.broadcast %add3A_566 : i32 to vector<16xi32>
        %add3A_568 = arith.addi %broadcast_in_dim3A_430, %add3A_567 : vector<16xi32>
        %add3A_569 = arith.constant 128 : i32
        %add3A_570 = arith.addi %add3A_569, %add3A_565 : i32
        %get3A_571 = arith.index_cast %rem3A_351 : i32 to index
        %get3A_572 = arith.index_cast %add3A_570 : i32 to index
        %get3A_573 = arith.constant 0 : index
        %get3A_574 = tpu.vector_load %arg9[%get3A_571, %get3A_572, %get3A_573] {strides = array<i32>} : memref<3x256x32xf32, #tpu.memory_space<vmem>>, vector<16xf32>,
        %add3A_575 = arith.addf %get3A_574, %get3A_393 : vector<16xf32>
        %scatter3A_576 = arith.constant 1 : i32
        %scatter3A_577 = arith.constant 0 : i32
        %scatter3A_578 = arith.constant 0 : i32
        %scatter3A_579 = arith.constant 0 : i32
        %scatter3A_580 = tpu.memref_slice %arg10[%rem3A_353, %scatter3A_576, %scatter3A_577, %scatter3A_578, %scatter3A_579] : memref<2x2x4x8x129xf32, #tpu.memory_space<vmem>> -> memref<1x1x4x8x129xf32, #tpu.memory_space<vmem>>
        %scatter3A_581 = tpu.memref_squeeze %scatter3A_580 : memref<1x1x4x8x129xf32, #tpu.memory_space<vmem>> -> memref<4x8x129xf32, #tpu.memory_space<vmem>>
        tpu.vector_store_idx %scatter3A_581[%mul3A_5, %add3A_8, %add3A_568], %add3A_575 : memref<4x8x129xf32, #tpu.memory_space<vmem>>[vector<16xi32>, vector<16xi32>, vector<16xi32>], vector<16xf32>,
        %add3A_582 = arith.constant 128 : i32
        %add3A_583 = arith.addi %add3A_582, %add3A_565 : i32
        %get3A_584 = arith.index_cast %rem3A_351 : i32 to index
        %get3A_585 = arith.index_cast %add3A_583 : i32 to index
        %get3A_586 = arith.constant 16 : index
        %get3A_587 = tpu.vector_load %arg9[%get3A_584, %get3A_585, %get3A_586] {strides = array<i32>} : memref<3x256x32xf32, #tpu.memory_space<vmem>>, vector<16xf32>,
        %add3A_588 = arith.addf %get3A_587, %get3A_396 : vector<16xf32>
        %scatter3A_589 = arith.constant 1 : i32
        %scatter3A_590 = arith.constant 0 : i32
        %scatter3A_591 = arith.constant 0 : i32
        %scatter3A_592 = arith.constant 0 : i32
        %scatter3A_593 = tpu.memref_slice %arg10[%rem3A_353, %scatter3A_589, %scatter3A_590, %scatter3A_591, %scatter3A_592] : memref<2x2x4x8x129xf32, #tpu.memory_space<vmem>> -> memref<1x1x4x8x129xf32, #tpu.memory_space<vmem>>
        %scatter3A_594 = tpu.memref_squeeze %scatter3A_593 : memref<1x1x4x8x129xf32, #tpu.memory_space<vmem>> -> memref<4x8x129xf32, #tpu.memory_space<vmem>>
        tpu.vector_store_idx %scatter3A_594[%mul3A_5, %add3A_11, %add3A_568], %add3A_588 : memref<4x8x129xf32, #tpu.memory_space<vmem>>[vector<16xi32>, vector<16xi32>, vector<16xi32>], vector<16xf32>,
        %mul3A_595 = arith.constant 16 : i32
        %mul3A_596 = arith.muli %scan3A_427, %mul3A_595 : i32
        %add3A_597 = arith.constant 5 : i32
        %add3A_598 = arith.addi %mul3A_596, %add3A_597 : i32
        %add3A_599 = arith.constant 5 : i32
        %add3A_600 = vector.broadcast %add3A_599 : i32 to vector<16xi32>
        %add3A_601 = arith.addi %broadcast_in_dim3A_430, %add3A_600 : vector<16xi32>
        %add3A_602 = arith.constant 128 : i32
        %add3A_603 = arith.addi %add3A_602, %add3A_598 : i32
        %get3A_604 = arith.index_cast %rem3A_351 : i32 to index
        %get3A_605 = arith.index_cast %add3A_603 : i32 to index
        %get3A_606 = arith.constant 0 : index
        %get3A_607 = tpu.vector_load %arg9[%get3A_604, %get3A_605, %get3A_606] {strides = array<i32>} : memref<3x256x32xf32, #tpu.memory_space<vmem>>, vector<16xf32>,
        %add3A_608 = arith.addf %get3A_607, %get3A_393 : vector<16xf32>
        %scatter3A_609 = arith.constant 1 : i32
        %scatter3A_610 = arith.constant 0 : i32
        %scatter3A_611 = arith.constant 0 : i32
        %scatter3A_612 = arith.constant 0 : i32
        %scatter3A_613 = tpu.memref_slice %arg10[%rem3A_353, %scatter3A_609, %scatter3A_610, %scatter3A_611, %scatter3A_612] : memref<2x2x4x8x129xf32, #tpu.memory_space<vmem>> -> memref<1x1x4x8x129xf32, #tpu.memory_space<vmem>>
        %scatter3A_614 = tpu.memref_squeeze %scatter3A_613 : memref<1x1x4x8x129xf32, #tpu.memory_space<vmem>> -> memref<4x8x129xf32, #tpu.memory_space<vmem>>
        tpu.vector_store_idx %scatter3A_614[%mul3A_5, %add3A_8, %add3A_601], %add3A_608 : memref<4x8x129xf32, #tpu.memory_space<vmem>>[vector<16xi32>, vector<16xi32>, vector<16xi32>], vector<16xf32>,
        %add3A_615 = arith.constant 128 : i32
        %add3A_616 = arith.addi %add3A_615, %add3A_598 : i32
        %get3A_617 = arith.index_cast %rem3A_351 : i32 to index
        %get3A_618 = arith.index_cast %add3A_616 : i32 to index
        %get3A_619 = arith.constant 16 : index
        %get3A_620 = tpu.vector_load %arg9[%get3A_617, %get3A_618, %get3A_619] {strides = array<i32>} : memref<3x256x32xf32, #tpu.memory_space<vmem>>, vector<16xf32>,
        %add3A_621 = arith.addf %get3A_620, %get3A_396 : vector<16xf32>
        %scatter3A_622 = arith.constant 1 : i32
        %scatter3A_623 = arith.constant 0 : i32
        %scatter3A_624 = arith.constant 0 : i32
        %scatter3A_625 = arith.constant 0 : i32
        %scatter3A_626 = tpu.memref_slice %arg10[%rem3A_353, %scatter3A_622, %scatter3A_623, %scatter3A_624, %scatter3A_625] : memref<2x2x4x8x129xf32, #tpu.memory_space<vmem>> -> memref<1x1x4x8x129xf32, #tpu.memory_space<vmem>>
        %scatter3A_627 = tpu.memref_squeeze %scatter3A_626 : memref<1x1x4x8x129xf32, #tpu.memory_space<vmem>> -> memref<4x8x129xf32, #tpu.memory_space<vmem>>
        tpu.vector_store_idx %scatter3A_627[%mul3A_5, %add3A_11, %add3A_601], %add3A_621 : memref<4x8x129xf32, #tpu.memory_space<vmem>>[vector<16xi32>, vector<16xi32>, vector<16xi32>], vector<16xf32>,
        %mul3A_628 = arith.constant 16 : i32
        %mul3A_629 = arith.muli %scan3A_427, %mul3A_628 : i32
        %add3A_630 = arith.constant 6 : i32
        %add3A_631 = arith.addi %mul3A_629, %add3A_630 : i32
        %add3A_632 = arith.constant 6 : i32
        %add3A_633 = vector.broadcast %add3A_632 : i32 to vector<16xi32>
        %add3A_634 = arith.addi %broadcast_in_dim3A_430, %add3A_633 : vector<16xi32>
        %add3A_635 = arith.constant 128 : i32
        %add3A_636 = arith.addi %add3A_635, %add3A_631 : i32
        %get3A_637 = arith.index_cast %rem3A_351 : i32 to index
        %get3A_638 = arith.index_cast %add3A_636 : i32 to index
        %get3A_639 = arith.constant 0 : index
        %get3A_640 = tpu.vector_load %arg9[%get3A_637, %get3A_638, %get3A_639] {strides = array<i32>} : memref<3x256x32xf32, #tpu.memory_space<vmem>>, vector<16xf32>,
        %add3A_641 = arith.addf %get3A_640, %get3A_393 : vector<16xf32>
        %scatter3A_642 = arith.constant 1 : i32
        %scatter3A_643 = arith.constant 0 : i32
        %scatter3A_644 = arith.constant 0 : i32
        %scatter3A_645 = arith.constant 0 : i32
        %scatter3A_646 = tpu.memref_slice %arg10[%rem3A_353, %scatter3A_642, %scatter3A_643, %scatter3A_644, %scatter3A_645] : memref<2x2x4x8x129xf32, #tpu.memory_space<vmem>> -> memref<1x1x4x8x129xf32, #tpu.memory_space<vmem>>
        %scatter3A_647 = tpu.memref_squeeze %scatter3A_646 : memref<1x1x4x8x129xf32, #tpu.memory_space<vmem>> -> memref<4x8x129xf32, #tpu.memory_space<vmem>>
        tpu.vector_store_idx %scatter3A_647[%mul3A_5, %add3A_8, %add3A_634], %add3A_641 : memref<4x8x129xf32, #tpu.memory_space<vmem>>[vector<16xi32>, vector<16xi32>, vector<16xi32>], vector<16xf32>,
        %add3A_648 = arith.constant 128 : i32
        %add3A_649 = arith.addi %add3A_648, %add3A_631 : i32
        %get3A_650 = arith.index_cast %rem3A_351 : i32 to index
        %get3A_651 = arith.index_cast %add3A_649 : i32 to index
        %get3A_652 = arith.constant 16 : index
        %get3A_653 = tpu.vector_load %arg9[%get3A_650, %get3A_651, %get3A_652] {strides = array<i32>} : memref<3x256x32xf32, #tpu.memory_space<vmem>>, vector<16xf32>,
        %add3A_654 = arith.addf %get3A_653, %get3A_396 : vector<16xf32>
        %scatter3A_655 = arith.constant 1 : i32
        %scatter3A_656 = arith.constant 0 : i32
        %scatter3A_657 = arith.constant 0 : i32
        %scatter3A_658 = arith.constant 0 : i32
        %scatter3A_659 = tpu.memref_slice %arg10[%rem3A_353, %scatter3A_655, %scatter3A_656, %scatter3A_657, %scatter3A_658] : memref<2x2x4x8x129xf32, #tpu.memory_space<vmem>> -> memref<1x1x4x8x129xf32, #tpu.memory_space<vmem>>
        %scatter3A_660 = tpu.memref_squeeze %scatter3A_659 : memref<1x1x4x8x129xf32, #tpu.memory_space<vmem>> -> memref<4x8x129xf32, #tpu.memory_space<vmem>>
        tpu.vector_store_idx %scatter3A_660[%mul3A_5, %add3A_11, %add3A_634], %add3A_654 : memref<4x8x129xf32, #tpu.memory_space<vmem>>[vector<16xi32>, vector<16xi32>, vector<16xi32>], vector<16xf32>,
        %mul3A_661 = arith.constant 16 : i32
        %mul3A_662 = arith.muli %scan3A_427, %mul3A_661 : i32
        %add3A_663 = arith.constant 7 : i32
        %add3A_664 = arith.addi %mul3A_662, %add3A_663 : i32
        %add3A_665 = arith.constant 7 : i32
        %add3A_666 = vector.broadcast %add3A_665 : i32 to vector<16xi32>
        %add3A_667 = arith.addi %broadcast_in_dim3A_430, %add3A_666 : vector<16xi32>
        %add3A_668 = arith.constant 128 : i32
        %add3A_669 = arith.addi %add3A_668, %add3A_664 : i32
        %get3A_670 = arith.index_cast %rem3A_351 : i32 to index
        %get3A_671 = arith.index_cast %add3A_669 : i32 to index
        %get3A_672 = arith.constant 0 : index
        %get3A_673 = tpu.vector_load %arg9[%get3A_670, %get3A_671, %get3A_672] {strides = array<i32>} : memref<3x256x32xf32, #tpu.memory_space<vmem>>, vector<16xf32>,
        %add3A_674 = arith.addf %get3A_673, %get3A_393 : vector<16xf32>
        %scatter3A_675 = arith.constant 1 : i32
        %scatter3A_676 = arith.constant 0 : i32
        %scatter3A_677 = arith.constant 0 : i32
        %scatter3A_678 = arith.constant 0 : i32
        %scatter3A_679 = tpu.memref_slice %arg10[%rem3A_353, %scatter3A_675, %scatter3A_676, %scatter3A_677, %scatter3A_678] : memref<2x2x4x8x129xf32, #tpu.memory_space<vmem>> -> memref<1x1x4x8x129xf32, #tpu.memory_space<vmem>>
        %scatter3A_680 = tpu.memref_squeeze %scatter3A_679 : memref<1x1x4x8x129xf32, #tpu.memory_space<vmem>> -> memref<4x8x129xf32, #tpu.memory_space<vmem>>
        tpu.vector_store_idx %scatter3A_680[%mul3A_5, %add3A_8, %add3A_667], %add3A_674 : memref<4x8x129xf32, #tpu.memory_space<vmem>>[vector<16xi32>, vector<16xi32>, vector<16xi32>], vector<16xf32>,
        %add3A_681 = arith.constant 128 : i32
        %add3A_682 = arith.addi %add3A_681, %add3A_664 : i32
        %get3A_683 = arith.index_cast %rem3A_351 : i32 to index
        %get3A_684 = arith.index_cast %add3A_682 : i32 to index
        %get3A_685 = arith.constant 16 : index
        %get3A_686 = tpu.vector_load %arg9[%get3A_683, %get3A_684, %get3A_685] {strides = array<i32>} : memref<3x256x32xf32, #tpu.memory_space<vmem>>, vector<16xf32>,
        %add3A_687 = arith.addf %get3A_686, %get3A_396 : vector<16xf32>
        %scatter3A_688 = arith.constant 1 : i32
        %scatter3A_689 = arith.constant 0 : i32
        %scatter3A_690 = arith.constant 0 : i32
        %scatter3A_691 = arith.constant 0 : i32
        %scatter3A_692 = tpu.memref_slice %arg10[%rem3A_353, %scatter3A_688, %scatter3A_689, %scatter3A_690, %scatter3A_691] : memref<2x2x4x8x129xf32, #tpu.memory_space<vmem>> -> memref<1x1x4x8x129xf32, #tpu.memory_space<vmem>>
        %scatter3A_693 = tpu.memref_squeeze %scatter3A_692 : memref<1x1x4x8x129xf32, #tpu.memory_space<vmem>> -> memref<4x8x129xf32, #tpu.memory_space<vmem>>
        tpu.vector_store_idx %scatter3A_693[%mul3A_5, %add3A_11, %add3A_667], %add3A_687 : memref<4x8x129xf32, #tpu.memory_space<vmem>>[vector<16xi32>, vector<16xi32>, vector<16xi32>], vector<16xf32>,
        %mul3A_694 = arith.constant 16 : i32
        %mul3A_695 = arith.muli %scan3A_427, %mul3A_694 : i32
        %add3A_696 = arith.constant 8 : i32
        %add3A_697 = arith.addi %mul3A_695, %add3A_696 : i32
        %add3A_698 = arith.constant 8 : i32
        %add3A_699 = vector.broadcast %add3A_698 : i32 to vector<16xi32>
        %add3A_700 = arith.addi %broadcast_in_dim3A_430, %add3A_699 : vector<16xi32>
        %add3A_701 = arith.constant 128 : i32
        %add3A_702 = arith.addi %add3A_701, %add3A_697 : i32
        %get3A_703 = arith.index_cast %rem3A_351 : i32 to index
        %get3A_704 = arith.index_cast %add3A_702 : i32 to index
        %get3A_705 = arith.constant 0 : index
        %get3A_706 = tpu.vector_load %arg9[%get3A_703, %get3A_704, %get3A_705] {strides = array<i32>} : memref<3x256x32xf32, #tpu.memory_space<vmem>>, vector<16xf32>,
        %add3A_707 = arith.addf %get3A_706, %get3A_393 : vector<16xf32>
        %scatter3A_708 = arith.constant 1 : i32
        %scatter3A_709 = arith.constant 0 : i32
        %scatter3A_710 = arith.constant 0 : i32
        %scatter3A_711 = arith.constant 0 : i32
        %scatter3A_712 = tpu.memref_slice %arg10[%rem3A_353, %scatter3A_708, %scatter3A_709, %scatter3A_710, %scatter3A_711] : memref<2x2x4x8x129xf32, #tpu.memory_space<vmem>> -> memref<1x1x4x8x129xf32, #tpu.memory_space<vmem>>
        %scatter3A_713 = tpu.memref_squeeze %scatter3A_712 : memref<1x1x4x8x129xf32, #tpu.memory_space<vmem>> -> memref<4x8x129xf32, #tpu.memory_space<vmem>>
        tpu.vector_store_idx %scatter3A_713[%mul3A_5, %add3A_8, %add3A_700], %add3A_707 : memref<4x8x129xf32, #tpu.memory_space<vmem>>[vector<16xi32>, vector<16xi32>, vector<16xi32>], vector<16xf32>,
        %add3A_714 = arith.constant 128 : i32
        %add3A_715 = arith.addi %add3A_714, %add3A_697 : i32
        %get3A_716 = arith.index_cast %rem3A_351 : i32 to index
        %get3A_717 = arith.index_cast %add3A_715 : i32 to index
        %get3A_718 = arith.constant 16 : index
        %get3A_719 = tpu.vector_load %arg9[%get3A_716, %get3A_717, %get3A_718] {strides = array<i32>} : memref<3x256x32xf32, #tpu.memory_space<vmem>>, vector<16xf32>,
        %add3A_720 = arith.addf %get3A_719, %get3A_396 : vector<16xf32>
        %scatter3A_721 = arith.constant 1 : i32
        %scatter3A_722 = arith.constant 0 : i32
        %scatter3A_723 = arith.constant 0 : i32
        %scatter3A_724 = arith.constant 0 : i32
        %scatter3A_725 = tpu.memref_slice %arg10[%rem3A_353, %scatter3A_721, %scatter3A_722, %scatter3A_723, %scatter3A_724] : memref<2x2x4x8x129xf32, #tpu.memory_space<vmem>> -> memref<1x1x4x8x129xf32, #tpu.memory_space<vmem>>
        %scatter3A_726 = tpu.memref_squeeze %scatter3A_725 : memref<1x1x4x8x129xf32, #tpu.memory_space<vmem>> -> memref<4x8x129xf32, #tpu.memory_space<vmem>>
        tpu.vector_store_idx %scatter3A_726[%mul3A_5, %add3A_11, %add3A_700], %add3A_720 : memref<4x8x129xf32, #tpu.memory_space<vmem>>[vector<16xi32>, vector<16xi32>, vector<16xi32>], vector<16xf32>,
        %mul3A_727 = arith.constant 16 : i32
        %mul3A_728 = arith.muli %scan3A_427, %mul3A_727 : i32
        %add3A_729 = arith.constant 9 : i32
        %add3A_730 = arith.addi %mul3A_728, %add3A_729 : i32
        %add3A_731 = arith.constant 9 : i32
        %add3A_732 = vector.broadcast %add3A_731 : i32 to vector<16xi32>
        %add3A_733 = arith.addi %broadcast_in_dim3A_430, %add3A_732 : vector<16xi32>
        %add3A_734 = arith.constant 128 : i32
        %add3A_735 = arith.addi %add3A_734, %add3A_730 : i32
        %get3A_736 = arith.index_cast %rem3A_351 : i32 to index
        %get3A_737 = arith.index_cast %add3A_735 : i32 to index
        %get3A_738 = arith.constant 0 : index
        %get3A_739 = tpu.vector_load %arg9[%get3A_736, %get3A_737, %get3A_738] {strides = array<i32>} : memref<3x256x32xf32, #tpu.memory_space<vmem>>, vector<16xf32>,
        %add3A_740 = arith.addf %get3A_739, %get3A_393 : vector<16xf32>
        %scatter3A_741 = arith.constant 1 : i32
        %scatter3A_742 = arith.constant 0 : i32
        %scatter3A_743 = arith.constant 0 : i32
        %scatter3A_744 = arith.constant 0 : i32
        %scatter3A_745 = tpu.memref_slice %arg10[%rem3A_353, %scatter3A_741, %scatter3A_742, %scatter3A_743, %scatter3A_744] : memref<2x2x4x8x129xf32, #tpu.memory_space<vmem>> -> memref<1x1x4x8x129xf32, #tpu.memory_space<vmem>>
        %scatter3A_746 = tpu.memref_squeeze %scatter3A_745 : memref<1x1x4x8x129xf32, #tpu.memory_space<vmem>> -> memref<4x8x129xf32, #tpu.memory_space<vmem>>
        tpu.vector_store_idx %scatter3A_746[%mul3A_5, %add3A_8, %add3A_733], %add3A_740 : memref<4x8x129xf32, #tpu.memory_space<vmem>>[vector<16xi32>, vector<16xi32>, vector<16xi32>], vector<16xf32>,
        %add3A_747 = arith.constant 128 : i32
        %add3A_748 = arith.addi %add3A_747, %add3A_730 : i32
        %get3A_749 = arith.index_cast %rem3A_351 : i32 to index
        %get3A_750 = arith.index_cast %add3A_748 : i32 to index
        %get3A_751 = arith.constant 16 : index
        %get3A_752 = tpu.vector_load %arg9[%get3A_749, %get3A_750, %get3A_751] {strides = array<i32>} : memref<3x256x32xf32, #tpu.memory_space<vmem>>, vector<16xf32>,
        %add3A_753 = arith.addf %get3A_752, %get3A_396 : vector<16xf32>
        %scatter3A_754 = arith.constant 1 : i32
        %scatter3A_755 = arith.constant 0 : i32
        %scatter3A_756 = arith.constant 0 : i32
        %scatter3A_757 = arith.constant 0 : i32
        %scatter3A_758 = tpu.memref_slice %arg10[%rem3A_353, %scatter3A_754, %scatter3A_755, %scatter3A_756, %scatter3A_757] : memref<2x2x4x8x129xf32, #tpu.memory_space<vmem>> -> memref<1x1x4x8x129xf32, #tpu.memory_space<vmem>>
        %scatter3A_759 = tpu.memref_squeeze %scatter3A_758 : memref<1x1x4x8x129xf32, #tpu.memory_space<vmem>> -> memref<4x8x129xf32, #tpu.memory_space<vmem>>
        tpu.vector_store_idx %scatter3A_759[%mul3A_5, %add3A_11, %add3A_733], %add3A_753 : memref<4x8x129xf32, #tpu.memory_space<vmem>>[vector<16xi32>, vector<16xi32>, vector<16xi32>], vector<16xf32>,
        %mul3A_760 = arith.constant 16 : i32
        %mul3A_761 = arith.muli %scan3A_427, %mul3A_760 : i32
        %add3A_762 = arith.constant 10 : i32
        %add3A_763 = arith.addi %mul3A_761, %add3A_762 : i32
        %add3A_764 = arith.constant 10 : i32
        %add3A_765 = vector.broadcast %add3A_764 : i32 to vector<16xi32>
        %add3A_766 = arith.addi %broadcast_in_dim3A_430, %add3A_765 : vector<16xi32>
        %add3A_767 = arith.constant 128 : i32
        %add3A_768 = arith.addi %add3A_767, %add3A_763 : i32
        %get3A_769 = arith.index_cast %rem3A_351 : i32 to index
        %get3A_770 = arith.index_cast %add3A_768 : i32 to index
        %get3A_771 = arith.constant 0 : index
        %get3A_772 = tpu.vector_load %arg9[%get3A_769, %get3A_770, %get3A_771] {strides = array<i32>} : memref<3x256x32xf32, #tpu.memory_space<vmem>>, vector<16xf32>,
        %add3A_773 = arith.addf %get3A_772, %get3A_393 : vector<16xf32>
        %scatter3A_774 = arith.constant 1 : i32
        %scatter3A_775 = arith.constant 0 : i32
        %scatter3A_776 = arith.constant 0 : i32
        %scatter3A_777 = arith.constant 0 : i32
        %scatter3A_778 = tpu.memref_slice %arg10[%rem3A_353, %scatter3A_774, %scatter3A_775, %scatter3A_776, %scatter3A_777] : memref<2x2x4x8x129xf32, #tpu.memory_space<vmem>> -> memref<1x1x4x8x129xf32, #tpu.memory_space<vmem>>
        %scatter3A_779 = tpu.memref_squeeze %scatter3A_778 : memref<1x1x4x8x129xf32, #tpu.memory_space<vmem>> -> memref<4x8x129xf32, #tpu.memory_space<vmem>>
        tpu.vector_store_idx %scatter3A_779[%mul3A_5, %add3A_8, %add3A_766], %add3A_773 : memref<4x8x129xf32, #tpu.memory_space<vmem>>[vector<16xi32>, vector<16xi32>, vector<16xi32>], vector<16xf32>,
        %add3A_780 = arith.constant 128 : i32
        %add3A_781 = arith.addi %add3A_780, %add3A_763 : i32
        %get3A_782 = arith.index_cast %rem3A_351 : i32 to index
        %get3A_783 = arith.index_cast %add3A_781 : i32 to index
        %get3A_784 = arith.constant 16 : index
        %get3A_785 = tpu.vector_load %arg9[%get3A_782, %get3A_783, %get3A_784] {strides = array<i32>} : memref<3x256x32xf32, #tpu.memory_space<vmem>>, vector<16xf32>,
        %add3A_786 = arith.addf %get3A_785, %get3A_396 : vector<16xf32>
        %scatter3A_787 = arith.constant 1 : i32
        %scatter3A_788 = arith.constant 0 : i32
        %scatter3A_789 = arith.constant 0 : i32
        %scatter3A_790 = arith.constant 0 : i32
        %scatter3A_791 = tpu.memref_slice %arg10[%rem3A_353, %scatter3A_787, %scatter3A_788, %scatter3A_789, %scatter3A_790] : memref<2x2x4x8x129xf32, #tpu.memory_space<vmem>> -> memref<1x1x4x8x129xf32, #tpu.memory_space<vmem>>
        %scatter3A_792 = tpu.memref_squeeze %scatter3A_791 : memref<1x1x4x8x129xf32, #tpu.memory_space<vmem>> -> memref<4x8x129xf32, #tpu.memory_space<vmem>>
        tpu.vector_store_idx %scatter3A_792[%mul3A_5, %add3A_11, %add3A_766], %add3A_786 : memref<4x8x129xf32, #tpu.memory_space<vmem>>[vector<16xi32>, vector<16xi32>, vector<16xi32>], vector<16xf32>,
        %mul3A_793 = arith.constant 16 : i32
        %mul3A_794 = arith.muli %scan3A_427, %mul3A_793 : i32
        %add3A_795 = arith.constant 11 : i32
        %add3A_796 = arith.addi %mul3A_794, %add3A_795 : i32
        %add3A_797 = arith.constant 11 : i32
        %add3A_798 = vector.broadcast %add3A_797 : i32 to vector<16xi32>
        %add3A_799 = arith.addi %broadcast_in_dim3A_430, %add3A_798 : vector<16xi32>
        %add3A_800 = arith.constant 128 : i32
        %add3A_801 = arith.addi %add3A_800, %add3A_796 : i32
        %get3A_802 = arith.index_cast %rem3A_351 : i32 to index
        %get3A_803 = arith.index_cast %add3A_801 : i32 to index
        %get3A_804 = arith.constant 0 : index
        %get3A_805 = tpu.vector_load %arg9[%get3A_802, %get3A_803, %get3A_804] {strides = array<i32>} : memref<3x256x32xf32, #tpu.memory_space<vmem>>, vector<16xf32>,
        %add3A_806 = arith.addf %get3A_805, %get3A_393 : vector<16xf32>
        %scatter3A_807 = arith.constant 1 : i32
        %scatter3A_808 = arith.constant 0 : i32
        %scatter3A_809 = arith.constant 0 : i32
        %scatter3A_810 = arith.constant 0 : i32
        %scatter3A_811 = tpu.memref_slice %arg10[%rem3A_353, %scatter3A_807, %scatter3A_808, %scatter3A_809, %scatter3A_810] : memref<2x2x4x8x129xf32, #tpu.memory_space<vmem>> -> memref<1x1x4x8x129xf32, #tpu.memory_space<vmem>>
        %scatter3A_812 = tpu.memref_squeeze %scatter3A_811 : memref<1x1x4x8x129xf32, #tpu.memory_space<vmem>> -> memref<4x8x129xf32, #tpu.memory_space<vmem>>
        tpu.vector_store_idx %scatter3A_812[%mul3A_5, %add3A_8, %add3A_799], %add3A_806 : memref<4x8x129xf32, #tpu.memory_space<vmem>>[vector<16xi32>, vector<16xi32>, vector<16xi32>], vector<16xf32>,
        %add3A_813 = arith.constant 128 : i32
        %add3A_814 = arith.addi %add3A_813, %add3A_796 : i32
        %get3A_815 = arith.index_cast %rem3A_351 : i32 to index
        %get3A_816 = arith.index_cast %add3A_814 : i32 to index
        %get3A_817 = arith.constant 16 : index
        %get3A_818 = tpu.vector_load %arg9[%get3A_815, %get3A_816, %get3A_817] {strides = array<i32>} : memref<3x256x32xf32, #tpu.memory_space<vmem>>, vector<16xf32>,
        %add3A_819 = arith.addf %get3A_818, %get3A_396 : vector<16xf32>
        %scatter3A_820 = arith.constant 1 : i32
        %scatter3A_821 = arith.constant 0 : i32
        %scatter3A_822 = arith.constant 0 : i32
        %scatter3A_823 = arith.constant 0 : i32
        %scatter3A_824 = tpu.memref_slice %arg10[%rem3A_353, %scatter3A_820, %scatter3A_821, %scatter3A_822, %scatter3A_823] : memref<2x2x4x8x129xf32, #tpu.memory_space<vmem>> -> memref<1x1x4x8x129xf32, #tpu.memory_space<vmem>>
        %scatter3A_825 = tpu.memref_squeeze %scatter3A_824 : memref<1x1x4x8x129xf32, #tpu.memory_space<vmem>> -> memref<4x8x129xf32, #tpu.memory_space<vmem>>
        tpu.vector_store_idx %scatter3A_825[%mul3A_5, %add3A_11, %add3A_799], %add3A_819 : memref<4x8x129xf32, #tpu.memory_space<vmem>>[vector<16xi32>, vector<16xi32>, vector<16xi32>], vector<16xf32>,
        %mul3A_826 = arith.constant 16 : i32
        %mul3A_827 = arith.muli %scan3A_427, %mul3A_826 : i32
        %add3A_828 = arith.constant 12 : i32
        %add3A_829 = arith.addi %mul3A_827, %add3A_828 : i32
        %add3A_830 = arith.constant 12 : i32
        %add3A_831 = vector.broadcast %add3A_830 : i32 to vector<16xi32>
        %add3A_832 = arith.addi %broadcast_in_dim3A_430, %add3A_831 : vector<16xi32>
        %add3A_833 = arith.constant 128 : i32
        %add3A_834 = arith.addi %add3A_833, %add3A_829 : i32
        %get3A_835 = arith.index_cast %rem3A_351 : i32 to index
        %get3A_836 = arith.index_cast %add3A_834 : i32 to index
        %get3A_837 = arith.constant 0 : index
        %get3A_838 = tpu.vector_load %arg9[%get3A_835, %get3A_836, %get3A_837] {strides = array<i32>} : memref<3x256x32xf32, #tpu.memory_space<vmem>>, vector<16xf32>,
        %add3A_839 = arith.addf %get3A_838, %get3A_393 : vector<16xf32>
        %scatter3A_840 = arith.constant 1 : i32
        %scatter3A_841 = arith.constant 0 : i32
        %scatter3A_842 = arith.constant 0 : i32
        %scatter3A_843 = arith.constant 0 : i32
        %scatter3A_844 = tpu.memref_slice %arg10[%rem3A_353, %scatter3A_840, %scatter3A_841, %scatter3A_842, %scatter3A_843] : memref<2x2x4x8x129xf32, #tpu.memory_space<vmem>> -> memref<1x1x4x8x129xf32, #tpu.memory_space<vmem>>
        %scatter3A_845 = tpu.memref_squeeze %scatter3A_844 : memref<1x1x4x8x129xf32, #tpu.memory_space<vmem>> -> memref<4x8x129xf32, #tpu.memory_space<vmem>>
        tpu.vector_store_idx %scatter3A_845[%mul3A_5, %add3A_8, %add3A_832], %add3A_839 : memref<4x8x129xf32, #tpu.memory_space<vmem>>[vector<16xi32>, vector<16xi32>, vector<16xi32>], vector<16xf32>,
        %add3A_846 = arith.constant 128 : i32
        %add3A_847 = arith.addi %add3A_846, %add3A_829 : i32
        %get3A_848 = arith.index_cast %rem3A_351 : i32 to index
        %get3A_849 = arith.index_cast %add3A_847 : i32 to index
        %get3A_850 = arith.constant 16 : index
        %get3A_851 = tpu.vector_load %arg9[%get3A_848, %get3A_849, %get3A_850] {strides = array<i32>} : memref<3x256x32xf32, #tpu.memory_space<vmem>>, vector<16xf32>,
        %add3A_852 = arith.addf %get3A_851, %get3A_396 : vector<16xf32>
        %scatter3A_853 = arith.constant 1 : i32
        %scatter3A_854 = arith.constant 0 : i32
        %scatter3A_855 = arith.constant 0 : i32
        %scatter3A_856 = arith.constant 0 : i32
        %scatter3A_857 = tpu.memref_slice %arg10[%rem3A_353, %scatter3A_853, %scatter3A_854, %scatter3A_855, %scatter3A_856] : memref<2x2x4x8x129xf32, #tpu.memory_space<vmem>> -> memref<1x1x4x8x129xf32, #tpu.memory_space<vmem>>
        %scatter3A_858 = tpu.memref_squeeze %scatter3A_857 : memref<1x1x4x8x129xf32, #tpu.memory_space<vmem>> -> memref<4x8x129xf32, #tpu.memory_space<vmem>>
        tpu.vector_store_idx %scatter3A_858[%mul3A_5, %add3A_11, %add3A_832], %add3A_852 : memref<4x8x129xf32, #tpu.memory_space<vmem>>[vector<16xi32>, vector<16xi32>, vector<16xi32>], vector<16xf32>,
        %mul3A_859 = arith.constant 16 : i32
        %mul3A_860 = arith.muli %scan3A_427, %mul3A_859 : i32
        %add3A_861 = arith.constant 13 : i32
        %add3A_862 = arith.addi %mul3A_860, %add3A_861 : i32
        %add3A_863 = arith.constant 13 : i32
        %add3A_864 = vector.broadcast %add3A_863 : i32 to vector<16xi32>
        %add3A_865 = arith.addi %broadcast_in_dim3A_430, %add3A_864 : vector<16xi32>
        %add3A_866 = arith.constant 128 : i32
        %add3A_867 = arith.addi %add3A_866, %add3A_862 : i32
        %get3A_868 = arith.index_cast %rem3A_351 : i32 to index
        %get3A_869 = arith.index_cast %add3A_867 : i32 to index
        %get3A_870 = arith.constant 0 : index
        %get3A_871 = tpu.vector_load %arg9[%get3A_868, %get3A_869, %get3A_870] {strides = array<i32>} : memref<3x256x32xf32, #tpu.memory_space<vmem>>, vector<16xf32>,
        %add3A_872 = arith.addf %get3A_871, %get3A_393 : vector<16xf32>
        %scatter3A_873 = arith.constant 1 : i32
        %scatter3A_874 = arith.constant 0 : i32
        %scatter3A_875 = arith.constant 0 : i32
        %scatter3A_876 = arith.constant 0 : i32
        %scatter3A_877 = tpu.memref_slice %arg10[%rem3A_353, %scatter3A_873, %scatter3A_874, %scatter3A_875, %scatter3A_876] : memref<2x2x4x8x129xf32, #tpu.memory_space<vmem>> -> memref<1x1x4x8x129xf32, #tpu.memory_space<vmem>>
        %scatter3A_878 = tpu.memref_squeeze %scatter3A_877 : memref<1x1x4x8x129xf32, #tpu.memory_space<vmem>> -> memref<4x8x129xf32, #tpu.memory_space<vmem>>
        tpu.vector_store_idx %scatter3A_878[%mul3A_5, %add3A_8, %add3A_865], %add3A_872 : memref<4x8x129xf32, #tpu.memory_space<vmem>>[vector<16xi32>, vector<16xi32>, vector<16xi32>], vector<16xf32>,
        %add3A_879 = arith.constant 128 : i32
        %add3A_880 = arith.addi %add3A_879, %add3A_862 : i32
        %get3A_881 = arith.index_cast %rem3A_351 : i32 to index
        %get3A_882 = arith.index_cast %add3A_880 : i32 to index
        %get3A_883 = arith.constant 16 : index
        %get3A_884 = tpu.vector_load %arg9[%get3A_881, %get3A_882, %get3A_883] {strides = array<i32>} : memref<3x256x32xf32, #tpu.memory_space<vmem>>, vector<16xf32>,
        %add3A_885 = arith.addf %get3A_884, %get3A_396 : vector<16xf32>
        %scatter3A_886 = arith.constant 1 : i32
        %scatter3A_887 = arith.constant 0 : i32
        %scatter3A_888 = arith.constant 0 : i32
        %scatter3A_889 = arith.constant 0 : i32
        %scatter3A_890 = tpu.memref_slice %arg10[%rem3A_353, %scatter3A_886, %scatter3A_887, %scatter3A_888, %scatter3A_889] : memref<2x2x4x8x129xf32, #tpu.memory_space<vmem>> -> memref<1x1x4x8x129xf32, #tpu.memory_space<vmem>>
        %scatter3A_891 = tpu.memref_squeeze %scatter3A_890 : memref<1x1x4x8x129xf32, #tpu.memory_space<vmem>> -> memref<4x8x129xf32, #tpu.memory_space<vmem>>
        tpu.vector_store_idx %scatter3A_891[%mul3A_5, %add3A_11, %add3A_865], %add3A_885 : memref<4x8x129xf32, #tpu.memory_space<vmem>>[vector<16xi32>, vector<16xi32>, vector<16xi32>], vector<16xf32>,
        %mul3A_892 = arith.constant 16 : i32
        %mul3A_893 = arith.muli %scan3A_427, %mul3A_892 : i32
        %add3A_894 = arith.constant 14 : i32
        %add3A_895 = arith.addi %mul3A_893, %add3A_894 : i32
        %add3A_896 = arith.constant 14 : i32
        %add3A_897 = vector.broadcast %add3A_896 : i32 to vector<16xi32>
        %add3A_898 = arith.addi %broadcast_in_dim3A_430, %add3A_897 : vector<16xi32>
        %add3A_899 = arith.constant 128 : i32
        %add3A_900 = arith.addi %add3A_899, %add3A_895 : i32
        %get3A_901 = arith.index_cast %rem3A_351 : i32 to index
        %get3A_902 = arith.index_cast %add3A_900 : i32 to index
        %get3A_903 = arith.constant 0 : index
        %get3A_904 = tpu.vector_load %arg9[%get3A_901, %get3A_902, %get3A_903] {strides = array<i32>} : memref<3x256x32xf32, #tpu.memory_space<vmem>>, vector<16xf32>,
        %add3A_905 = arith.addf %get3A_904, %get3A_393 : vector<16xf32>
        %scatter3A_906 = arith.constant 1 : i32
        %scatter3A_907 = arith.constant 0 : i32
        %scatter3A_908 = arith.constant 0 : i32
        %scatter3A_909 = arith.constant 0 : i32
        %scatter3A_910 = tpu.memref_slice %arg10[%rem3A_353, %scatter3A_906, %scatter3A_907, %scatter3A_908, %scatter3A_909] : memref<2x2x4x8x129xf32, #tpu.memory_space<vmem>> -> memref<1x1x4x8x129xf32, #tpu.memory_space<vmem>>
        %scatter3A_911 = tpu.memref_squeeze %scatter3A_910 : memref<1x1x4x8x129xf32, #tpu.memory_space<vmem>> -> memref<4x8x129xf32, #tpu.memory_space<vmem>>
        tpu.vector_store_idx %scatter3A_911[%mul3A_5, %add3A_8, %add3A_898], %add3A_905 : memref<4x8x129xf32, #tpu.memory_space<vmem>>[vector<16xi32>, vector<16xi32>, vector<16xi32>], vector<16xf32>,
        %add3A_912 = arith.constant 128 : i32
        %add3A_913 = arith.addi %add3A_912, %add3A_895 : i32
        %get3A_914 = arith.index_cast %rem3A_351 : i32 to index
        %get3A_915 = arith.index_cast %add3A_913 : i32 to index
        %get3A_916 = arith.constant 16 : index
        %get3A_917 = tpu.vector_load %arg9[%get3A_914, %get3A_915, %get3A_916] {strides = array<i32>} : memref<3x256x32xf32, #tpu.memory_space<vmem>>, vector<16xf32>,
        %add3A_918 = arith.addf %get3A_917, %get3A_396 : vector<16xf32>
        %scatter3A_919 = arith.constant 1 : i32
        %scatter3A_920 = arith.constant 0 : i32
        %scatter3A_921 = arith.constant 0 : i32
        %scatter3A_922 = arith.constant 0 : i32
        %scatter3A_923 = tpu.memref_slice %arg10[%rem3A_353, %scatter3A_919, %scatter3A_920, %scatter3A_921, %scatter3A_922] : memref<2x2x4x8x129xf32, #tpu.memory_space<vmem>> -> memref<1x1x4x8x129xf32, #tpu.memory_space<vmem>>
        %scatter3A_924 = tpu.memref_squeeze %scatter3A_923 : memref<1x1x4x8x129xf32, #tpu.memory_space<vmem>> -> memref<4x8x129xf32, #tpu.memory_space<vmem>>
        tpu.vector_store_idx %scatter3A_924[%mul3A_5, %add3A_11, %add3A_898], %add3A_918 : memref<4x8x129xf32, #tpu.memory_space<vmem>>[vector<16xi32>, vector<16xi32>, vector<16xi32>], vector<16xf32>,
        %mul3A_925 = arith.constant 16 : i32
        %mul3A_926 = arith.muli %scan3A_427, %mul3A_925 : i32
        %add3A_927 = arith.constant 15 : i32
        %add3A_928 = arith.addi %mul3A_926, %add3A_927 : i32
        %add3A_929 = arith.constant 15 : i32
        %add3A_930 = vector.broadcast %add3A_929 : i32 to vector<16xi32>
        %add3A_931 = arith.addi %broadcast_in_dim3A_430, %add3A_930 : vector<16xi32>
        %add3A_932 = arith.constant 128 : i32
        %add3A_933 = arith.addi %add3A_932, %add3A_928 : i32
        %get3A_934 = arith.index_cast %rem3A_351 : i32 to index
        %get3A_935 = arith.index_cast %add3A_933 : i32 to index
        %get3A_936 = arith.constant 0 : index
        %get3A_937 = tpu.vector_load %arg9[%get3A_934, %get3A_935, %get3A_936] {strides = array<i32>} : memref<3x256x32xf32, #tpu.memory_space<vmem>>, vector<16xf32>,
        %add3A_938 = arith.addf %get3A_937, %get3A_393 : vector<16xf32>
        %scatter3A_939 = arith.constant 1 : i32
        %scatter3A_940 = arith.constant 0 : i32
        %scatter3A_941 = arith.constant 0 : i32
        %scatter3A_942 = arith.constant 0 : i32
        %scatter3A_943 = tpu.memref_slice %arg10[%rem3A_353, %scatter3A_939, %scatter3A_940, %scatter3A_941, %scatter3A_942] : memref<2x2x4x8x129xf32, #tpu.memory_space<vmem>> -> memref<1x1x4x8x129xf32, #tpu.memory_space<vmem>>
        %scatter3A_944 = tpu.memref_squeeze %scatter3A_943 : memref<1x1x4x8x129xf32, #tpu.memory_space<vmem>> -> memref<4x8x129xf32, #tpu.memory_space<vmem>>
        tpu.vector_store_idx %scatter3A_944[%mul3A_5, %add3A_8, %add3A_931], %add3A_938 : memref<4x8x129xf32, #tpu.memory_space<vmem>>[vector<16xi32>, vector<16xi32>, vector<16xi32>], vector<16xf32>,
        %add3A_945 = arith.constant 128 : i32
        %add3A_946 = arith.addi %add3A_945, %add3A_928 : i32
        %get3A_947 = arith.index_cast %rem3A_351 : i32 to index
        %get3A_948 = arith.index_cast %add3A_946 : i32 to index
        %get3A_949 = arith.constant 16 : index
        %get3A_950 = tpu.vector_load %arg9[%get3A_947, %get3A_948, %get3A_949] {strides = array<i32>} : memref<3x256x32xf32, #tpu.memory_space<vmem>>, vector<16xf32>,
        %add3A_951 = arith.addf %get3A_950, %get3A_396 : vector<16xf32>
        %scatter3A_952 = arith.constant 1 : i32
        %scatter3A_953 = arith.constant 0 : i32
        %scatter3A_954 = arith.constant 0 : i32
        %scatter3A_955 = arith.constant 0 : i32
        %scatter3A_956 = tpu.memref_slice %arg10[%rem3A_353, %scatter3A_952, %scatter3A_953, %scatter3A_954, %scatter3A_955] : memref<2x2x4x8x129xf32, #tpu.memory_space<vmem>> -> memref<1x1x4x8x129xf32, #tpu.memory_space<vmem>>
        %scatter3A_957 = tpu.memref_squeeze %scatter3A_956 : memref<1x1x4x8x129xf32, #tpu.memory_space<vmem>> -> memref<4x8x129xf32, #tpu.memory_space<vmem>>
        tpu.vector_store_idx %scatter3A_957[%mul3A_5, %add3A_11, %add3A_931], %add3A_951 : memref<4x8x129xf32, #tpu.memory_space<vmem>>[vector<16xi32>, vector<16xi32>, vector<16xi32>], vector<16xf32>,
      }
      %scan3A_402 = arith.constant 8 : i32
      %mul3A_403 = arith.constant 2 : i32
      %mul3A_404 = arith.muli %scan3A_350, %mul3A_403 : i32
      %dma_start3A_405 = arith.constant 0 : i32
      %dma_start3A_406 = arith.constant 0 : i32
      %dma_start3A_407 = arith.constant 0 : i32
      %dma_start3A_408 = arith.constant 0 : i32
      %dma_start3A_409 = tpu.memref_slice %arg10[%rem3A_353, %dma_start3A_405, %dma_start3A_406, %dma_start3A_407, %dma_start3A_408] : memref<2x2x4x8x129xf32, #tpu.memory_space<vmem>> -> memref<1x2x4x8x128xf32, #tpu.memory_space<vmem>>
      %dma_start3A_410 = tpu.memref_squeeze %dma_start3A_409 : memref<1x2x4x8x128xf32, #tpu.memory_space<vmem>> -> memref<2x4x8x128xf32, #tpu.memory_space<vmem>>
      %dma_start3A_411 = arith.constant 0 : i32
      %dma_start3A_412 = arith.constant 0 : i32
      %dma_start3A_413 = arith.constant 0 : i32
      %dma_start3A_414 = tpu.memref_slice %arg5[%mul3A_404, %dma_start3A_411, %add3A, %dma_start3A_412, %dma_start3A_413] : memref<200x4x32x8x128xf32, #tpu.memory_space<hbm>> -> memref<2x4x1x8x128xf32, #tpu.memory_space<hbm>>
      %dma_start3A_415 = tpu.memref_squeeze %dma_start3A_414 : memref<2x4x1x8x128xf32, #tpu.memory_space<hbm>> -> memref<2x4x8x128xf32, #tpu.memory_space<hbm>>
      %dma_start3A_416 = arith.constant 0 : i32
      %dma_start3A_417 = arith.constant 0 : i32
      %dma_start3A_418 = arith.constant 0 : i32
      %dma_start3A_419 = tpu.memref_slice %arg5[%mul3A_404, %dma_start3A_416, %add3A, %dma_start3A_417, %dma_start3A_418] : memref<200x4x32x8x128xf32, #tpu.memory_space<hbm>> -> memref<2x4x1x8x128xf32, #tpu.memory_space<hbm>>
      %dma_start3A_420 = tpu.memref_squeeze %dma_start3A_419 : memref<2x4x1x8x128xf32, #tpu.memory_space<hbm>> -> memref<2x4x8x128xf32, #tpu.memory_space<hbm>>
      %dma_start3A_421 = arith.constant 0 : i32
      %dma_start3A_422 = arith.constant 0 : i32
      %dma_start3A_423 = arith.constant 0 : i32
      %dma_start3A_424 = arith.constant 0 : i32
      %dma_start3A_425 = tpu.memref_slice %arg10[%rem3A_353, %dma_start3A_421, %dma_start3A_422, %dma_start3A_423, %dma_start3A_424] : memref<2x2x4x8x129xf32, #tpu.memory_space<vmem>> -> memref<1x2x4x8x128xf32, #tpu.memory_space<vmem>>
      %dma_start3A_426 = tpu.memref_squeeze %dma_start3A_425 : memref<1x2x4x8x128xf32, #tpu.memory_space<vmem>> -> memref<2x4x8x128xf32, #tpu.memory_space<vmem>>
      tpu.enqueue_dma source(%dma_start3A_426 : memref<2x4x8x128xf32, #tpu.memory_space<vmem>>) target(%dma_start3A_420 : memref<2x4x8x128xf32, #tpu.memory_space<hbm>>) target_semaphore(%arg12 : memref<!tpu.dma_semaphore, #tpu.memory_space<semaphore_mem>>)
    }
    %scan3A_300 = arith.constant 100 : i32
    %dma_wait3A = arith.constant 0 : i32
    %dma_wait3A_301 = arith.constant 0 : i32
    %dma_wait3A_302 = arith.constant 0 : i32
    %dma_wait3A_303 = arith.constant 0 : i32
    %dma_wait3A_304 = arith.constant 0 : i32
    %dma_wait3A_305 = tpu.memref_slice %arg10[%dma_wait3A, %dma_wait3A_301, %dma_wait3A_302, %dma_wait3A_303, %dma_wait3A_304] : memref<2x2x4x8x129xf32, #tpu.memory_space<vmem>> -> memref<1x2x4x8x128xf32, #tpu.memory_space<vmem>>
    %dma_wait3A_306 = tpu.memref_squeeze %dma_wait3A_305 : memref<1x2x4x8x128xf32, #tpu.memory_space<vmem>> -> memref<2x4x8x128xf32, #tpu.memory_space<vmem>>
    %dma_wait3A_307 = arith.constant 0 : i32
    %dma_wait3A_308 = arith.constant 0 : i32
    %dma_wait3A_309 = arith.constant 0 : i32
    %dma_wait3A_310 = arith.constant 0 : i32
    %dma_wait3A_311 = tpu.memref_slice %arg5[%dma_wait3A_307, %dma_wait3A_308, %add3A, %dma_wait3A_309, %dma_wait3A_310] : memref<200x4x32x8x128xf32, #tpu.memory_space<hbm>> -> memref<2x4x1x8x128xf32, #tpu.memory_space<hbm>>
    %dma_wait3A_312 = tpu.memref_squeeze %dma_wait3A_311 : memref<2x4x1x8x128xf32, #tpu.memory_space<hbm>> -> memref<2x4x8x128xf32, #tpu.memory_space<hbm>>
    %dma_wait3A_313 = arith.constant 0 : i32
    %dma_wait3A_314 = arith.constant 0 : i32
    %dma_wait3A_315 = arith.constant 0 : i32
    %dma_wait3A_316 = arith.constant 0 : i32
    %dma_wait3A_317 = tpu.memref_slice %arg5[%dma_wait3A_313, %dma_wait3A_314, %add3A, %dma_wait3A_315, %dma_wait3A_316] : memref<200x4x32x8x128xf32, #tpu.memory_space<hbm>> -> memref<2x4x1x8x128xf32, #tpu.memory_space<hbm>>
    %dma_wait3A_318 = tpu.memref_squeeze %dma_wait3A_317 : memref<2x4x1x8x128xf32, #tpu.memory_space<hbm>> -> memref<2x4x8x128xf32, #tpu.memory_space<hbm>>
    %dma_wait3A_319 = arith.constant 0 : i32
    %dma_wait3A_320 = arith.constant 0 : i32
    %dma_wait3A_321 = arith.constant 0 : i32
    %dma_wait3A_322 = arith.constant 0 : i32
    %dma_wait3A_323 = tpu.memref_slice %arg10[%dma_wait3A, %dma_wait3A_319, %dma_wait3A_320, %dma_wait3A_321, %dma_wait3A_322] : memref<2x2x4x8x129xf32, #tpu.memory_space<vmem>> -> memref<1x2x4x8x128xf32, #tpu.memory_space<vmem>>
    %dma_wait3A_324 = tpu.memref_squeeze %dma_wait3A_323 : memref<1x2x4x8x128xf32, #tpu.memory_space<vmem>> -> memref<2x4x8x128xf32, #tpu.memory_space<vmem>>
    tpu.wait_dma2 semaphore(%arg12 : memref<!tpu.dma_semaphore, #tpu.memory_space<semaphore_mem>>) src(%dma_wait3A_324 : memref<2x4x8x128xf32, #tpu.memory_space<vmem>>) dst(%dma_wait3A_318 : memref<2x4x8x128xf32, #tpu.memory_space<hbm>>)
    %dma_wait3A_325 = arith.constant 0 : i32
    %dma_wait3A_326 = arith.constant 0 : i32
    %dma_wait3A_327 = arith.constant 0 : i32
    %dma_wait3A_328 = arith.constant 0 : i32
    %dma_wait3A_329 = arith.constant 0 : i32
    %dma_wait3A_330 = tpu.memref_slice %arg10[%dma_wait3A_325, %dma_wait3A_326, %dma_wait3A_327, %dma_wait3A_328, %dma_wait3A_329] : memref<2x2x4x8x129xf32, #tpu.memory_space<vmem>> -> memref<1x2x4x8x128xf32, #tpu.memory_space<vmem>>
    %dma_wait3A_331 = tpu.memref_squeeze %dma_wait3A_330 : memref<1x2x4x8x128xf32, #tpu.memory_space<vmem>> -> memref<2x4x8x128xf32, #tpu.memory_space<vmem>>
    %dma_wait3A_332 = arith.constant 0 : i32
    %dma_wait3A_333 = arith.constant 0 : i32
    %dma_wait3A_334 = arith.constant 0 : i32
    %dma_wait3A_335 = arith.constant 0 : i32
    %dma_wait3A_336 = tpu.memref_slice %arg5[%dma_wait3A_332, %dma_wait3A_333, %add3A, %dma_wait3A_334, %dma_wait3A_335] : memref<200x4x32x8x128xf32, #tpu.memory_space<hbm>> -> memref<2x4x1x8x128xf32, #tpu.memory_space<hbm>>
    %dma_wait3A_337 = tpu.memref_squeeze %dma_wait3A_336 : memref<2x4x1x8x128xf32, #tpu.memory_space<hbm>> -> memref<2x4x8x128xf32, #tpu.memory_space<hbm>>
    %dma_wait3A_338 = arith.constant 0 : i32
    %dma_wait3A_339 = arith.constant 0 : i32
    %dma_wait3A_340 = arith.constant 0 : i32
    %dma_wait3A_341 = arith.constant 0 : i32
    %dma_wait3A_342 = tpu.memref_slice %arg5[%dma_wait3A_338, %dma_wait3A_339, %add3A, %dma_wait3A_340, %dma_wait3A_341] : memref<200x4x32x8x128xf32, #tpu.memory_space<hbm>> -> memref<2x4x1x8x128xf32, #tpu.memory_space<hbm>>
    %dma_wait3A_343 = tpu.memref_squeeze %dma_wait3A_342 : memref<2x4x1x8x128xf32, #tpu.memory_space<hbm>> -> memref<2x4x8x128xf32, #tpu.memory_space<hbm>>
    %dma_wait3A_344 = arith.constant 0 : i32
    %dma_wait3A_345 = arith.constant 0 : i32
    %dma_wait3A_346 = arith.constant 0 : i32
    %dma_wait3A_347 = arith.constant 0 : i32
    %dma_wait3A_348 = tpu.memref_slice %arg10[%dma_wait3A_325, %dma_wait3A_344, %dma_wait3A_345, %dma_wait3A_346, %dma_wait3A_347] : memref<2x2x4x8x129xf32, #tpu.memory_space<vmem>> -> memref<1x2x4x8x128xf32, #tpu.memory_space<vmem>>
    %dma_wait3A_349 = tpu.memref_squeeze %dma_wait3A_348 : memref<1x2x4x8x128xf32, #tpu.memory_space<vmem>> -> memref<2x4x8x128xf32, #tpu.memory_space<vmem>>
    tpu.wait_dma2 semaphore(%arg12 : memref<!tpu.dma_semaphore, #tpu.memory_space<semaphore_mem>>) src(%dma_wait3A_349 : memref<2x4x8x128xf32, #tpu.memory_space<vmem>>) dst(%dma_wait3A_343 : memref<2x4x8x128xf32, #tpu.memory_space<hbm>>)
    return
  }
}

</mosaic_0001>

<sc_bundles>
// kernel: kernel.3.cloned.1.call-start
scs
__scs_entry_jumppad:
0x0: {  	(pc) =	sbr.rel $0x88, $3  }
0x1: {  	(tag) =	ssettag $0x0;
	lr =	simm.s32 $0x1  }
0x2: {  	[smem:$0x3F9E] =	sst lr;
	_ =	strace $0xD0000000  }
0x3: {  	_ = 	snop  }
0x4: {  	_ = 	snop  }
0x5: {  	_ = 	snop  }
0x6: {  	_ = 	snop  }
0x7: {  	_ = 	snop  }
__scs_overlays_trampoline_lowered:
0x8: {  	[smem:$0x3FAD] =	sst s0  }
0x9: {  	[smem:$0x3FAE] =	sst s1  }
0xa: {  	[smem:$0x3FAF] =	sst s2  }
0xb: {  	[smem:$0x3FB0] =	sst s3  }
0xc: {  	[smem:$0x3FB1] =	sst s4  }
0xd: {  	[smem:$0x3FB2] =	sst s5  }
0xe: {  	[smem:$0x3FB3] =	sst s6  }
0xf: {  	[smem:$0x3FB4] =	sst s7  }
0x10: {  	[smem:$0x3FB5] =	sst s8  }
0x11: {  	[smem:$0x3FB6] =	sst s9;
	s0 =	simm.s32 @!p0 $0x0  }
0x12: {  	s1 =	sld [smem:$0x3F9C];
	s0 =	simm.s32 @p0 $0x1  }
0x13: {  	[smem:$0x3FB7] =	sst s0;
	s0 =	simm.s32 @!p1 $0x0  }
0x14: {  	s2 =	sld [smem:$0x3F9B];
	s0 =	simm.s32 @p1 $0x1  }
0x15: {  	[smem:$0x3FB8] =	sst s0;
	s0 =	simm.s32 @!p2 $0x0  }
0x16: {  	s3 =	sld [smem:$0x3FDB];
	s0 =	simm.s32 @p2 $0x1  }
0x17: {  	s4 =	simm.s32 $0x1BF5;
	[smem:$0x3FBA] =	sst s0  }
0x18: {  	s0 =	sld [smem:$0x3F9D];
	_ =	swait.ge [sflag:s4], $0x0  }
0x19: {  	s7 =	sld [smem:$0x3F9E]  }
0x1a: {  	s8 =	sadd.s32 $0xFFFFE003, lr  }
0x1b: {  	s9 =	sadd.s32 $0xFFFFFEF7, lr;
	s5 =	simm.s32 $0xFFFFFFFF;
	p2 =	slt.u32 s8, $0xFFFFF086  }
0x1c: {  	p1 =	slt.u32 s9, $0xF7A;
	s5 =	simm.s32 @!p2 $0x0  }
0x1d: {  	s5 =	simm.s32 @p1 $0x1;
	p0 =	seq.s32 s7, s2  }
0x1e: {  	s7 =	smul.u32 @!p0 $0xF7A, s2;
	p2 =	seq.s32 @!p0 s5, $0x0  }
0x1f: {  	s9 =	smul.u32 $0xF7A, s1;
	s8 =	simm.s32 @!p0 $0x1BF5;
	p2 =	por !p2, p0  }
0x20: {  	[sflag:s8] =	ssyncset.s32 @!p0 $0xFFFFF086;
	s6 =	sadd.s32 @!p0 s3, s7;
	s7 =	simm.s32 @!p0 $0x108  }
0x21: {  	s3 =	sadd.s32 s3, s9;
	s6 =	sadd.s32 @!p0 $0x88, s6;
	s7 =	simm.s32 @p2 $0x1082  }
0x22: {  	[simem:s7], [sflag:s8] =	dma.local @!p0 [hbm:s6], $0xF7A  }
0x23: {  	s9 =	sor.u32 $0xD0000000, s2;
	s6 =	simm.s32 $0x108;
	_ =	swait.ge @!p0 [sflag:s8], $0x0  }
0x24: {  	s3 =	sadd.s32 $0x88, s3;
	s6 =	simm.s32 @!p1 $0x1082;
	[sflag:s4] =	ssyncset.s32 $0xFFFFF086  }
0x25: {  	[simem:s6], [sflag:s4] =	dma.local [hbm:s3], $0xF7A  }
0x26: {  	[smem:$0x3F9E] =	sst s1;
	(tag) =	ssettag s2;
	_ =	strace s9  }
0x27: {  	s1 =	sld [smem:$0x3FAE]  }
0x28: {  	s2 =	sld [smem:$0x3FAF]  }
0x29: {  	s4 =	sld [smem:$0x3FB1]  }
0x2a: {  	p0 =	seq.s32 s5, $0x0;
	s5 =	sld [smem:$0x3FB2]  }
0x2b: {  	s6 =	sld [smem:$0x3FB3]  }
0x2c: {  	s7 =	sld [smem:$0x3FB4]  }
0x2d: {  	s3 =	simm.s32 $0x108;
	s8 =	sld [smem:$0x3FB5]  }
0x2e: {  	s3 =	simm.s32 @!p0 $0x1082;
	s9 =	sld [smem:$0x3FB6]  }
0x2f: {  	lr =	sadd.s32 s0, s3;
	s0 =	sld [smem:$0x3FAD]  }
0x30: {  	s3 =	sld [smem:$0x3FB0]  }
0x31: {  	[smem:$0x3FB9] =	sst s10  }
0x32: {  	s10 =	sld [smem:$0x3FB7];
	_ =	sdelay $0x3  }
0x33: {  	p0 =	seq.s32 s10, $0x1;
	s10 =	sld [smem:$0x3FB9];
	_ =	sdelay $0x3  }
0x34: {  	[smem:$0x3FB9] =	sst s10  }
0x35: {  	s10 =	sld [smem:$0x3FB8];
	_ =	sdelay $0x3  }
0x36: {  	p1 =	seq.s32 s10, $0x1;
	s10 =	sld [smem:$0x3FB9];
	_ =	sdelay $0x3  }
0x37: {  	[smem:$0x3FB9] =	sst s10  }
0x38: {  	s10 =	sld [smem:$0x3FBA]  }
0x39: {  	_ = 	snop;
	(pc) =	sbr.ind lr, $3  }
0x3a: {  	_ = 	snop  }
0x3b: {  	_ = 	snop  }
0x3c: {  	p2 =	seq.s32 s10, $0x1;
	s10 =	sld [smem:$0x3FB9]  }
0x3d: {  	_ =	shalt  }
0x3e: {  	_ =	shalt  }
0x3f: {  	_ =	shalt  }
0x40: {  	_ =	shalt  }
0x41: {  	_ =	shalt  }
0x42: {  	_ =	shalt  }
0x43: {  	_ =	shalt  }
0x44: {  	_ =	shalt  }
0x45: {  	_ =	shalt  }
0x46: {  	_ =	shalt  }
0x47: {  	_ =	shalt  }
0x48: {  	_ =	shalt  }
0x49: {  	_ =	shalt  }
0x4a: {  	_ =	shalt  }
0x4b: {  	_ =	shalt  }
0x4c: {  	_ =	shalt  }
0x4d: {  	_ =	shalt  }
0x4e: {  	_ =	shalt  }
0x4f: {  	_ =	shalt  }
0x50: {  	_ =	shalt  }
0x51: {  	_ =	shalt  }
0x52: {  	_ =	shalt  }
0x53: {  	_ =	shalt  }
0x54: {  	_ =	shalt  }
0x55: {  	_ =	shalt  }
0x56: {  	_ =	shalt  }
0x57: {  	_ =	shalt  }
0x58: {  	_ =	shalt  }
0x59: {  	_ =	shalt  }
0x5a: {  	_ =	shalt  }
0x5b: {  	_ =	shalt  }
0x5c: {  	_ =	shalt  }
0x5d: {  	_ =	shalt  }
0x5e: {  	_ =	shalt  }
0x5f: {  	_ =	shalt  }
0x60: {  	_ =	shalt  }
0x61: {  	_ =	shalt  }
0x62: {  	_ =	shalt  }
0x63: {  	_ =	shalt  }
0x64: {  	_ =	shalt  }
0x65: {  	_ =	shalt  }
0x66: {  	_ =	shalt  }
0x67: {  	_ =	shalt  }
0x68: {  	_ =	shalt  }
0x69: {  	_ =	shalt  }
0x6a: {  	_ =	shalt  }
0x6b: {  	_ =	shalt  }
0x6c: {  	_ =	shalt  }
0x6d: {  	_ =	shalt  }
0x6e: {  	_ =	shalt  }
0x6f: {  	_ =	shalt  }
0x70: {  	_ =	shalt  }
0x71: {  	_ =	shalt  }
0x72: {  	_ =	shalt  }
0x73: {  	_ =	shalt  }
0x74: {  	_ =	shalt  }
0x75: {  	_ =	shalt  }
0x76: {  	_ =	shalt  }
0x77: {  	_ =	shalt  }
0x78: {  	_ =	shalt  }
0x79: {  	_ =	shalt  }
0x7a: {  	_ =	shalt  }
0x7b: {  	_ =	shalt  }
0x7c: {  	_ =	shalt  }
0x7d: {  	_ =	shalt  }
0x7e: {  	_ =	shalt  }
0x7f: {  	_ =	shalt  }
0x80: {  	_ =	shalt  }
0x81: {  	_ =	shalt  }
0x82: {  	_ =	shalt  }
0x83: {  	_ =	shalt  }
0x84: {  	_ =	shalt  }
0x85: {  	_ =	shalt  }
0x86: {  	_ =	shalt  }
0x87: {  	_ =	shalt  }
.Lfunc_end0:
.L_simem_size_0:
called_computation_lowered:
.L_overlay_start_0:
0x88: {  	s2 =	sld [smem:$0x3FD9]  }
0x89: {  	s3 =	sld [smem:$0x3FFE];
	_ =	sdelay $0x1  }
0x8a: {  	s1 =	srdreg.scid  }
0x8b: {  	s0 =	sand.u32 $0x1, s1  }
0x8c: {  	s17 =	sshll.u32 s0, $0xA;
	s2 =	sadd.s32 s3, s2  }
0x8d: {  	s2 =	sadd.s32 s2, s17  }
0x8e: {  	[smem:$0x3FC5] =	sst s2  }
0x8f: {  	_ = 	snop  }
0x90: {  	s2 =	sld [smem:$0x3FD0];
	(tm) =	ssettm $0x1  }
0x91: {  	s18 =	sld [smem:$0x3FFB];
	_ =	sdelay $0x3  }
0x92: {  	_ =	strace s18  }
0x93: {  	s3 =	sld [smem:$0x3FFC];
	_ =	sdelay $0x3  }
0x94: {  	_ =	strace s3  }
0x95: {  	s3 =	sld [smem:$0x3FFD];
	_ =	sdelay $0x3  }
0x96: {  	_ =	strace s3  }
0x97: {  	_ =	strace $0x8FFFFFFF  }
0x98: {  	s19 =	sld [smem:$0x3FDB];
	_ =	sdelay $0x1  }
0x99: {  	s4 =	simm.s32 $_scs_section_size  }
0x9a: {  	s5 =	simm.s32 $_size__tile_overlayer_lowered;
	s6 =	simm.s32 $_tile_overlayer_lowered  }
0x9b: {  	s22 =	simm.s32 $0x1BFF;
	s21 =	sshll.u32 s6, $0x1;
	s3 =	sadd.s32 s4, s19  }
0x9c: {  	s7 =	simm.s32 $0x0;
	s20 =	sshll.u32 s5, $0x1;
	s5 =	sadd.s32 s21, s3  }
0x9d: {  	[timem:s7], [sflag:s22] =	dma.local [hbm:s5], s20  }
0x9e: {  	_ =	swait.ge [sflag:s22], s20  }
0x9f: {  	s4 =	ssub.s32 $0x0, s20;
	[sflag:s22] =	ssyncset.done $0x0  }
0xa0: {  	[sflag:s22] =	ssyncadd.s32 s4;
	_ =	sdelay $0x1  }
0xa1: {  	s23 =	simm.s32 $0x1B8B  }
0xa2: {  	_ =	swait.ge [sflag:s23], $0x1  }
0xa3: {  	[sflag:s23] =	ssyncset.done $0x0  }
0xa4: {  	s25 =	simm.s32 $0x1B8E;
	s24 =	sld [smem:$0x3FFE];
	[sflag:s23] =	ssyncadd.s32 $0xFFFFFFFF  }
0xa5: {  	s26 =	simm.s32 $execute0_lowered;
	[smem:$0x3FD2] =	sst s25  }
0xa6: {  	s5 =	sshll.u32 s26, $0x1;
	_ =	strace $0x80000046;
	[dreg:$0x1] =	wrdreg $0xFFFFFFFF  }
0xa7: {  	s28 =	simm.s32 $_size_execute0_lowered;
	s3 =	sadd.s32 s3, s5;
	[dreg:$0x0] =	wrdreg $0x0  }
0xa8: {  	s5 =	sshll.u32 s28, $0x1;
	[dreg:$0x2] =	wrdreg s3  }
0xa9: {  	[dreg:$0x3] =	wrdreg s5  }
0xaa: {  	[dreg:$0x4] =	wrdreg $0xC0  }
0xab: {  	_ =	task [dreg:s7], $0x5FFFF  }
0xac: {  	[dreg:$0x1] =	wrdreg $0xFFFFFFFF  }
0xad: {  	[dreg:$0x0] =	wrdreg $0x60  }
0xae: {  	[dreg:$0x2] =	wrdreg s24  }
0xaf: {  	[dreg:$0x3] =	wrdreg s2  }
0xb0: {  	[dreg:$0x4] =	wrdreg $0x9  }
0xb1: {  	_ =	task.clear_ibuf [dreg:s7], $0x5FFFF;
	_ =	strace $0x90000046  }
0xb2: {  	s29 =	simm.s32 $0x9;
	_ =	strace $0x80000048  }
0xb3: {  	_ =	swait.ge [sflag:s29], $0x1  }
0xb4: {  	[sflag:s29] =	ssyncadd.s32 $0xFFFFFFFF  }
0xb5: {  	_ =	strace $0x90000048  }
0xb6: {  	_ =	sfence  }
0xb7: {  	s30 =	sld [smem:$0x0];
	_ =	sdelay $0x2  }
0xb8: {  	s31 =	sshll.u32 s1, $0xD;
	s1 =	sshrl.u32 s1, $0x2  }
0xb9: {  	s3 =	sand.u32 $0x4000, s31;
	s1 =	sadd.s32 s1, s30  }
0xba: {  	s0 =	sor.u32 s3, s0;
	s1 =	sshll.u32 s1, $0x11  }
0xbb: {  	s0 =	sor.u32 s1, s0  }
0xbc: {  	s0 =	sadd.s32 $0x8F2B, s0  }
0xbd: {  	[sflag:s0] =	ssyncadd.remote.s32 $0x1  }
0xbe: {  	_ =	sfence.sel $0xFFFF  }
0xbf: {  	[dreg:$0x0] =	wrdreg $0xFFFFFFFF;
	(pc) =	sbr.abs _section_cstart, $3  }
0xc0: {  	[dreg:$0x1] =	wrdreg $0xFFFFFFFF  }
0xc1: {  	_ =	task.clear_ibuf [dreg:s7], $0x2FFFF;
	_ =	strace $0x9FFFFFFF  }
0xc2: {  	(tm) =	ssettm $0x7FFFFFFF  }
0xc3: {  	_ =	shalt  }
tec
execute0_lowered:
.L_overlay_start_1:
0x0: {  	(tag) =	ssettag $0x1  }
0x1: {  	v8 =	vlaneseq.u32  }
0x2: {  	v0 =	vmul.u32 $0xC8, v8;
	_ =	sdelay $0x1  }
0x3: {  	v27 =	vmul.u32 $0x88, v8;
	v1 =	vadd.s32 $0xC80, v0;
	v2 =	vadd.s32 $0x1900, v0  }
0x4: {  	v3 =	vadd.s32 $0x2580, v0;
	v4 =	vadd.s32 $0x3200, v0;
	v5 =	vadd.s32 $0x3E80, v0  }
0x5: {  	v6 =	vadd.s32 $0x4B00, v0;
	v7 =	vadd.s32 $0x5780, v0;
	v9 =	vor.u32 $0x1, v0  }
0x6: {  	v60 =	vadd.s32 $0xC81, v0;
	v61 =	vadd.s32 $0x1901, v0;
	v62 =	vadd.s32 $0x2581, v0  }
0x7: {  	v63 =	vadd.s32 $0x3201, v0;
	v13 =	vadd.s32 $0x3E81, v0;
	v14 =	vadd.s32 $0x4B01, v0  }
0x8: {  	v15 =	vadd.s32 $0x5781, v0;
	v16 =	vor.u32 $0x2, v0;
	v17 =	vadd.s32 $0xC82, v0  }
0x9: {  	v18 =	vadd.s32 $0x1902, v0;
	v19 =	vadd.s32 $0x2582, v0;
	v20 =	vadd.s32 $0x3202, v0  }
0xa: {  	v21 =	vadd.s32 $0x3E82, v0;
	v22 =	vadd.s32 $0x4B02, v0;
	v23 =	vadd.s32 $0x5782, v0  }
0xb: {  	v24 =	vor.u32 $0x3, v0;
	v25 =	vadd.s32 $0xC83, v0;
	v26 =	vadd.s32 $0x1903, v0  }
0xc: {  	v28 =	vadd.s32 $0x2583, v0;
	v29 =	vadd.s32 $0x3203, v0;
	v30 =	vadd.s32 $0x3E83, v0  }
0xd: {  	s4 =	rddreg [dreg:$0x0];
	s1 =	srdreg.scid;
	v31 =	vadd.s32 $0x4B03, v0;
	v32 =	vadd.s32 $0x5783, v0;
	v33 =	vadd.s32 $0x880, v27  }
0xe: {  	s0 =	stileid.u32;
	s6 =	rddreg [dreg:$0x1];
	v34 =	vor.u32 $0x1, v27;
	v35 =	vadd.s32 $0x881, v27;
	v36 =	vor.u32 $0x2, v27  }
0xf: {  	s2 =	simm.s32 $0x0;
	s10 =	simm.s32 $0x100;
	s11 =	simm.s32 $0x7D00;
	v37 =	vadd.s32 $0x882, v27;
	v38 =	vor.u32 $0x3, v27;
	v39 =	vadd.s32 $0x883, v27  }
0x10: {  	s12 =	simm.s32 $0x7E00;
	s13 =	simm.s32 $0xA000;
	s14 =	simm.s32 $0x1;
	v40 =	vor.u32 $0x4, v27;
	v41 =	vadd.s32 $0x884, v27;
	v42 =	vor.u32 $0x5, v27  }
0x11: {  	s15 =	simm.s32 $0x2;
	s3 =	sand.u32 $0x1, s1;
	s1 =	rddreg [dreg:$0x2];
	v43 =	vadd.s32 $0x885, v27;
	v44 =	vor.u32 $0x6, v27;
	v45 =	vadd.s32 $0x886, v27;
	[tilespmem:$0x1FFB0] =	vst v9  }
0x12: {  	s16 =	simm.s32 $0x0;
	s5 =	sshll.u32 s0, $0x1;
	[smem:$0x7FF] =	sst s2;
	v46 =	vor.u32 $0x7, v27;
	v47 =	vadd.s32 $0x887, v27;
	v48 =	vadd.s32 $0x8, v27;
	[tilespmem:$0x1FFC0] =	vst v60  }
0x13: {  	s5 =	sor.u32 s3, s5;
	s8 =	ssub.s32 $0x2, s3;
	s3 =	sadd.s32 $0xF42C00, s4;
	v49 =	vadd.s32 $0x888, v27;
	v50 =	vadd.s32 $0x9, v27;
	v51 =	vadd.s32 $0x889, v27;
	[tilespmem:$0x1FFD0] =	vst v61  }
0x14: {  	s7 =	smul.u32 $0xC80, s5;
	s9 =	sshrl.u32 s8, $0x1;
	s31 =	sshll.u32 s5, $0x7;
	v52 =	vadd.s32 $0xA, v27;
	v53 =	vadd.s32 $0x88A, v27;
	v54 =	vadd.s32 $0xB, v27;
	[tilespmem:$0x1FFE0] =	vst v62  }
0x15: {  	v55 =	vadd.s32 $0x88B, v27;
	v56 =	vadd.s32 $0xC, v27;
	v57 =	vadd.s32 $0x88C, v27;
	[tilespmem:$0x1FFF0] =	vst v63;
	s8 =	ssub.s32 s8, s9;
	s6 =	sadd.s32 s6, s31;
	s9 =	simm.s32 $0x6400  }
0x16: {  	v58 =	vadd.s32 $0xD, v27;
	v59 =	vadd.s32 $0x88D, v27;
	v60 =	vadd.s32 $0xE, v27;
	_ =	strace $0x80000047;
	s7 =	sadd.s32 s7, s4;
	s4 =	sadd.s32 $0x19800, s4  }
0x17: {  	v61 =	vadd.s32 $0x88E, v27;
	v62 =	vadd.s32 $0xF, v27;
	v63 =	vadd.s32 $0x88F, v27;
	s5 =	sadd.s32 $0x800, s7;
	s7 =	smax.u32 s8, $0x1;
	s8 =	simm.s32 $0x3  }
.LBB2_1:
0x18: {  	[tilespmem:s2], [sflag:$0x3] =	stream.linear.gather [hbm4b:s5+s2], $0x6400, $0x38;
	[tilespmem:$0x12400] =	vst v63  }
0x19: {  	_ =	swait.ge [sflag:s8], $0x6400  }
0x1a: {  	[sflag:s8] =	ssyncset.done $0x0  }
0x1b: {  	[sflag:s8] =	ssyncadd.s32 $0xFFFF9C00  }
0x1c: {  	[tilespmem:s9], [sflag:$0x3] =	stream.linear.gather [hbm4b:s4+s2], $0x1900, $0x38;
	[tilespmem:$0x12400] =	vst v63  }
0x1d: {  	_ =	swait.ge [sflag:s8], $0x1900  }
0x1e: {  	[sflag:s8] =	ssyncset.done $0x0  }
0x1f: {  	[sflag:s8] =	ssyncadd.s32 $0xFFFFE700  }
0x20: {  	v8 =	vld.idx.msk [tilespmem:v0+s2+$0x0], $0xffff;
	_ =	sdelay $0x4  }
0x21: {  	[tilespmem:$0x7D00] =	vst v8  }
0x22: {  	v8 =	vld.idx.msk [tilespmem:v1+s2+$0x0], $0xffff;
	_ =	sdelay $0x4  }
0x23: {  	[tilespmem:$0x7D10] =	vst v8  }
0x24: {  	v8 =	vld.idx.msk [tilespmem:v2+s2+$0x0], $0xffff;
	_ =	sdelay $0x4  }
0x25: {  	[tilespmem:$0x7D20] =	vst v8  }
0x26: {  	v8 =	vld.idx.msk [tilespmem:v3+s2+$0x0], $0xffff;
	_ =	sdelay $0x4  }
0x27: {  	[tilespmem:$0x7D30] =	vst v8  }
0x28: {  	v8 =	vld.idx.msk [tilespmem:v4+s2+$0x0], $0xffff;
	_ =	sdelay $0x4  }
0x29: {  	[tilespmem:$0x7D40] =	vst v8  }
0x2a: {  	v8 =	vld.idx.msk [tilespmem:v5+s2+$0x0], $0xffff;
	_ =	sdelay $0x4  }
0x2b: {  	[tilespmem:$0x7D50] =	vst v8  }
0x2c: {  	v8 =	vld.idx.msk [tilespmem:v6+s2+$0x0], $0xffff;
	_ =	sdelay $0x4  }
0x2d: {  	[tilespmem:$0x7D60] =	vst v8  }
0x2e: {  	v8 =	vld.idx.msk [tilespmem:v7+s2+$0x0], $0xffff;
	_ =	sdelay $0x4  }
0x2f: {  	[tilespmem:$0x7D70] =	vst v8;
	v8 =	vld [tilespmem:$0x1FFB0];
	_ =	sdelay $0x7  }
0x30: {  	v8 =	vld.idx.msk [tilespmem:v8+s2+$0x0], $0xffff;
	_ =	sdelay $0x4  }
0x31: {  	[tilespmem:$0x7D80] =	vst v8;
	v8 =	vld [tilespmem:$0x1FFC0];
	_ =	sdelay $0x7  }
0x32: {  	v8 =	vld.idx.msk [tilespmem:v8+s2+$0x0], $0xffff;
	_ =	sdelay $0x4  }
0x33: {  	[tilespmem:$0x7D90] =	vst v8;
	v8 =	vld [tilespmem:$0x1FFD0];
	_ =	sdelay $0x7  }
0x34: {  	v8 =	vld.idx.msk [tilespmem:v8+s2+$0x0], $0xffff;
	_ =	sdelay $0x4  }
0x35: {  	[tilespmem:$0x7DA0] =	vst v8;
	v8 =	vld [tilespmem:$0x1FFE0];
	_ =	sdelay $0x7  }
0x36: {  	v8 =	vld.idx.msk [tilespmem:v8+s2+$0x0], $0xffff;
	_ =	sdelay $0x4  }
0x37: {  	[tilespmem:$0x7DB0] =	vst v8;
	v8 =	vld [tilespmem:$0x1FFF0];
	_ =	sdelay $0x7  }
0x38: {  	v8 =	vld.idx.msk [tilespmem:v8+s2+$0x0], $0xffff;
	_ =	sdelay $0x4  }
0x39: {  	[tilespmem:$0x7DC0] =	vst v8  }
0x3a: {  	v8 =	vld.idx.msk [tilespmem:v13+s2+$0x0], $0xffff;
	_ =	sdelay $0x4  }
0x3b: {  	[tilespmem:$0x7DD0] =	vst v8  }
0x3c: {  	v8 =	vld.idx.msk [tilespmem:v14+s2+$0x0], $0xffff;
	_ =	sdelay $0x4  }
0x3d: {  	[tilespmem:$0x7DE0] =	vst v8  }
0x3e: {  	v8 =	vld.idx.msk [tilespmem:v15+s2+$0x0], $0xffff;
	_ =	sdelay $0x4  }
0x3f: {  	s17 =	simm.s32 $0x8000;
	[tilespmem:$0x7DF0] =	vst v8  }
0x40: {  	[tilespmem:s17], [sflag:$0x1] =	stream.indirect.gather [hbm4b:s3+s10], $0x20, s11, s10, $0xb8;
	[tilespmem:$0x12400] =	vst v63  }
0x41: {  	v8 =	vld.idx.msk [tilespmem:v16+s2+$0x0], $0xffff;
	_ =	sdelay $0x4  }
0x42: {  	[tilespmem:$0x7E00] =	vst v8  }
0x43: {  	v8 =	vld.idx.msk [tilespmem:v17+s2+$0x0], $0xffff;
	_ =	sdelay $0x4  }
0x44: {  	[tilespmem:$0x7E10] =	vst v8  }
0x45: {  	v8 =	vld.idx.msk [tilespmem:v18+s2+$0x0], $0xffff;
	_ =	sdelay $0x4  }
0x46: {  	[tilespmem:$0x7E20] =	vst v8  }
0x47: {  	v8 =	vld.idx.msk [tilespmem:v19+s2+$0x0], $0xffff;
	_ =	sdelay $0x4  }
0x48: {  	[tilespmem:$0x7E30] =	vst v8  }
0x49: {  	v8 =	vld.idx.msk [tilespmem:v20+s2+$0x0], $0xffff;
	_ =	sdelay $0x4  }
0x4a: {  	[tilespmem:$0x7E40] =	vst v8  }
0x4b: {  	v8 =	vld.idx.msk [tilespmem:v21+s2+$0x0], $0xffff;
	_ =	sdelay $0x4  }
0x4c: {  	[tilespmem:$0x7E50] =	vst v8  }
0x4d: {  	v8 =	vld.idx.msk [tilespmem:v22+s2+$0x0], $0xffff;
	_ =	sdelay $0x4  }
0x4e: {  	[tilespmem:$0x7E60] =	vst v8  }
0x4f: {  	v8 =	vld.idx.msk [tilespmem:v23+s2+$0x0], $0xffff;
	_ =	sdelay $0x4  }
0x50: {  	[tilespmem:$0x7E70] =	vst v8  }
0x51: {  	v8 =	vld.idx.msk [tilespmem:v24+s2+$0x0], $0xffff;
	_ =	sdelay $0x4  }
0x52: {  	[tilespmem:$0x7E80] =	vst v8  }
0x53: {  	v8 =	vld.idx.msk [tilespmem:v25+s2+$0x0], $0xffff;
	_ =	sdelay $0x4  }
0x54: {  	[tilespmem:$0x7E90] =	vst v8  }
0x55: {  	v8 =	vld.idx.msk [tilespmem:v26+s2+$0x0], $0xffff;
	_ =	sdelay $0x4  }
0x56: {  	[tilespmem:$0x7EA0] =	vst v8  }
0x57: {  	v8 =	vld.idx.msk [tilespmem:v28+s2+$0x0], $0xffff;
	_ =	sdelay $0x4  }
0x58: {  	[tilespmem:$0x7EB0] =	vst v8  }
0x59: {  	v8 =	vld.idx.msk [tilespmem:v29+s2+$0x0], $0xffff;
	_ =	sdelay $0x4  }
0x5a: {  	[tilespmem:$0x7EC0] =	vst v8  }
0x5b: {  	v8 =	vld.idx.msk [tilespmem:v30+s2+$0x0], $0xffff;
	_ =	sdelay $0x4  }
0x5c: {  	[tilespmem:$0x7ED0] =	vst v8  }
0x5d: {  	v8 =	vld.idx.msk [tilespmem:v31+s2+$0x0], $0xffff;
	_ =	sdelay $0x4  }
0x5e: {  	[tilespmem:$0x7EE0] =	vst v8  }
0x5f: {  	v8 =	vld.idx.msk [tilespmem:v32+s2+$0x0], $0xffff;
	_ =	sdelay $0x4  }
0x60: {  	s18 =	simm.s32 $0x0;
	[tilespmem:$0x7EF0] =	vst v8  }
0x61: {  	[tilespmem:s13], [sflag:$0x1] =	stream.indirect.gather [hbm4b:s3+s10], $0x20, s12, s10, $0xb8;
	[tilespmem:$0x12400] =	vst v63  }
.LBB2_2:
0x62: {  	p0 =	sgt.u32 s18, $0x61  }
.Ltmp0:
0x63: {  	_ = 	snop;
	(pc) =	sbr.rel @p0 .LBB2_4-.Ltmp0, $1  }
0x64: {  	_ =	sdelay $0x3  }
0x65: {  	s19 =	sadd.s32 $0x2, s18  }
0x66: {  	s20 =	sshll.u32 s19, $0x1  }
0x67: {  	v8 =	vmov s20  }
0x68: {  	v8 =	vand.u32 $0x1FE, v8  }
0x69: {  	v9 =	vadd.s32 v0, v8  }
0x6a: {  	s29 =	smul.u32 $0xAB, s19;
	_ =	sdelay $0x1  }
0x6b: {  	s20 =	sshrl.u32 s29, $0x9  }
0x6c: {  	s20 =	sand.u32 $0x7F, s20  }
0x6d: {  	s20 =	smul.u32 $0x3, s20;
	v9 =	vld.idx.msk [tilespmem:v9+s2+$0x0], $0xffff  }
0x6e: {  	v10 =	vadd.s32 v1, v8  }
0x6f: {  	s20 =	ssub.s32 s19, s20  }
0x70: {  	s20 =	sand.u32 $0xFF, s20  }
0x71: {  	s21 =	sshll.u32 s20, $0x8  }
0x72: {  	[tilespmem:s21+$0x7D00] =	vst v9  }
0x73: {  	v9 =	vld.idx.msk [tilespmem:v10+s2+$0x0], $0xffff  }
0x74: {  	v10 =	vadd.s32 v2, v8;
	_ =	sdelay $0x3  }
0x75: {  	[tilespmem:s21+$0x7D10] =	vst v9  }
0x76: {  	v9 =	vld.idx.msk [tilespmem:v10+s2+$0x0], $0xffff  }
0x77: {  	v10 =	vadd.s32 v3, v8;
	_ =	sdelay $0x3  }
0x78: {  	[tilespmem:s21+$0x7D20] =	vst v9  }
0x79: {  	v9 =	vld.idx.msk [tilespmem:v10+s2+$0x0], $0xffff  }
0x7a: {  	v10 =	vadd.s32 v4, v8;
	_ =	sdelay $0x3  }
0x7b: {  	[tilespmem:s21+$0x7D30] =	vst v9  }
0x7c: {  	v9 =	vld.idx.msk [tilespmem:v10+s2+$0x0], $0xffff  }
0x7d: {  	v10 =	vadd.s32 v5, v8;
	_ =	sdelay $0x3  }
0x7e: {  	[tilespmem:s21+$0x7D40] =	vst v9  }
0x7f: {  	v9 =	vld.idx.msk [tilespmem:v10+s2+$0x0], $0xffff  }
0x80: {  	v10 =	vadd.s32 v6, v8;
	_ =	sdelay $0x3  }
0x81: {  	[tilespmem:s21+$0x7D50] =	vst v9  }
0x82: {  	v9 =	vld.idx.msk [tilespmem:v10+s2+$0x0], $0xffff  }
0x83: {  	v8 =	vadd.s32 v7, v8;
	_ =	sdelay $0x2  }
0x84: {  	s19 =	sshllo.u32 s19, $0x1  }
0x85: {  	[tilespmem:s21+$0x7D60] =	vst v9;
	v9 =	vmov s19  }
0x86: {  	v8 =	vld.idx.msk [tilespmem:v8+s2+$0x0], $0xffff;
	v9 =	vand.u32 $0x1FF, v9  }
0x87: {  	v10 =	vadd.s32 v0, v9;
	_ =	sdelay $0x3  }
0x88: {  	[tilespmem:s21+$0x7D70] =	vst v8  }
0x89: {  	v8 =	vld.idx.msk [tilespmem:v10+s2+$0x0], $0xffff  }
0x8a: {  	v10 =	vadd.s32 v1, v9;
	_ =	sdelay $0x3  }
0x8b: {  	[tilespmem:s21+$0x7D80] =	vst v8  }
0x8c: {  	v8 =	vld.idx.msk [tilespmem:v10+s2+$0x0], $0xffff  }
0x8d: {  	v10 =	vadd.s32 v2, v9;
	_ =	sdelay $0x3  }
0x8e: {  	[tilespmem:s21+$0x7D90] =	vst v8  }
0x8f: {  	v8 =	vld.idx.msk [tilespmem:v10+s2+$0x0], $0xffff  }
0x90: {  	v10 =	vadd.s32 v3, v9;
	_ =	sdelay $0x3  }
0x91: {  	[tilespmem:s21+$0x7DA0] =	vst v8  }
0x92: {  	v8 =	vld.idx.msk [tilespmem:v10+s2+$0x0], $0xffff  }
0x93: {  	v10 =	vadd.s32 v4, v9;
	_ =	sdelay $0x3  }
0x94: {  	[tilespmem:s21+$0x7DB0] =	vst v8  }
0x95: {  	v8 =	vld.idx.msk [tilespmem:v10+s2+$0x0], $0xffff  }
0x96: {  	v10 =	vadd.s32 v5, v9;
	_ =	sdelay $0x3  }
0x97: {  	[tilespmem:s21+$0x7DC0] =	vst v8  }
0x98: {  	v8 =	vld.idx.msk [tilespmem:v10+s2+$0x0], $0xffff  }
0x99: {  	v10 =	vadd.s32 v6, v9;
	_ =	sdelay $0x3  }
0x9a: {  	[tilespmem:s21+$0x7DD0] =	vst v8  }
0x9b: {  	v8 =	vld.idx.msk [tilespmem:v10+s2+$0x0], $0xffff  }
0x9c: {  	v9 =	vadd.s32 v7, v9;
	_ =	sdelay $0x3  }
0x9d: {  	[tilespmem:s21+$0x7DE0] =	vst v8  }
0x9e: {  	v8 =	vld.idx.msk [tilespmem:v9+s2+$0x0], $0xffff;
	_ =	sdelay $0x3  }
0x9f: {  	s30 =	sshll.u32 s20, $0xD  }
0xa0: {  	s31 =	sadd.s32 $0x7D00, s21;
	s19 =	sor.u32 $0x8000, s30;
	[tilespmem:s21+$0x7DF0] =	vst v8  }
0xa1: {  	[tilespmem:s19], [sflag:$0x1] =	stream.indirect.gather [hbm4b:s3+s10], $0x20, s31, s10, $0xb8;
	[tilespmem:$0x12400] =	vst v63  }
.LBB2_4:
0xa2: {  	s19 =	smulhi.u32 $0xAAAAAAAB, s18;
	_ =	sdelay $0x1  }
0xa3: {  	_ =	swait.ge [sflag:s14], $0x2000;
	s19 =	sshrl.u32 s19, $0x1  }
0xa4: {  	p0 =	slt.u32 s18, $0x2;
	[sflag:s14] =	ssyncset.done $0x0;
	s19 =	smul.u32 $0xFFFE8000, s19  }
0xa5: {  	s20 =	simm.s32 @!p0 $0x2;
	[sflag:s14] =	ssyncadd.s32 $0xFFFFE000  }
0xa6: {  	_ =	swait.ge @!p0 [sflag:s20], $0x2000;
	s19 =	sshra.s32 s19, $0x2  }
0xa7: {  	[sflag:s20] =	ssyncset.done @!p0 $0x0;
	s23 =	sadd.s32 s19, s17  }
0xa8: {  	s31 =	sshll.u32 s18, $0x6;
	s21 =	sand.u32 $0x1, s18;
	[sflag:s20] =	ssyncadd.s32 @!p0 $0xFFFFE000;
	v8 =	vmov s23  }
0xa9: {  	s20 =	sand.u32 $0x3FFFFFC0, s31;
	p0 =	seq.s32 s21, $0x1;
	s21 =	simm.s32 $0x2200  }
0xaa: {  	v9 =	vld [tilespmem:s20+$0x6400];
	s21 =	simm.s32 @!p0 $0x0  }
0xab: {  	s22 =	simm.s32 $0x0;
	v10 =	vld [tilespmem:s20+$0x6410];
	s19 =	sadd.s32 $0xE000, s21;
	s23 =	simm.s32 $0x0  }
.LBB2_5:
0xac: {  	s24 =	sshra.s32 s22, $0x2  }
0xad: {  	v11 =	vld.idx.msk [tilespmem:v8+s24+$0x0 ss:$0x1], $0xffff;
	_ =	sdelay $0x1  }
0xae: {  	v12 =	vadd.s32 s23, v27;
	_ =	sdelay $0x2  }
0xaf: {  	v11 =	vadd.f32 v11, v9;
	_ =	sdelay $0x1  }
0xb0: {  	[tilespmem:v12+s19+$0x0] =	vst.idx.msk $0xffff, v11  }
0xb1: {  	v11 =	vld.idx.msk [tilespmem:v8+s24+$0x10 ss:$0x1], $0xffff;
	_ =	sdelay $0x1  }
0xb2: {  	v12 =	vadd.s32 s23, v33;
	_ =	sdelay $0x2  }
0xb3: {  	v11 =	vadd.f32 v11, v10;
	_ =	sdelay $0x1  }
0xb4: {  	[tilespmem:v12+s19+$0x0] =	vst.idx.msk $0xffff, v11  }
0xb5: {  	v11 =	vld.idx.msk [tilespmem:v8+s24+$0x20 ss:$0x1], $0xffff;
	_ =	sdelay $0x1  }
0xb6: {  	v12 =	vadd.s32 s23, v34;
	_ =	sdelay $0x2  }
0xb7: {  	v11 =	vadd.f32 v11, v9;
	_ =	sdelay $0x1  }
0xb8: {  	[tilespmem:v12+s19+$0x0] =	vst.idx.msk $0xffff, v11  }
0xb9: {  	v11 =	vld.idx.msk [tilespmem:v8+s24+$0x30 ss:$0x1], $0xffff;
	_ =	sdelay $0x1  }
0xba: {  	v12 =	vadd.s32 s23, v35;
	_ =	sdelay $0x2  }
0xbb: {  	v11 =	vadd.f32 v11, v10;
	_ =	sdelay $0x1  }
0xbc: {  	[tilespmem:v12+s19+$0x0] =	vst.idx.msk $0xffff, v11  }
0xbd: {  	v11 =	vld.idx.msk [tilespmem:v8+s24+$0x40 ss:$0x1], $0xffff;
	_ =	sdelay $0x1  }
0xbe: {  	v12 =	vadd.s32 s23, v36;
	_ =	sdelay $0x2  }
0xbf: {  	v11 =	vadd.f32 v11, v9;
	_ =	sdelay $0x1  }
0xc0: {  	[tilespmem:v12+s19+$0x0] =	vst.idx.msk $0xffff, v11  }
0xc1: {  	v11 =	vld.idx.msk [tilespmem:v8+s24+$0x50 ss:$0x1], $0xffff;
	_ =	sdelay $0x1  }
0xc2: {  	v12 =	vadd.s32 s23, v37;
	_ =	sdelay $0x2  }
0xc3: {  	v11 =	vadd.f32 v11, v10;
	_ =	sdelay $0x1  }
0xc4: {  	[tilespmem:v12+s19+$0x0] =	vst.idx.msk $0xffff, v11  }
0xc5: {  	v11 =	vld.idx.msk [tilespmem:v8+s24+$0x60 ss:$0x1], $0xffff;
	_ =	sdelay $0x1  }
0xc6: {  	v12 =	vadd.s32 s23, v38;
	_ =	sdelay $0x2  }
0xc7: {  	v11 =	vadd.f32 v11, v9;
	_ =	sdelay $0x1  }
0xc8: {  	[tilespmem:v12+s19+$0x0] =	vst.idx.msk $0xffff, v11  }
0xc9: {  	v11 =	vld.idx.msk [tilespmem:v8+s24+$0x70 ss:$0x1], $0xffff;
	_ =	sdelay $0x1  }
0xca: {  	v12 =	vadd.s32 s23, v39;
	_ =	sdelay $0x2  }
0xcb: {  	v11 =	vadd.f32 v11, v10;
	_ =	sdelay $0x1  }
0xcc: {  	[tilespmem:v12+s19+$0x0] =	vst.idx.msk $0xffff, v11  }
0xcd: {  	v11 =	vld.idx.msk [tilespmem:v8+s24+$0x80 ss:$0x1], $0xffff;
	_ =	sdelay $0x1  }
0xce: {  	v12 =	vadd.s32 s23, v40;
	_ =	sdelay $0x2  }
0xcf: {  	v11 =	vadd.f32 v11, v9;
	_ =	sdelay $0x1  }
0xd0: {  	[tilespmem:v12+s19+$0x0] =	vst.idx.msk $0xffff, v11  }
0xd1: {  	v11 =	vld.idx.msk [tilespmem:v8+s24+$0x90 ss:$0x1], $0xffff;
	_ =	sdelay $0x1  }
0xd2: {  	v12 =	vadd.s32 s23, v41;
	_ =	sdelay $0x2  }
0xd3: {  	v11 =	vadd.f32 v11, v10;
	_ =	sdelay $0x1  }
0xd4: {  	[tilespmem:v12+s19+$0x0] =	vst.idx.msk $0xffff, v11  }
0xd5: {  	v11 =	vld.idx.msk [tilespmem:v8+s24+$0xA0 ss:$0x1], $0xffff;
	_ =	sdelay $0x1  }
0xd6: {  	v12 =	vadd.s32 s23, v42;
	_ =	sdelay $0x2  }
0xd7: {  	v11 =	vadd.f32 v11, v9;
	_ =	sdelay $0x1  }
0xd8: {  	[tilespmem:v12+s19+$0x0] =	vst.idx.msk $0xffff, v11  }
0xd9: {  	v11 =	vld.idx.msk [tilespmem:v8+s24+$0xB0 ss:$0x1], $0xffff;
	_ =	sdelay $0x1  }
0xda: {  	v12 =	vadd.s32 s23, v43;
	_ =	sdelay $0x2  }
0xdb: {  	v11 =	vadd.f32 v11, v10;
	_ =	sdelay $0x1  }
0xdc: {  	[tilespmem:v12+s19+$0x0] =	vst.idx.msk $0xffff, v11  }
0xdd: {  	v11 =	vld.idx.msk [tilespmem:v8+s24+$0xC0 ss:$0x1], $0xffff;
	_ =	sdelay $0x1  }
0xde: {  	v12 =	vadd.s32 s23, v44;
	_ =	sdelay $0x2  }
0xdf: {  	v11 =	vadd.f32 v11, v9;
	_ =	sdelay $0x1  }
0xe0: {  	[tilespmem:v12+s19+$0x0] =	vst.idx.msk $0xffff, v11  }
0xe1: {  	v11 =	vld.idx.msk [tilespmem:v8+s24+$0xD0 ss:$0x1], $0xffff;
	_ =	sdelay $0x1  }
0xe2: {  	v12 =	vadd.s32 s23, v45;
	_ =	sdelay $0x2  }
0xe3: {  	v11 =	vadd.f32 v11, v10;
	_ =	sdelay $0x1  }
0xe4: {  	[tilespmem:v12+s19+$0x0] =	vst.idx.msk $0xffff, v11  }
0xe5: {  	v11 =	vld.idx.msk [tilespmem:v8+s24+$0xE0 ss:$0x1], $0xffff;
	_ =	sdelay $0x1  }
0xe6: {  	v12 =	vadd.s32 s23, v46;
	_ =	sdelay $0x2  }
0xe7: {  	v11 =	vadd.f32 v11, v9;
	_ =	sdelay $0x1  }
0xe8: {  	[tilespmem:v12+s19+$0x0] =	vst.idx.msk $0xffff, v11  }
0xe9: {  	v11 =	vld.idx.msk [tilespmem:v8+s24+$0xF0 ss:$0x1], $0xffff;
	_ =	sdelay $0x1  }
0xea: {  	v12 =	vadd.s32 s23, v47;
	_ =	sdelay $0x2  }
0xeb: {  	v11 =	vadd.f32 v11, v10;
	_ =	sdelay $0x1  }
0xec: {  	[tilespmem:v12+s19+$0x0] =	vst.idx.msk $0xffff, v11  }
0xed: {  	v11 =	vld.idx.msk [tilespmem:v8+s24+$0x100 ss:$0x1], $0xffff;
	_ =	sdelay $0x1  }
0xee: {  	v12 =	vadd.s32 s23, v48;
	_ =	sdelay $0x2  }
0xef: {  	v11 =	vadd.f32 v11, v9;
	_ =	sdelay $0x1  }
0xf0: {  	[tilespmem:v12+s19+$0x0] =	vst.idx.msk $0xffff, v11  }
0xf1: {  	v11 =	vld.idx.msk [tilespmem:v8+s24+$0x110 ss:$0x1], $0xffff;
	_ =	sdelay $0x1  }
0xf2: {  	v12 =	vadd.s32 s23, v49;
	_ =	sdelay $0x2  }
0xf3: {  	v11 =	vadd.f32 v11, v10;
	_ =	sdelay $0x1  }
0xf4: {  	[tilespmem:v12+s19+$0x0] =	vst.idx.msk $0xffff, v11  }
0xf5: {  	v11 =	vld.idx.msk [tilespmem:v8+s24+$0x120 ss:$0x1], $0xffff;
	_ =	sdelay $0x1  }
0xf6: {  	v12 =	vadd.s32 s23, v50;
	_ =	sdelay $0x2  }
0xf7: {  	v11 =	vadd.f32 v11, v9;
	_ =	sdelay $0x1  }
0xf8: {  	[tilespmem:v12+s19+$0x0] =	vst.idx.msk $0xffff, v11  }
0xf9: {  	v11 =	vld.idx.msk [tilespmem:v8+s24+$0x130 ss:$0x1], $0xffff;
	_ =	sdelay $0x1  }
0xfa: {  	v12 =	vadd.s32 s23, v51;
	_ =	sdelay $0x2  }
0xfb: {  	v11 =	vadd.f32 v11, v10;
	_ =	sdelay $0x1  }
0xfc: {  	[tilespmem:v12+s19+$0x0] =	vst.idx.msk $0xffff, v11  }
0xfd: {  	v11 =	vld.idx.msk [tilespmem:v8+s24+$0x140 ss:$0x1], $0xffff;
	_ =	sdelay $0x1  }
0xfe: {  	v12 =	vadd.s32 s23, v52;
	_ =	sdelay $0x2  }
0xff: {  	v11 =	vadd.f32 v11, v9;
	_ =	sdelay $0x1  }
0x100: {  	[tilespmem:v12+s19+$0x0] =	vst.idx.msk $0xffff, v11  }
0x101: {  	v11 =	vld.idx.msk [tilespmem:v8+s24+$0x150 ss:$0x1], $0xffff;
	_ =	sdelay $0x1  }
0x102: {  	v12 =	vadd.s32 s23, v53;
	_ =	sdelay $0x2  }
0x103: {  	v11 =	vadd.f32 v11, v10;
	_ =	sdelay $0x1  }
0x104: {  	[tilespmem:v12+s19+$0x0] =	vst.idx.msk $0xffff, v11  }
0x105: {  	v11 =	vld.idx.msk [tilespmem:v8+s24+$0x160 ss:$0x1], $0xffff;
	_ =	sdelay $0x1  }
0x106: {  	v12 =	vadd.s32 s23, v54;
	_ =	sdelay $0x2  }
0x107: {  	v11 =	vadd.f32 v11, v9;
	_ =	sdelay $0x1  }
0x108: {  	[tilespmem:v12+s19+$0x0] =	vst.idx.msk $0xffff, v11  }
0x109: {  	v11 =	vld.idx.msk [tilespmem:v8+s24+$0x170 ss:$0x1], $0xffff;
	_ =	sdelay $0x1  }
0x10a: {  	v12 =	vadd.s32 s23, v55;
	_ =	sdelay $0x2  }
0x10b: {  	v11 =	vadd.f32 v11, v10;
	_ =	sdelay $0x1  }
0x10c: {  	[tilespmem:v12+s19+$0x0] =	vst.idx.msk $0xffff, v11  }
0x10d: {  	v11 =	vld.idx.msk [tilespmem:v8+s24+$0x180 ss:$0x1], $0xffff;
	_ =	sdelay $0x1  }
0x10e: {  	v12 =	vadd.s32 s23, v56;
	_ =	sdelay $0x2  }
0x10f: {  	v11 =	vadd.f32 v11, v9;
	_ =	sdelay $0x1  }
0x110: {  	[tilespmem:v12+s19+$0x0] =	vst.idx.msk $0xffff, v11  }
0x111: {  	v11 =	vld.idx.msk [tilespmem:v8+s24+$0x190 ss:$0x1], $0xffff;
	_ =	sdelay $0x1  }
0x112: {  	v12 =	vadd.s32 s23, v57;
	_ =	sdelay $0x2  }
0x113: {  	v11 =	vadd.f32 v11, v10;
	_ =	sdelay $0x1  }
0x114: {  	[tilespmem:v12+s19+$0x0] =	vst.idx.msk $0xffff, v11  }
0x115: {  	v11 =	vld.idx.msk [tilespmem:v8+s24+$0x1A0 ss:$0x1], $0xffff;
	_ =	sdelay $0x1  }
0x116: {  	v12 =	vadd.s32 s23, v58;
	_ =	sdelay $0x2  }
0x117: {  	v11 =	vadd.f32 v11, v9;
	_ =	sdelay $0x1  }
0x118: {  	[tilespmem:v12+s19+$0x0] =	vst.idx.msk $0xffff, v11  }
0x119: {  	v11 =	vld.idx.msk [tilespmem:v8+s24+$0x1B0 ss:$0x1], $0xffff;
	_ =	sdelay $0x1  }
0x11a: {  	v12 =	vadd.s32 s23, v59;
	_ =	sdelay $0x2  }
0x11b: {  	v11 =	vadd.f32 v11, v10;
	_ =	sdelay $0x1  }
0x11c: {  	[tilespmem:v12+s19+$0x0] =	vst.idx.msk $0xffff, v11  }
0x11d: {  	v11 =	vld.idx.msk [tilespmem:v8+s24+$0x1C0 ss:$0x1], $0xffff;
	_ =	sdelay $0x1  }
0x11e: {  	v12 =	vadd.s32 s23, v60;
	_ =	sdelay $0x2  }
0x11f: {  	v11 =	vadd.f32 v11, v9;
	_ =	sdelay $0x1  }
0x120: {  	[tilespmem:v12+s19+$0x0] =	vst.idx.msk $0xffff, v11  }
0x121: {  	v11 =	vld.idx.msk [tilespmem:v8+s24+$0x1D0 ss:$0x1], $0xffff;
	_ =	sdelay $0x1  }
0x122: {  	v12 =	vadd.s32 s23, v61;
	_ =	sdelay $0x2  }
0x123: {  	v11 =	vadd.f32 v11, v10;
	_ =	sdelay $0x1  }
0x124: {  	[tilespmem:v12+s19+$0x0] =	vst.idx.msk $0xffff, v11  }
0x125: {  	v11 =	vld.idx.msk [tilespmem:v8+s24+$0x1E0 ss:$0x1], $0xffff;
	_ =	sdelay $0x1  }
0x126: {  	v12 =	vadd.s32 s23, v62;
	_ =	sdelay $0x2  }
0x127: {  	v11 =	vadd.f32 v11, v9;
	_ =	sdelay $0x1  }
0x128: {  	[tilespmem:v12+s19+$0x0] =	vst.idx.msk $0xffff, v11  }
0x129: {  	v11 =	vld.idx.msk [tilespmem:v8+s24+$0x1F0 ss:$0x1], $0xffff;
	_ =	sdelay $0x1  }
0x12a: {  	p0 =	sne.s32 s22, $0x3800;
	v12 =	vadd.s32 s23, v63  }
.Ltmp1:
0x12b: {  	_ = 	snop;
	(pc) =	sbr.rel @p0 .LBB2_5-.Ltmp1, $3  }
0x12c: {  	_ = 	snop  }
0x12d: {  	v11 =	vadd.f32 v11, v10;
	_ =	sdelay $0x1  }
0x12e: {  	s22 =	sadd.s32 $0x800, s22;
	s23 =	sadd.s32 $0x10, s23;
	[tilespmem:v12+s19+$0x0] =	vst.idx.msk $0xffff, v11  }
0x12f: {  	v9 =	vld [tilespmem:s20+$0x6420]  }
0x130: {  	v10 =	vld [tilespmem:s20+$0x6430];
	s20 =	sadd.s32 $0xF100, s21;
	s21 =	simm.s32 $0x0;
	s22 =	simm.s32 $0x0  }
.LBB2_7:
0x131: {  	s23 =	sshra.s32 s22, $0x2  }
0x132: {  	v11 =	vld.idx.msk [tilespmem:v8+s23+$0x1000 ss:$0x1], $0xffff;
	_ =	sdelay $0x1  }
0x133: {  	v12 =	vadd.s32 s21, v27;
	_ =	sdelay $0x2  }
0x134: {  	v11 =	vadd.f32 v11, v9;
	_ =	sdelay $0x1  }
0x135: {  	[tilespmem:v12+s20+$0x0] =	vst.idx.msk $0xffff, v11  }
0x136: {  	v11 =	vld.idx.msk [tilespmem:v8+s23+$0x1010 ss:$0x1], $0xffff;
	_ =	sdelay $0x1  }
0x137: {  	v12 =	vadd.s32 s21, v33;
	_ =	sdelay $0x2  }
0x138: {  	v11 =	vadd.f32 v11, v10;
	_ =	sdelay $0x1  }
0x139: {  	[tilespmem:v12+s20+$0x0] =	vst.idx.msk $0xffff, v11  }
0x13a: {  	v11 =	vld.idx.msk [tilespmem:v8+s23+$0x1020 ss:$0x1], $0xffff;
	_ =	sdelay $0x1  }
0x13b: {  	v12 =	vadd.s32 s21, v34;
	_ =	sdelay $0x2  }
0x13c: {  	v11 =	vadd.f32 v11, v9;
	_ =	sdelay $0x1  }
0x13d: {  	[tilespmem:v12+s20+$0x0] =	vst.idx.msk $0xffff, v11  }
0x13e: {  	v11 =	vld.idx.msk [tilespmem:v8+s23+$0x1030 ss:$0x1], $0xffff;
	_ =	sdelay $0x1  }
0x13f: {  	v12 =	vadd.s32 s21, v35;
	_ =	sdelay $0x2  }
0x140: {  	v11 =	vadd.f32 v11, v10;
	_ =	sdelay $0x1  }
0x141: {  	[tilespmem:v12+s20+$0x0] =	vst.idx.msk $0xffff, v11  }
0x142: {  	v11 =	vld.idx.msk [tilespmem:v8+s23+$0x1040 ss:$0x1], $0xffff;
	_ =	sdelay $0x1  }
0x143: {  	v12 =	vadd.s32 s21, v36;
	_ =	sdelay $0x2  }
0x144: {  	v11 =	vadd.f32 v11, v9;
	_ =	sdelay $0x1  }
0x145: {  	[tilespmem:v12+s20+$0x0] =	vst.idx.msk $0xffff, v11  }
0x146: {  	v11 =	vld.idx.msk [tilespmem:v8+s23+$0x1050 ss:$0x1], $0xffff;
	_ =	sdelay $0x1  }
0x147: {  	v12 =	vadd.s32 s21, v37;
	_ =	sdelay $0x2  }
0x148: {  	v11 =	vadd.f32 v11, v10;
	_ =	sdelay $0x1  }
0x149: {  	[tilespmem:v12+s20+$0x0] =	vst.idx.msk $0xffff, v11  }
0x14a: {  	v11 =	vld.idx.msk [tilespmem:v8+s23+$0x1060 ss:$0x1], $0xffff;
	_ =	sdelay $0x1  }
0x14b: {  	v12 =	vadd.s32 s21, v38;
	_ =	sdelay $0x2  }
0x14c: {  	v11 =	vadd.f32 v11, v9;
	_ =	sdelay $0x1  }
0x14d: {  	[tilespmem:v12+s20+$0x0] =	vst.idx.msk $0xffff, v11  }
0x14e: {  	v11 =	vld.idx.msk [tilespmem:v8+s23+$0x1070 ss:$0x1], $0xffff;
	_ =	sdelay $0x1  }
0x14f: {  	v12 =	vadd.s32 s21, v39;
	_ =	sdelay $0x2  }
0x150: {  	v11 =	vadd.f32 v11, v10;
	_ =	sdelay $0x1  }
0x151: {  	[tilespmem:v12+s20+$0x0] =	vst.idx.msk $0xffff, v11  }
0x152: {  	v11 =	vld.idx.msk [tilespmem:v8+s23+$0x1080 ss:$0x1], $0xffff;
	_ =	sdelay $0x1  }
0x153: {  	v12 =	vadd.s32 s21, v40;
	_ =	sdelay $0x2  }
0x154: {  	v11 =	vadd.f32 v11, v9;
	_ =	sdelay $0x1  }
0x155: {  	[tilespmem:v12+s20+$0x0] =	vst.idx.msk $0xffff, v11  }
0x156: {  	v11 =	vld.idx.msk [tilespmem:v8+s23+$0x1090 ss:$0x1], $0xffff;
	_ =	sdelay $0x1  }
0x157: {  	v12 =	vadd.s32 s21, v41;
	_ =	sdelay $0x2  }
0x158: {  	v11 =	vadd.f32 v11, v10;
	_ =	sdelay $0x1  }
0x159: {  	[tilespmem:v12+s20+$0x0] =	vst.idx.msk $0xffff, v11  }
0x15a: {  	v11 =	vld.idx.msk [tilespmem:v8+s23+$0x10A0 ss:$0x1], $0xffff;
	_ =	sdelay $0x1  }
0x15b: {  	v12 =	vadd.s32 s21, v42;
	_ =	sdelay $0x2  }
0x15c: {  	v11 =	vadd.f32 v11, v9;
	_ =	sdelay $0x1  }
0x15d: {  	[tilespmem:v12+s20+$0x0] =	vst.idx.msk $0xffff, v11  }
0x15e: {  	v11 =	vld.idx.msk [tilespmem:v8+s23+$0x10B0 ss:$0x1], $0xffff;
	_ =	sdelay $0x1  }
0x15f: {  	v12 =	vadd.s32 s21, v43;
	_ =	sdelay $0x2  }
0x160: {  	v11 =	vadd.f32 v11, v10;
	_ =	sdelay $0x1  }
0x161: {  	[tilespmem:v12+s20+$0x0] =	vst.idx.msk $0xffff, v11  }
0x162: {  	v11 =	vld.idx.msk [tilespmem:v8+s23+$0x10C0 ss:$0x1], $0xffff;
	_ =	sdelay $0x1  }
0x163: {  	v12 =	vadd.s32 s21, v44;
	_ =	sdelay $0x2  }
0x164: {  	v11 =	vadd.f32 v11, v9;
	_ =	sdelay $0x1  }
0x165: {  	[tilespmem:v12+s20+$0x0] =	vst.idx.msk $0xffff, v11  }
0x166: {  	v11 =	vld.idx.msk [tilespmem:v8+s23+$0x10D0 ss:$0x1], $0xffff;
	_ =	sdelay $0x1  }
0x167: {  	v12 =	vadd.s32 s21, v45;
	_ =	sdelay $0x2  }
0x168: {  	v11 =	vadd.f32 v11, v10;
	_ =	sdelay $0x1  }
0x169: {  	[tilespmem:v12+s20+$0x0] =	vst.idx.msk $0xffff, v11  }
0x16a: {  	v11 =	vld.idx.msk [tilespmem:v8+s23+$0x10E0 ss:$0x1], $0xffff;
	_ =	sdelay $0x1  }
0x16b: {  	v12 =	vadd.s32 s21, v46;
	_ =	sdelay $0x2  }
0x16c: {  	v11 =	vadd.f32 v11, v9;
	_ =	sdelay $0x1  }
0x16d: {  	[tilespmem:v12+s20+$0x0] =	vst.idx.msk $0xffff, v11  }
0x16e: {  	v11 =	vld.idx.msk [tilespmem:v8+s23+$0x10F0 ss:$0x1], $0xffff;
	_ =	sdelay $0x1  }
0x16f: {  	v12 =	vadd.s32 s21, v47;
	_ =	sdelay $0x2  }
0x170: {  	v11 =	vadd.f32 v11, v10;
	_ =	sdelay $0x1  }
0x171: {  	[tilespmem:v12+s20+$0x0] =	vst.idx.msk $0xffff, v11  }
0x172: {  	v11 =	vld.idx.msk [tilespmem:v8+s23+$0x1100 ss:$0x1], $0xffff;
	_ =	sdelay $0x1  }
0x173: {  	v12 =	vadd.s32 s21, v48;
	_ =	sdelay $0x2  }
0x174: {  	v11 =	vadd.f32 v11, v9;
	_ =	sdelay $0x1  }
0x175: {  	[tilespmem:v12+s20+$0x0] =	vst.idx.msk $0xffff, v11  }
0x176: {  	v11 =	vld.idx.msk [tilespmem:v8+s23+$0x1110 ss:$0x1], $0xffff;
	_ =	sdelay $0x1  }
0x177: {  	v12 =	vadd.s32 s21, v49;
	_ =	sdelay $0x2  }
0x178: {  	v11 =	vadd.f32 v11, v10;
	_ =	sdelay $0x1  }
0x179: {  	[tilespmem:v12+s20+$0x0] =	vst.idx.msk $0xffff, v11  }
0x17a: {  	v11 =	vld.idx.msk [tilespmem:v8+s23+$0x1120 ss:$0x1], $0xffff;
	_ =	sdelay $0x1  }
0x17b: {  	v12 =	vadd.s32 s21, v50;
	_ =	sdelay $0x2  }
0x17c: {  	v11 =	vadd.f32 v11, v9;
	_ =	sdelay $0x1  }
0x17d: {  	[tilespmem:v12+s20+$0x0] =	vst.idx.msk $0xffff, v11  }
0x17e: {  	v11 =	vld.idx.msk [tilespmem:v8+s23+$0x1130 ss:$0x1], $0xffff;
	_ =	sdelay $0x1  }
0x17f: {  	v12 =	vadd.s32 s21, v51;
	_ =	sdelay $0x2  }
0x180: {  	v11 =	vadd.f32 v11, v10;
	_ =	sdelay $0x1  }
0x181: {  	[tilespmem:v12+s20+$0x0] =	vst.idx.msk $0xffff, v11  }
0x182: {  	v11 =	vld.idx.msk [tilespmem:v8+s23+$0x1140 ss:$0x1], $0xffff;
	_ =	sdelay $0x1  }
0x183: {  	v12 =	vadd.s32 s21, v52;
	_ =	sdelay $0x2  }
0x184: {  	v11 =	vadd.f32 v11, v9;
	_ =	sdelay $0x1  }
0x185: {  	[tilespmem:v12+s20+$0x0] =	vst.idx.msk $0xffff, v11  }
0x186: {  	v11 =	vld.idx.msk [tilespmem:v8+s23+$0x1150 ss:$0x1], $0xffff;
	_ =	sdelay $0x1  }
0x187: {  	v12 =	vadd.s32 s21, v53;
	_ =	sdelay $0x2  }
0x188: {  	v11 =	vadd.f32 v11, v10;
	_ =	sdelay $0x1  }
0x189: {  	[tilespmem:v12+s20+$0x0] =	vst.idx.msk $0xffff, v11  }
0x18a: {  	v11 =	vld.idx.msk [tilespmem:v8+s23+$0x1160 ss:$0x1], $0xffff;
	_ =	sdelay $0x1  }
0x18b: {  	v12 =	vadd.s32 s21, v54;
	_ =	sdelay $0x2  }
0x18c: {  	v11 =	vadd.f32 v11, v9;
	_ =	sdelay $0x1  }
0x18d: {  	[tilespmem:v12+s20+$0x0] =	vst.idx.msk $0xffff, v11  }
0x18e: {  	v11 =	vld.idx.msk [tilespmem:v8+s23+$0x1170 ss:$0x1], $0xffff;
	_ =	sdelay $0x1  }
0x18f: {  	v12 =	vadd.s32 s21, v55;
	_ =	sdelay $0x2  }
0x190: {  	v11 =	vadd.f32 v11, v10;
	_ =	sdelay $0x1  }
0x191: {  	[tilespmem:v12+s20+$0x0] =	vst.idx.msk $0xffff, v11  }
0x192: {  	v11 =	vld.idx.msk [tilespmem:v8+s23+$0x1180 ss:$0x1], $0xffff;
	_ =	sdelay $0x1  }
0x193: {  	v12 =	vadd.s32 s21, v56;
	_ =	sdelay $0x2  }
0x194: {  	v11 =	vadd.f32 v11, v9;
	_ =	sdelay $0x1  }
0x195: {  	[tilespmem:v12+s20+$0x0] =	vst.idx.msk $0xffff, v11  }
0x196: {  	v11 =	vld.idx.msk [tilespmem:v8+s23+$0x1190 ss:$0x1], $0xffff;
	_ =	sdelay $0x1  }
0x197: {  	v12 =	vadd.s32 s21, v57;
	_ =	sdelay $0x2  }
0x198: {  	v11 =	vadd.f32 v11, v10;
	_ =	sdelay $0x1  }
0x199: {  	[tilespmem:v12+s20+$0x0] =	vst.idx.msk $0xffff, v11  }
0x19a: {  	v11 =	vld.idx.msk [tilespmem:v8+s23+$0x11A0 ss:$0x1], $0xffff;
	_ =	sdelay $0x1  }
0x19b: {  	v12 =	vadd.s32 s21, v58;
	_ =	sdelay $0x2  }
0x19c: {  	v11 =	vadd.f32 v11, v9;
	_ =	sdelay $0x1  }
0x19d: {  	[tilespmem:v12+s20+$0x0] =	vst.idx.msk $0xffff, v11  }
0x19e: {  	v11 =	vld.idx.msk [tilespmem:v8+s23+$0x11B0 ss:$0x1], $0xffff;
	_ =	sdelay $0x1  }
0x19f: {  	v12 =	vadd.s32 s21, v59;
	_ =	sdelay $0x2  }
0x1a0: {  	v11 =	vadd.f32 v11, v10;
	_ =	sdelay $0x1  }
0x1a1: {  	[tilespmem:v12+s20+$0x0] =	vst.idx.msk $0xffff, v11  }
0x1a2: {  	v11 =	vld.idx.msk [tilespmem:v8+s23+$0x11C0 ss:$0x1], $0xffff;
	_ =	sdelay $0x1  }
0x1a3: {  	v12 =	vadd.s32 s21, v60;
	_ =	sdelay $0x2  }
0x1a4: {  	v11 =	vadd.f32 v11, v9;
	_ =	sdelay $0x1  }
0x1a5: {  	[tilespmem:v12+s20+$0x0] =	vst.idx.msk $0xffff, v11  }
0x1a6: {  	v11 =	vld.idx.msk [tilespmem:v8+s23+$0x11D0 ss:$0x1], $0xffff;
	_ =	sdelay $0x1  }
0x1a7: {  	v12 =	vadd.s32 s21, v61;
	_ =	sdelay $0x2  }
0x1a8: {  	v11 =	vadd.f32 v11, v10;
	_ =	sdelay $0x1  }
0x1a9: {  	[tilespmem:v12+s20+$0x0] =	vst.idx.msk $0xffff, v11  }
0x1aa: {  	v11 =	vld.idx.msk [tilespmem:v8+s23+$0x11E0 ss:$0x1], $0xffff;
	_ =	sdelay $0x1  }
0x1ab: {  	v12 =	vadd.s32 s21, v62;
	_ =	sdelay $0x2  }
0x1ac: {  	v11 =	vadd.f32 v11, v9;
	_ =	sdelay $0x1  }
0x1ad: {  	[tilespmem:v12+s20+$0x0] =	vst.idx.msk $0xffff, v11  }
0x1ae: {  	v11 =	vld.idx.msk [tilespmem:v8+s23+$0x11F0 ss:$0x1], $0xffff;
	_ =	sdelay $0x1  }
0x1af: {  	p0 =	sne.s32 s22, $0x3800;
	v12 =	vadd.s32 s21, v63  }
.Ltmp2:
0x1b0: {  	_ = 	snop;
	(pc) =	sbr.rel @p0 .LBB2_7-.Ltmp2, $3  }
0x1b1: {  	_ = 	snop  }
0x1b2: {  	v11 =	vadd.f32 v11, v10;
	_ =	sdelay $0x1  }
0x1b3: {  	s22 =	sadd.s32 $0x800, s22;
	s21 =	sadd.s32 $0x10, s21;
	[tilespmem:v12+s20+$0x0] =	vst.idx.msk $0xffff, v11  }
0x1b4: {  	s20 =	sshll.u32 s18, $0xF  }
0x1b5: {  	s23 =	sadd.s32 $0x0, s19;
	s20 =	sadd.s32 s20, s6  }
0x1b6: {  	[hbm4b:s20+s2] =	stream.linear.scatter [tilespmem:s23], [sflag:$0x2], $0x80, $0x38;
	[tilespmem:$0x12400] =	vst v63  }
0x1b7: {  	s21 =	sadd.s32 $0x88, s23;
	s22 =	sadd.s32 $0x10, s20  }
0x1b8: {  	[hbm4b:s22+s2] =	stream.linear.scatter [tilespmem:s21], [sflag:$0x2], $0x80, $0x38;
	[tilespmem:$0x12400] =	vst v63  }
0x1b9: {  	s30 =	sadd.s32 $0x110, s23;
	s25 =	sadd.s32 $0x220, s23;
	s31 =	sadd.s32 $0x20, s20  }
0x1ba: {  	[hbm4b:s31+s2] =	stream.linear.scatter [tilespmem:s30], [sflag:$0x2], $0x80, $0x38;
	[tilespmem:$0x12400] =	vst v63  }
0x1bb: {  	s28 =	sadd.s32 $0x2A8, s23;
	s24 =	sadd.s32 $0x30, s20;
	s22 =	sadd.s32 $0x198, s23  }
0x1bc: {  	[hbm4b:s24+s2] =	stream.linear.scatter [tilespmem:s22], [sflag:$0x2], $0x80, $0x38;
	[tilespmem:$0x12400] =	vst v63  }
0x1bd: {  	s26 =	sadd.s32 $0x40, s20;
	s29 =	sadd.s32 $0x50, s20;
	s21 =	simm.s32 $0x440  }
0x1be: {  	[hbm4b:s26+s2] =	stream.linear.scatter [tilespmem:s25], [sflag:$0x2], $0x80, $0x38;
	[tilespmem:$0x12400] =	vst v63  }
0x1bf: {  	s30 =	sadd.s32 $0x330, s23;
	s31 =	sadd.s32 $0x60, s20;
	s23 =	sadd.s32 $0x3B8, s23  }
0x1c0: {  	[hbm4b:s29+s2] =	stream.linear.scatter [tilespmem:s28], [sflag:$0x2], $0x80, $0x38;
	[tilespmem:$0x12400] =	vst v63  }
0x1c1: {  	s22 =	simm.s32 $0x2200;
	s24 =	sadd.s32 $0x70, s20;
	s20 =	sadd.s32 $0x1000, s20  }
0x1c2: {  	[hbm4b:s31+s2] =	stream.linear.scatter [tilespmem:s30], [sflag:$0x2], $0x80, $0x38;
	[tilespmem:$0x12400] =	vst v63  }
.LBB2_9:
0x1c3: {  	[hbm4b:s24+s2] =	stream.linear.scatter [tilespmem:s23], [sflag:$0x2], $0x80, $0x38;
	[tilespmem:$0x12400] =	vst v63  }
0x1c4: {  	s23 =	smov.u32 s22  }
0x1c5: {  	s25 =	sadd.s32 $0x1100, s22;
	s24 =	sadd.s32 s21, s19;
	s21 =	sshra.s32 s23, $0x2  }
0x1c6: {  	[hbm4b:s20+s2] =	stream.linear.scatter [tilespmem:s24], [sflag:$0x2], $0x80, $0x38;
	[tilespmem:$0x12400] =	vst v63  }
0x1c7: {  	p0 =	sne.s32 s22, $0x7700;
	s22 =	sadd.s32 $0x88, s24;
	s23 =	sadd.s32 $0x10, s20  }
0x1c8: {  	[hbm4b:s23+s2] =	stream.linear.scatter [tilespmem:s22], [sflag:$0x2], $0x80, $0x38;
	[tilespmem:$0x12400] =	vst v63  }
0x1c9: {  	s22 =	sadd.s32 $0x110, s24;
	s23 =	sadd.s32 $0x20, s20  }
0x1ca: {  	[hbm4b:s23+s2] =	stream.linear.scatter [tilespmem:s22], [sflag:$0x2], $0x80, $0x38;
	[tilespmem:$0x12400] =	vst v63  }
0x1cb: {  	s22 =	sadd.s32 $0x198, s24;
	s23 =	sadd.s32 $0x30, s20  }
0x1cc: {  	[hbm4b:s23+s2] =	stream.linear.scatter [tilespmem:s22], [sflag:$0x2], $0x80, $0x38;
	[tilespmem:$0x12400] =	vst v63  }
0x1cd: {  	s22 =	sadd.s32 $0x220, s24;
	s23 =	sadd.s32 $0x40, s20  }
0x1ce: {  	[hbm4b:s23+s2] =	stream.linear.scatter [tilespmem:s22], [sflag:$0x2], $0x80, $0x38;
	[tilespmem:$0x12400] =	vst v63  }
0x1cf: {  	s22 =	sadd.s32 $0x2A8, s24;
	s23 =	sadd.s32 $0x50, s20  }
0x1d0: {  	[hbm4b:s23+s2] =	stream.linear.scatter [tilespmem:s22], [sflag:$0x2], $0x80, $0x38;
	[tilespmem:$0x12400] =	vst v63  }
.Ltmp3:
0x1d1: {  	_ = 	snop;
	(pc) =	sbr.rel @p0 .LBB2_9-.Ltmp3, $4  }
0x1d2: {  	s22 =	sadd.s32 $0x330, s24;
	s23 =	sadd.s32 $0x60, s20  }
0x1d3: {  	[hbm4b:s23+s2] =	stream.linear.scatter [tilespmem:s22], [sflag:$0x2], $0x80, $0x38;
	[tilespmem:$0x12400] =	vst v63  }
0x1d4: {  	s23 =	sadd.s32 $0x3B8, s24  }
0x1d5: {  	s24 =	sadd.s32 $0x70, s20;
	s20 =	sadd.s32 $0x1000, s20;
	s22 =	smov.u32 s25  }
0x1d6: {  	[hbm4b:s24+s2] =	stream.linear.scatter [tilespmem:s23], [sflag:$0x2], $0x80, $0x38;
	[tilespmem:$0x12400] =	vst v63  }
0x1d7: {  	s19 =	sadd.s32 s21, s19  }
0x1d8: {  	[hbm4b:s20+s2] =	stream.linear.scatter [tilespmem:s19], [sflag:$0x2], $0x80, $0x38;
	[tilespmem:$0x12400] =	vst v63  }
0x1d9: {  	s22 =	sadd.s32 $0x10, s20;
	s21 =	sadd.s32 $0x88, s19  }
0x1da: {  	[hbm4b:s22+s2] =	stream.linear.scatter [tilespmem:s21], [sflag:$0x2], $0x80, $0x38;
	[tilespmem:$0x12400] =	vst v63  }
0x1db: {  	s31 =	sadd.s32 $0x20, s20;
	s30 =	sadd.s32 $0x110, s19  }
0x1dc: {  	[hbm4b:s31+s2] =	stream.linear.scatter [tilespmem:s30], [sflag:$0x2], $0x80, $0x38;
	[tilespmem:$0x12400] =	vst v63  }
0x1dd: {  	s23 =	sadd.s32 $0x30, s20;
	s22 =	sadd.s32 $0x198, s19  }
0x1de: {  	[hbm4b:s23+s2] =	stream.linear.scatter [tilespmem:s22], [sflag:$0x2], $0x80, $0x38;
	[tilespmem:$0x12400] =	vst v63  }
0x1df: {  	s25 =	sadd.s32 $0x40, s20;
	s18 =	sadd.s32 $0x1, s18;
	s24 =	sadd.s32 $0x220, s19  }
0x1e0: {  	[hbm4b:s25+s2] =	stream.linear.scatter [tilespmem:s24], [sflag:$0x2], $0x80, $0x38;
	[tilespmem:$0x12400] =	vst v63  }
0x1e1: {  	s28 =	sadd.s32 $0x50, s20;
	s26 =	sadd.s32 $0x2A8, s19;
	p0 =	sne.s32 s18, $0x64  }
0x1e2: {  	[hbm4b:s28+s2] =	stream.linear.scatter [tilespmem:s26], [sflag:$0x2], $0x80, $0x38;
	[tilespmem:$0x12400] =	vst v63  }
.Ltmp4:
0x1e3: {  	_ = 	snop;
	(pc) =	sbr.rel @p0 .LBB2_2-.Ltmp4, $4  }
0x1e4: {  	s29 =	sadd.s32 $0x330, s19;
	s30 =	sadd.s32 $0x60, s20  }
0x1e5: {  	[hbm4b:s30+s2] =	stream.linear.scatter [tilespmem:s29], [sflag:$0x2], $0x80, $0x38;
	[tilespmem:$0x12400] =	vst v63  }
0x1e6: {  	s17 =	sadd.s32 $0x2000, s17;
	s19 =	sadd.s32 $0x3B8, s19;
	s31 =	sadd.s32 $0x70, s20  }
0x1e7: {  	[hbm4b:s31+s2] =	stream.linear.scatter [tilespmem:s19], [sflag:$0x2], $0x80, $0x38;
	[tilespmem:$0x12400] =	vst v63  }
0x1e8: {  	s16 =	sadd.s32 $0x1, s16  }
0x1e9: {  	_ =	swait.ge [sflag:s15], $0x2000;
	p0 =	sne.s32 s16, s7  }
.Ltmp5:
0x1ea: {  	[sflag:s15] =	ssyncset.done $0x0;
	(pc) =	sbr.rel @p0 .LBB2_1-.Ltmp5, $4  }
0x1eb: {  	[sflag:s15] =	ssyncadd.s32 $0xFFFFE000  }
0x1ec: {  	_ =	swait.ge [sflag:s15], $0x2000  }
0x1ed: {  	[sflag:s15] =	ssyncset.done $0x0  }
0x1ee: {  	[sflag:s15] =	ssyncadd.s32 $0xFFFFE000  }
0x1ef: {  	_ =	sfence.sel $0x180000  }
0x1f0: {  	[bflag:$0x0] =	sbarrier.arrive $0xFFFF  }
0x1f1: {  	p0 =	sne.s32 s0, $0x0;
	_ =	strace $0x90000047  }
0x1f2: {  	s0 =	sadd.s32 @!p0 $0x100000, s1;
	[bflag:$0x2] =	sbarrier.arrive $0xFFFF  }
0x1f3: {  	[sflag:s0] =	ssyncadd.tile.s32 @!p0 $0x1;
	_ =	shalt  }
.Lfunc_end2:
_tile_overlayer_lowered:
.L_overlay_start_2:
0x1f4: {  	(tag) =	ssettag $0x2  }
0x1f5: {  	s0 =	rddreg [dreg:$0x0];
	s2 =	stileid.u32  }
0x1f6: {  	s1 =	rddreg [dreg:$0x1];
	p0 =	sne.s32 s2, $0x0  }
0x1f7: {  	s3 =	rddreg [dreg:$0x2];
	[bflag:$0x3] =	sbarrier.arrive $0xFFFF;
	s2 =	simm.s32 @!p0 $0x1C03  }
0x1f8: {  	[timem:s3], [sflag:s2] =	dma.local @!p0 [hbm:s0], s1  }
0x1f9: {  	s0 =	simm.s32 @!p0 $0x3  }
0x1fa: {  	_ =	swait.ge @!p0 [sflag:s0], s1  }
0x1fb: {  	s1 =	ssub.s32 @!p0 $0x0, s1;
	[sflag:s0] =	ssyncset.done @!p0 $0x0  }
0x1fc: {  	[sflag:s0] =	ssyncadd.s32 @!p0 s1  }
0x1fd: {  	[bflag:$0x3] =	sbarrier.arrive $0xFFFF  }
0x1fe: {  	_ =	shalt  }

</sc_bundles>
